<compile_context>
chip_gen: v7x
topology: tpu7x:2x2x1
jax: 0.10.2.dev20260603
libtpu: 0.0.44.dev20260713+nightly
codegen_flags: <defaults>
</compile_context>

<pallas_src>
import functools

import jax
import jax.numpy as jnp
from jax import lax
from jax.experimental import pallas as pl
from jax.experimental.pallas import tpu as pltpu
from jax.experimental.pallas import tpu_sc as plsc

B = 16384
N = 200
D = 128
V = 400
L = 16
K = 128
NBUF = 4

_info = plsc.get_sparse_core_info()
NC, NS = _info.num_cores, _info.num_subcores
NW = NC * NS
B_PER_W = B // NW
HB = 64
HG = B_PER_W // HB
ROWS_H = HB * N
STEPS = ROWS_H // K
SPR = 4

_mesh = plsc.VectorSubcoreMesh(core_axis_name="c", subcore_axis_name="s")


@functools.partial(
    pl.kernel,
    mesh=_mesh,
    out_type=jax.ShapeDtypeStruct((B * N, D), jnp.float32),
    scratch_types=[
        pltpu.VMEM((N * 2 * HB,), jnp.int32),
        pltpu.VMEM((2 * HB * N,), jnp.int32),
        pltpu.VMEM((NBUF, K, D), jnp.float32),
        pltpu.VMEM_SHARED((V, D), jnp.float32),
        pltpu.SemaphoreType.DMA,
        (pltpu.SemaphoreType.DMA,) * NBUF,
        (pltpu.SemaphoreType.DMA,) * NBUF,
    ],
    compiler_params=pltpu.CompilerParams(needs_layout_passes=False),
)
def _sc_embed(xy_hbm, emb_hbm, out_hbm, xy_s, idxbuf, rbuf, emb_sh,
              sem_x, gsems, ssems):
    wid = lax.axis_index("s") * NC + lax.axis_index("c")
    iota = jnp.arange(L, dtype=jnp.int32)
    lane_base = iota * N

    @pl.when(lax.axis_index("s") == 0)
    def _stage_table():
        pltpu.sync_copy(emb_hbm, emb_sh)

    plsc.subcore_barrier()

    def stage_one(h, o):
        bt = wid * 4 + h // 2
        bl0 = (h % 2) * HB
        n = o // 2
        c = o % 2
        pltpu.async_copy(
            xy_hbm.at[pl.ds(n * (128 * 256) + bt * 256 + c * 128 + bl0, HB)],
            xy_s.at[pl.ds(n * (2 * HB) + c * HB, HB)], sem_x)

    def stage_wait():
        pltpu.make_async_copy(xy_hbm.at[pl.ds(0, HB)],
                              xy_s.at[pl.ds(0, HB)], sem_x).wait()

    def stage0(o, _):
        stage_one(0, o)

        @pl.when(o >= 16)
        def _w():
            stage_wait()
        return 0

    lax.fori_loop(0, 2 * N, stage0, 0)

    def stage0_drain(i, _):
        stage_wait()
        return 0

    lax.fori_loop(0, 16, stage0_drain, 0)

    def build_n(n, dst_off):
        base = n * (2 * HB)
        for h8 in range(HB // L):
            x16 = xy_s[pl.ds(base + h8 * L, L)]
            y16 = xy_s[pl.ds(base + HB + h8 * L, L)]
            plsc.store_scatter(idxbuf,
                               [lane_base + (h8 * L * N + n) + dst_off],
                               x16 * 20 + y16)

    def ib0(n, _):
        build_n(n, 0)
        return 0

    lax.fori_loop(0, N, ib0, 0)

    def half_body(h, _):
        pb = h % 2
        g_off = pb * ROWS_H
        b_off = (1 - pb) * ROWS_H

        bt = wid * 4 + h // 2
        r0 = (bt * 128 + (h % 2) * HB) * N

        def gather(s, t):
            pltpu.async_copy(
                emb_sh.at[idxbuf.at[pl.ds(g_off + s * K, K)]],
                rbuf.at[t], gsems[t])

        for t in range(NBUF - 1):
            gather(t, t)

        def rounds(s4, _):
            for t in range(NBUF):
                s = s4 * NBUF + t
                @pl.when(h < HG - 1)
                def _stage():
                    @pl.when(s > 0)
                    def _sw():
                        for _ in range(SPR):
                            stage_wait()
                        build_n(2 * s - 2, b_off)
                        build_n(2 * s - 1, b_off)
                    for q in range(SPR):
                        stage_one(h + 1, s * SPR + q)
                u = (t + NBUF - 1) % NBUF
                if t == 0:
                    @pl.when(s4 > 0)
                    def _re0():
                        pltpu.make_async_copy(rbuf.at[u],
                                              out_hbm.at[pl.ds(0, K)],
                                              ssems[u]).wait()
                    gather(s + NBUF - 1, u)
                else:
                    @pl.when(s4 < STEPS // NBUF - 1)
                    def _re():
                        pltpu.make_async_copy(rbuf.at[u],
                                              out_hbm.at[pl.ds(0, K)],
                                              ssems[u]).wait()
                        gather(s + NBUF - 1, u)
                pltpu.make_async_copy(emb_hbm.at[pl.ds(0, K)],
                                      rbuf.at[t], gsems[t]).wait()
                pltpu.async_copy(rbuf.at[t],
                                 out_hbm.at[pl.ds(r0 + s * K, K)], ssems[t])
            return 0

        lax.fori_loop(0, STEPS // NBUF, rounds, 0)

        for t in range(NBUF):
            pltpu.make_async_copy(rbuf.at[t], out_hbm.at[pl.ds(0, K)],
                                  ssems[t]).wait()

        @pl.when(h < HG - 1)
        def _sdrain():
            for _ in range(SPR):
                stage_wait()
            build_n(N - 2, b_off)
            build_n(N - 1, b_off)
        return 0

    lax.fori_loop(0, HG, half_body, 0)


def kernel(xy, embedding):
    xyf = (xy.transpose(1, 0, 2)
             .reshape(N, 128, 128, 2)
             .transpose(0, 1, 3, 2)
             .reshape(-1))
    out = _sc_embed(xyf, embedding)
    return out.reshape(B, N, D).transpose(0, 2, 1)

# --- scband reference (transcript-rebuilt; emitter-appended) ---
"""Pipeline reference for scband-position-embedding-learned-16381005267342 (READ-ONLY COPY).

The authoritative reference and input builder live on the scoring server;
editing this copy changes nothing except your own understanding.
"""

import jax, jax.numpy as jnp
import numpy as np

X_SIZE = 20
Y_SIZE = 20
D_MODEL = 128


def setup_inputs(seed: int = 0) -> dict:
    key = jax.random.key(seed)
    k1, k2 = jax.random.split(key)
    xy = jax.random.randint(k1, (16384, 200, 2), 0, 20, dtype=jnp.int32)
    embedding = jax.random.normal(k2, (X_SIZE * Y_SIZE, D_MODEL), dtype=jnp.float32)
    return {"xy": xy, "embedding": embedding}


def reference(xy, embedding):
    x = xy[..., 0]
    y = xy[..., 1]
    # dead-code in original module, kept for faithfulness
    positions = (jnp.arange(X_SIZE)[:, None] * Y_SIZE + jnp.arange(Y_SIZE)[None, :]).reshape(-1)
    indices = x * Y_SIZE + y
    positional_embeddings = jnp.take(embedding, indices, axis=0)  # [B, N, d_model]
    positional_embeddings = jnp.transpose(positional_embeddings, (0, 2, 1))  # [B, d_model, N]
    return positional_embeddings

if __name__ == "__main__":
    import jax
    _d = setup_inputs()
    print(jax.jit(kernel)(*tuple(_d.values())))

</pallas_src>

<mosaic_0001>
#map = affine_map<(d0, d1) -> (0)>
#map1 = affine_map<(d0, d1) -> (0, 0)>
module attributes {stable_mosaic.version = 14 : i64} {
  func.func @_sc_embed(%arg0: i32, %arg1: i32, %arg2: memref<6553600xi32, #tpu.memory_space<hbm>>, %arg3: memref<400x128xf32, #tpu.memory_space<hbm>>, %arg4: memref<3276800x128xf32, #tpu.memory_space<hbm>>, %arg5: memref<25600xi32, #tpu.memory_space<vmem>>, %arg6: memref<25600xi32, #tpu.memory_space<vmem>>, %arg7: memref<4x128x128xf32, #tpu.memory_space<vmem>>, %arg8: memref<400x128xf32, #tpu.memory_space<vmem_shared>>, %arg9: memref<!tpu.dma_semaphore, #tpu.memory_space<semaphore_mem>>, %arg10: memref<!tpu.dma_semaphore, #tpu.memory_space<semaphore_mem>>, %arg11: memref<!tpu.dma_semaphore, #tpu.memory_space<semaphore_mem>>, %arg12: memref<!tpu.dma_semaphore, #tpu.memory_space<semaphore_mem>>, %arg13: memref<!tpu.dma_semaphore, #tpu.memory_space<semaphore_mem>>, %arg14: memref<!tpu.dma_semaphore, #tpu.memory_space<semaphore_mem>>, %arg15: memref<!tpu.dma_semaphore, #tpu.memory_space<semaphore_mem>>, %arg16: memref<!tpu.dma_semaphore, #tpu.memory_space<semaphore_mem>>, %arg17: memref<!tpu.dma_semaphore, #tpu.memory_space<semaphore_mem>>) attributes {dimension_semantics = [#tpu.dimension_semantics<core_parallel>, #tpu.dimension_semantics<subcore_parallel>], iteration_bounds = array<i64: 2, 16>, scalar_prefetch = 0 : i64, scratch_operands = 13 : i64, tpu.core_type = #tpu.core_type<sc_vector_subcore>, window_params = [{transform_indices = #map}, {transform_indices = #map1}, {transform_indices = #map1}]} {
    %mul3A = arith.constant 2 : i32
    %mul3A_0 = arith.muli %arg1, %mul3A : i32
    %add3A = arith.addi %mul3A_0, %arg0 : i32
    %iota3A = tpu.iota {dimensions = array<i32: 0>} : vector<16xi32>
    %mul3A_1 = arith.constant 200 : i32
    %mul3A_2 = vector.broadcast %mul3A_1 : i32 to vector<16xi32>
    %mul3A_3 = arith.muli %iota3A, %mul3A_2 : vector<16xi32>
    %eq3A = arith.constant 0 : i32
    %eq3A_4 = arith.cmpi eq, %arg1, %eq3A : i32
    %convert_element_type3A = arith.extui %eq3A_4 : i1 to i32
    %cond3A = arith.constant 0 : i32
    %cond3A_5 = arith.cmpi ne, %convert_element_type3A, %cond3A : i32
    scf.if %cond3A_5 {
      "tpu.region"() ({
        %run_scoped3A = tpu.sem_alloc : memref<!tpu.dma_semaphore, #tpu.memory_space<semaphore_mem>>
        tpu.enqueue_dma source(%arg3 : memref<400x128xf32, #tpu.memory_space<hbm>>) target(%arg8 : memref<400x128xf32, #tpu.memory_space<vmem_shared>>) target_semaphore(%run_scoped3A : memref<!tpu.dma_semaphore, #tpu.memory_space<semaphore_mem>>)
        tpu.wait_dma2 semaphore(%run_scoped3A : memref<!tpu.dma_semaphore, #tpu.memory_space<semaphore_mem>>) src(%arg3 : memref<400x128xf32, #tpu.memory_space<hbm>>) dst(%arg8 : memref<400x128xf32, #tpu.memory_space<vmem_shared>>)
        tpu.yield
      }) : () -> ()
    } else {
    }
    %barrier3A = arith.constant 0 : index
    tpu.barrier barrier_id(%barrier3A)
    %scan3A = arith.constant 0 : i32
    %scan3A_6 = arith.constant 0 : i32
    %scan3A_7 = arith.constant 400 : i32
    %scan3A_8 = arith.addi %scan3A_6, %scan3A_7 : i32
    %scan3A_9 = arith.constant 1 : i32
    %scan3A_10 = scf.for %scan3A_33 = %scan3A_6 to %scan3A_8 step %scan3A_9 iter_args(%scan3A_34 = %scan3A) -> (i32)  : i32 {
      %mul3A_35 = arith.constant 4 : i32
      %mul3A_36 = arith.muli %add3A, %mul3A_35 : i32
      %add3A_37 = arith.constant 0 : i32
      %add3A_38 = arith.addi %mul3A_36, %add3A_37 : i32
      %jit3A = arith.constant 2 : i32
      %div3A = arith.divsi %scan3A_33, %jit3A : i32
      %sign3A = arith.constant 0 : i32
      %sign3A_39 = arith.cmpi sgt, %scan3A_33, %sign3A : i32
      %sign3A_40 = arith.extui %sign3A_39 : i1 to i32
      %sign3A_41 = arith.constant 0 : i32
      %sign3A_42 = arith.cmpi slt, %scan3A_33, %sign3A_41 : i32
      %sign3A_43 = arith.extui %sign3A_42 : i1 to i32
      %sign3A_44 = arith.subi %sign3A_40, %sign3A_43 : i32
      %sign3A_45 = arith.constant 0 : i32
      %sign3A_46 = arith.cmpi sgt, %jit3A, %sign3A_45 : i32
      %sign3A_47 = arith.extui %sign3A_46 : i1 to i32
      %sign3A_48 = arith.constant 0 : i32
      %sign3A_49 = arith.cmpi slt, %jit3A, %sign3A_48 : i32
      %sign3A_50 = arith.extui %sign3A_49 : i1 to i32
      %sign3A_51 = arith.subi %sign3A_47, %sign3A_50 : i32
      %ne3A = arith.cmpi ne, %sign3A_44, %sign3A_51 : i32
      %rem3A = arith.remsi %scan3A_33, %jit3A : i32
      %ne3A_52 = arith.constant 0 : i32
      %ne3A_53 = arith.cmpi ne, %rem3A, %ne3A_52 : i32
      %and3A = arith.andi %ne3A, %ne3A_53 : i1
      %sub3A = arith.constant 1 : i32
      %sub3A_54 = arith.subi %div3A, %sub3A : i32
      %select_n3A = arith.select %and3A, %sub3A_54, %div3A : i32
      %jit3A_55 = arith.constant 2 : i32
      %eq3A_56 = arith.constant 0 : i32
      %eq3A_57 = arith.cmpi eq, %jit3A_55, %eq3A_56 : i32
      %jit3A_58 = arith.constant 1 : i32
      %select_n3A_59 = arith.select %eq3A_57, %jit3A_58, %jit3A_55 : i32
      %rem3A_60 = arith.remsi %scan3A_33, %select_n3A_59 : i32
      %ne3A_61 = arith.constant 0 : i32
      %ne3A_62 = arith.cmpi ne, %rem3A_60, %ne3A_61 : i32
      %lt3A = arith.constant 0 : i32
      %lt3A_63 = arith.cmpi slt, %rem3A_60, %lt3A : i32
      %lt3A_64 = arith.constant 0 : i32
      %lt3A_65 = arith.cmpi slt, %select_n3A_59, %lt3A_64 : i32
      %ne3A_66 = arith.xori %lt3A_63, %lt3A_65 : i1
      %and3A_67 = arith.andi %ne3A_66, %ne3A_62 : i1
      %add3A_68 = arith.addi %rem3A_60, %select_n3A_59 : i32
      %select_n3A_69 = arith.select %and3A_67, %add3A_68, %rem3A_60 : i32
      %mul3A_70 = arith.constant 32768 : i32
      %mul3A_71 = arith.muli %select_n3A, %mul3A_70 : i32
      %mul3A_72 = arith.constant 256 : i32
      %mul3A_73 = arith.muli %add3A_38, %mul3A_72 : i32
      %add3A_74 = arith.addi %mul3A_71, %mul3A_73 : i32
      %mul3A_75 = arith.constant 128 : i32
      %mul3A_76 = arith.muli %select_n3A_69, %mul3A_75 : i32
      %add3A_77 = arith.addi %add3A_74, %mul3A_76 : i32
      %add3A_78 = arith.constant 0 : i32
      %add3A_79 = arith.addi %add3A_77, %add3A_78 : i32
      %mul3A_80 = arith.constant 128 : i32
      %mul3A_81 = arith.muli %select_n3A, %mul3A_80 : i32
      %mul3A_82 = arith.constant 64 : i32
      %mul3A_83 = arith.muli %select_n3A_69, %mul3A_82 : i32
      %add3A_84 = arith.addi %mul3A_81, %mul3A_83 : i32
      %dma_start3A = tpu.memref_slice %arg5[%add3A_84] : memref<25600xi32, #tpu.memory_space<vmem>> -> memref<64xi32, #tpu.memory_space<vmem>>
      %dma_start3A_85 = tpu.memref_slice %arg2[%add3A_79] : memref<6553600xi32, #tpu.memory_space<hbm>> -> memref<64xi32, #tpu.memory_space<hbm>>
      %dma_start3A_86 = tpu.memref_slice %arg5[%add3A_84] : memref<25600xi32, #tpu.memory_space<vmem>> -> memref<64xi32, #tpu.memory_space<vmem>>
      %dma_start3A_87 = tpu.memref_slice %arg2[%add3A_79] : memref<6553600xi32, #tpu.memory_space<hbm>> -> memref<64xi32, #tpu.memory_space<hbm>>
      tpu.enqueue_dma source(%dma_start3A_87 : memref<64xi32, #tpu.memory_space<hbm>>) target(%dma_start3A_86 : memref<64xi32, #tpu.memory_space<vmem>>) target_semaphore(%arg9 : memref<!tpu.dma_semaphore, #tpu.memory_space<semaphore_mem>>)
      %ge3A = arith.constant 16 : i32
      %ge3A_88 = arith.cmpi sge, %scan3A_33, %ge3A : i32
      %convert_element_type3A_89 = arith.extui %ge3A_88 : i1 to i32
      %cond3A_90 = arith.constant 0 : i32
      %cond3A_91 = arith.cmpi ne, %convert_element_type3A_89, %cond3A_90 : i32
      scf.if %cond3A_91 {
        %dma_wait3A = arith.constant 0 : i32
        %dma_wait3A_93 = tpu.memref_slice %arg5[%dma_wait3A] : memref<25600xi32, #tpu.memory_space<vmem>> -> memref<64xi32, #tpu.memory_space<vmem>>
        %dma_wait3A_94 = arith.constant 0 : i32
        %dma_wait3A_95 = tpu.memref_slice %arg2[%dma_wait3A_94] : memref<6553600xi32, #tpu.memory_space<hbm>> -> memref<64xi32, #tpu.memory_space<hbm>>
        %dma_wait3A_96 = arith.constant 0 : i32
        %dma_wait3A_97 = tpu.memref_slice %arg5[%dma_wait3A_96] : memref<25600xi32, #tpu.memory_space<vmem>> -> memref<64xi32, #tpu.memory_space<vmem>>
        %dma_wait3A_98 = arith.constant 0 : i32
        %dma_wait3A_99 = tpu.memref_slice %arg2[%dma_wait3A_98] : memref<6553600xi32, #tpu.memory_space<hbm>> -> memref<64xi32, #tpu.memory_space<hbm>>
        tpu.wait_dma2 semaphore(%arg9 : memref<!tpu.dma_semaphore, #tpu.memory_space<semaphore_mem>>) src(%dma_wait3A_99 : memref<64xi32, #tpu.memory_space<hbm>>) dst(%dma_wait3A_97 : memref<64xi32, #tpu.memory_space<vmem>>)
      } else {
      }
      %scan3A_92 = arith.constant 0 : i32
      scf.yield %scan3A_92 : i32
    }
    %scan3A_11 = arith.constant 400 : i32
    %scan3A_12 = arith.constant 0 : i32
    %scan3A_13 = arith.constant 0 : i32
    %scan3A_14 = arith.constant 16 : i32
    %scan3A_15 = arith.addi %scan3A_13, %scan3A_14 : i32
    %scan3A_16 = arith.constant 1 : i32
    %scan3A_17 = scf.for %scan3A_33 = %scan3A_13 to %scan3A_15 step %scan3A_16 iter_args(%scan3A_34 = %scan3A_12) -> (i32)  : i32 {
      %dma_wait3A = arith.constant 0 : i32
      %dma_wait3A_35 = tpu.memref_slice %arg5[%dma_wait3A] : memref<25600xi32, #tpu.memory_space<vmem>> -> memref<64xi32, #tpu.memory_space<vmem>>
      %dma_wait3A_36 = arith.constant 0 : i32
      %dma_wait3A_37 = tpu.memref_slice %arg2[%dma_wait3A_36] : memref<6553600xi32, #tpu.memory_space<hbm>> -> memref<64xi32, #tpu.memory_space<hbm>>
      %dma_wait3A_38 = arith.constant 0 : i32
      %dma_wait3A_39 = tpu.memref_slice %arg5[%dma_wait3A_38] : memref<25600xi32, #tpu.memory_space<vmem>> -> memref<64xi32, #tpu.memory_space<vmem>>
      %dma_wait3A_40 = arith.constant 0 : i32
      %dma_wait3A_41 = tpu.memref_slice %arg2[%dma_wait3A_40] : memref<6553600xi32, #tpu.memory_space<hbm>> -> memref<64xi32, #tpu.memory_space<hbm>>
      tpu.wait_dma2 semaphore(%arg9 : memref<!tpu.dma_semaphore, #tpu.memory_space<semaphore_mem>>) src(%dma_wait3A_41 : memref<64xi32, #tpu.memory_space<hbm>>) dst(%dma_wait3A_39 : memref<64xi32, #tpu.memory_space<vmem>>)
      %scan3A_42 = arith.constant 0 : i32
      scf.yield %scan3A_42 : i32
    }
    %scan3A_18 = arith.constant 16 : i32
    %scan3A_19 = arith.constant 0 : i32
    %scan3A_20 = arith.constant 0 : i32
    %scan3A_21 = arith.constant 200 : i32
    %scan3A_22 = arith.addi %scan3A_20, %scan3A_21 : i32
    %scan3A_23 = arith.constant 1 : i32
    %scan3A_24 = scf.for %scan3A_33 = %scan3A_20 to %scan3A_22 step %scan3A_23 iter_args(%scan3A_34 = %scan3A_19) -> (i32)  : i32 {
      %mul3A_35 = arith.constant 128 : i32
      %mul3A_36 = arith.muli %scan3A_33, %mul3A_35 : i32
      %add3A_37 = arith.constant 0 : i32
      %add3A_38 = arith.addi %mul3A_36, %add3A_37 : i32
      %get3A = arith.index_cast %add3A_38 : i32 to index
      %get3A_39 = tpu.vector_load %arg5[%get3A] {strides = array<i32>} : memref<25600xi32, #tpu.memory_space<vmem>>, vector<16xi32>,
      %add3A_40 = arith.constant 64 : i32
      %add3A_41 = arith.addi %mul3A_36, %add3A_40 : i32
      %add3A_42 = arith.constant 0 : i32
      %add3A_43 = arith.addi %add3A_41, %add3A_42 : i32
      %get3A_44 = arith.index_cast %add3A_43 : i32 to index
      %get3A_45 = tpu.vector_load %arg5[%get3A_44] {strides = array<i32>} : memref<25600xi32, #tpu.memory_space<vmem>>, vector<16xi32>,
      %add3A_46 = arith.constant 0 : i32
      %add3A_47 = arith.addi %add3A_46, %scan3A_33 : i32
      %add3A_48 = vector.broadcast %add3A_47 : i32 to vector<16xi32>
      %add3A_49 = arith.addi %mul3A_3, %add3A_48 : vector<16xi32>
      %add3A_50 = arith.constant 0 : i32
      %add3A_51 = vector.broadcast %add3A_50 : i32 to vector<16xi32>
      %add3A_52 = arith.addi %add3A_49, %add3A_51 : vector<16xi32>
      %mul3A_53 = arith.constant 20 : i32
      %mul3A_54 = vector.broadcast %mul3A_53 : i32 to vector<16xi32>
      %mul3A_55 = arith.muli %get3A_39, %mul3A_54 : vector<16xi32>
      %add3A_56 = arith.addi %mul3A_55, %get3A_45 : vector<16xi32>
      tpu.vector_store_idx %arg6[%add3A_52], %add3A_56 : memref<25600xi32, #tpu.memory_space<vmem>>[vector<16xi32>], vector<16xi32>,
      %add3A_57 = arith.constant 16 : i32
      %add3A_58 = arith.addi %mul3A_36, %add3A_57 : i32
      %get3A_59 = arith.index_cast %add3A_58 : i32 to index
      %get3A_60 = tpu.vector_load %arg5[%get3A_59] {strides = array<i32>} : memref<25600xi32, #tpu.memory_space<vmem>>, vector<16xi32>,
      %add3A_61 = arith.constant 64 : i32
      %add3A_62 = arith.addi %mul3A_36, %add3A_61 : i32
      %add3A_63 = arith.constant 16 : i32
      %add3A_64 = arith.addi %add3A_62, %add3A_63 : i32
      %get3A_65 = arith.index_cast %add3A_64 : i32 to index
      %get3A_66 = tpu.vector_load %arg5[%get3A_65] {strides = array<i32>} : memref<25600xi32, #tpu.memory_space<vmem>>, vector<16xi32>,
      %add3A_67 = arith.constant 3200 : i32
      %add3A_68 = arith.addi %add3A_67, %scan3A_33 : i32
      %add3A_69 = vector.broadcast %add3A_68 : i32 to vector<16xi32>
      %add3A_70 = arith.addi %mul3A_3, %add3A_69 : vector<16xi32>
      %add3A_71 = arith.constant 0 : i32
      %add3A_72 = vector.broadcast %add3A_71 : i32 to vector<16xi32>
      %add3A_73 = arith.addi %add3A_70, %add3A_72 : vector<16xi32>
      %mul3A_74 = arith.constant 20 : i32
      %mul3A_75 = vector.broadcast %mul3A_74 : i32 to vector<16xi32>
      %mul3A_76 = arith.muli %get3A_60, %mul3A_75 : vector<16xi32>
      %add3A_77 = arith.addi %mul3A_76, %get3A_66 : vector<16xi32>
      tpu.vector_store_idx %arg6[%add3A_73], %add3A_77 : memref<25600xi32, #tpu.memory_space<vmem>>[vector<16xi32>], vector<16xi32>,
      %add3A_78 = arith.constant 32 : i32
      %add3A_79 = arith.addi %mul3A_36, %add3A_78 : i32
      %get3A_80 = arith.index_cast %add3A_79 : i32 to index
      %get3A_81 = tpu.vector_load %arg5[%get3A_80] {strides = array<i32>} : memref<25600xi32, #tpu.memory_space<vmem>>, vector<16xi32>,
      %add3A_82 = arith.constant 64 : i32
      %add3A_83 = arith.addi %mul3A_36, %add3A_82 : i32
      %add3A_84 = arith.constant 32 : i32
      %add3A_85 = arith.addi %add3A_83, %add3A_84 : i32
      %get3A_86 = arith.index_cast %add3A_85 : i32 to index
      %get3A_87 = tpu.vector_load %arg5[%get3A_86] {strides = array<i32>} : memref<25600xi32, #tpu.memory_space<vmem>>, vector<16xi32>,
      %add3A_88 = arith.constant 6400 : i32
      %add3A_89 = arith.addi %add3A_88, %scan3A_33 : i32
      %add3A_90 = vector.broadcast %add3A_89 : i32 to vector<16xi32>
      %add3A_91 = arith.addi %mul3A_3, %add3A_90 : vector<16xi32>
      %add3A_92 = arith.constant 0 : i32
      %add3A_93 = vector.broadcast %add3A_92 : i32 to vector<16xi32>
      %add3A_94 = arith.addi %add3A_91, %add3A_93 : vector<16xi32>
      %mul3A_95 = arith.constant 20 : i32
      %mul3A_96 = vector.broadcast %mul3A_95 : i32 to vector<16xi32>
      %mul3A_97 = arith.muli %get3A_81, %mul3A_96 : vector<16xi32>
      %add3A_98 = arith.addi %mul3A_97, %get3A_87 : vector<16xi32>
      tpu.vector_store_idx %arg6[%add3A_94], %add3A_98 : memref<25600xi32, #tpu.memory_space<vmem>>[vector<16xi32>], vector<16xi32>,
      %add3A_99 = arith.constant 48 : i32
      %add3A_100 = arith.addi %mul3A_36, %add3A_99 : i32
      %get3A_101 = arith.index_cast %add3A_100 : i32 to index
      %get3A_102 = tpu.vector_load %arg5[%get3A_101] {strides = array<i32>} : memref<25600xi32, #tpu.memory_space<vmem>>, vector<16xi32>,
      %add3A_103 = arith.constant 64 : i32
      %add3A_104 = arith.addi %mul3A_36, %add3A_103 : i32
      %add3A_105 = arith.constant 48 : i32
      %add3A_106 = arith.addi %add3A_104, %add3A_105 : i32
      %get3A_107 = arith.index_cast %add3A_106 : i32 to index
      %get3A_108 = tpu.vector_load %arg5[%get3A_107] {strides = array<i32>} : memref<25600xi32, #tpu.memory_space<vmem>>, vector<16xi32>,
      %add3A_109 = arith.constant 9600 : i32
      %add3A_110 = arith.addi %add3A_109, %scan3A_33 : i32
      %add3A_111 = vector.broadcast %add3A_110 : i32 to vector<16xi32>
      %add3A_112 = arith.addi %mul3A_3, %add3A_111 : vector<16xi32>
      %add3A_113 = arith.constant 0 : i32
      %add3A_114 = vector.broadcast %add3A_113 : i32 to vector<16xi32>
      %add3A_115 = arith.addi %add3A_112, %add3A_114 : vector<16xi32>
      %mul3A_116 = arith.constant 20 : i32
      %mul3A_117 = vector.broadcast %mul3A_116 : i32 to vector<16xi32>
      %mul3A_118 = arith.muli %get3A_102, %mul3A_117 : vector<16xi32>
      %add3A_119 = arith.addi %mul3A_118, %get3A_108 : vector<16xi32>
      tpu.vector_store_idx %arg6[%add3A_115], %add3A_119 : memref<25600xi32, #tpu.memory_space<vmem>>[vector<16xi32>], vector<16xi32>,
      %scan3A_120 = arith.constant 0 : i32
      scf.yield %scan3A_120 : i32
    }
    %scan3A_25 = arith.constant 200 : i32
    %scan3A_26 = arith.constant 0 : i32
    %scan3A_27 = arith.constant 0 : i32
    %scan3A_28 = arith.constant 8 : i32
    %scan3A_29 = arith.addi %scan3A_27, %scan3A_28 : i32
    %scan3A_30 = arith.constant 1 : i32
    %scan3A_31 = scf.for %scan3A_33 = %scan3A_27 to %scan3A_29 step %scan3A_30 iter_args(%scan3A_34 = %scan3A_26) -> (i32)  : i32 {
      %jit3A = arith.constant 2 : i32
      %eq3A_35 = arith.constant 0 : i32
      %eq3A_36 = arith.cmpi eq, %jit3A, %eq3A_35 : i32
      %jit3A_37 = arith.constant 1 : i32
      %select_n3A = arith.select %eq3A_36, %jit3A_37, %jit3A : i32
      %rem3A = arith.remsi %scan3A_33, %select_n3A : i32
      %ne3A = arith.constant 0 : i32
      %ne3A_38 = arith.cmpi ne, %rem3A, %ne3A : i32
      %lt3A = arith.constant 0 : i32
      %lt3A_39 = arith.cmpi slt, %rem3A, %lt3A : i32
      %lt3A_40 = arith.constant 0 : i32
      %lt3A_41 = arith.cmpi slt, %select_n3A, %lt3A_40 : i32
      %ne3A_42 = arith.xori %lt3A_39, %lt3A_41 : i1
      %and3A = arith.andi %ne3A_42, %ne3A_38 : i1
      %add3A_43 = arith.addi %rem3A, %select_n3A : i32
      %select_n3A_44 = arith.select %and3A, %add3A_43, %rem3A : i32
      %mul3A_45 = arith.constant 12800 : i32
      %mul3A_46 = arith.muli %select_n3A_44, %mul3A_45 : i32
      %sub3A = arith.constant 1 : i32
      %sub3A_47 = arith.subi %sub3A, %select_n3A_44 : i32
      %mul3A_48 = arith.constant 12800 : i32
      %mul3A_49 = arith.muli %sub3A_47, %mul3A_48 : i32
      %mul3A_50 = arith.constant 4 : i32
      %mul3A_51 = arith.muli %add3A, %mul3A_50 : i32
      %jit3A_52 = arith.constant 2 : i32
      %div3A = arith.divsi %scan3A_33, %jit3A_52 : i32
      %sign3A = arith.constant 0 : i32
      %sign3A_53 = arith.cmpi sgt, %scan3A_33, %sign3A : i32
      %sign3A_54 = arith.extui %sign3A_53 : i1 to i32
      %sign3A_55 = arith.constant 0 : i32
      %sign3A_56 = arith.cmpi slt, %scan3A_33, %sign3A_55 : i32
      %sign3A_57 = arith.extui %sign3A_56 : i1 to i32
      %sign3A_58 = arith.subi %sign3A_54, %sign3A_57 : i32
      %sign3A_59 = arith.constant 0 : i32
      %sign3A_60 = arith.cmpi sgt, %jit3A_52, %sign3A_59 : i32
      %sign3A_61 = arith.extui %sign3A_60 : i1 to i32
      %sign3A_62 = arith.constant 0 : i32
      %sign3A_63 = arith.cmpi slt, %jit3A_52, %sign3A_62 : i32
      %sign3A_64 = arith.extui %sign3A_63 : i1 to i32
      %sign3A_65 = arith.subi %sign3A_61, %sign3A_64 : i32
      %ne3A_66 = arith.cmpi ne, %sign3A_58, %sign3A_65 : i32
      %rem3A_67 = arith.remsi %scan3A_33, %jit3A_52 : i32
      %ne3A_68 = arith.constant 0 : i32
      %ne3A_69 = arith.cmpi ne, %rem3A_67, %ne3A_68 : i32
      %and3A_70 = arith.andi %ne3A_66, %ne3A_69 : i1
      %sub3A_71 = arith.constant 1 : i32
      %sub3A_72 = arith.subi %div3A, %sub3A_71 : i32
      %select_n3A_73 = arith.select %and3A_70, %sub3A_72, %div3A : i32
      %add3A_74 = arith.addi %mul3A_51, %select_n3A_73 : i32
      %mul3A_75 = arith.constant 128 : i32
      %mul3A_76 = arith.muli %add3A_74, %mul3A_75 : i32
      %jit3A_77 = arith.constant 2 : i32
      %eq3A_78 = arith.constant 0 : i32
      %eq3A_79 = arith.cmpi eq, %jit3A_77, %eq3A_78 : i32
      %jit3A_80 = arith.constant 1 : i32
      %select_n3A_81 = arith.select %eq3A_79, %jit3A_80, %jit3A_77 : i32
      %rem3A_82 = arith.remsi %scan3A_33, %select_n3A_81 : i32
      %ne3A_83 = arith.constant 0 : i32
      %ne3A_84 = arith.cmpi ne, %rem3A_82, %ne3A_83 : i32
      %lt3A_85 = arith.constant 0 : i32
      %lt3A_86 = arith.cmpi slt, %rem3A_82, %lt3A_85 : i32
      %lt3A_87 = arith.constant 0 : i32
      %lt3A_88 = arith.cmpi slt, %select_n3A_81, %lt3A_87 : i32
      %ne3A_89 = arith.xori %lt3A_86, %lt3A_88 : i1
      %and3A_90 = arith.andi %ne3A_89, %ne3A_84 : i1
      %add3A_91 = arith.addi %rem3A_82, %select_n3A_81 : i32
      %select_n3A_92 = arith.select %and3A_90, %add3A_91, %rem3A_82 : i32
      %mul3A_93 = arith.constant 64 : i32
      %mul3A_94 = arith.muli %select_n3A_92, %mul3A_93 : i32
      %add3A_95 = arith.addi %mul3A_76, %mul3A_94 : i32
      %mul3A_96 = arith.constant 200 : i32
      %mul3A_97 = arith.muli %add3A_95, %mul3A_96 : i32
      %add3A_98 = arith.constant 0 : i32
      %add3A_99 = arith.addi %mul3A_46, %add3A_98 : i32
      %dma_start3A = arith.constant 0 : i32
      %dma_start3A_100 = arith.constant 0 : i32
      %dma_start3A_101 = arith.constant 0 : i32
      %dma_start3A_102 = tpu.memref_slice %arg7[%dma_start3A, %dma_start3A_100, %dma_start3A_101] : memref<4x128x128xf32, #tpu.memory_space<vmem>> -> memref<1x128x128xf32, #tpu.memory_space<vmem>>
      %dma_start3A_103 = tpu.memref_squeeze %dma_start3A_102 : memref<1x128x128xf32, #tpu.memory_space<vmem>> -> memref<128x128xf32, #tpu.memory_space<vmem>>
      %dma_start3A_104 = tpu.memref_slice %arg6[%add3A_99] : memref<25600xi32, #tpu.memory_space<vmem>> -> memref<128xi32, #tpu.memory_space<vmem>>
      %dma_start3A_105 = arith.constant 0 : i32
      %dma_start3A_106 = arith.constant 0 : i32
      %dma_start3A_107 = tpu.memref_slice %arg8[%dma_start3A_105, %dma_start3A_106] : memref<400x128xf32, #tpu.memory_space<vmem_shared>> -> memref<400x128xf32, #tpu.memory_space<vmem_shared>>
      tpu.enqueue_indirect_dma source(%dma_start3A_107 : memref<400x128xf32, #tpu.memory_space<vmem_shared>>) target(%dma_start3A_103 : memref<128x128xf32, #tpu.memory_space<vmem>>) offsets(%dma_start3A_104 : memref<128xi32, #tpu.memory_space<vmem>>) semaphore(%arg10 : memref<!tpu.dma_semaphore, #tpu.memory_space<semaphore_mem>>)
      %add3A_108 = arith.constant 128 : i32
      %add3A_109 = arith.addi %mul3A_46, %add3A_108 : i32
      %dma_start3A_110 = arith.constant 1 : i32
      %dma_start3A_111 = arith.constant 0 : i32
      %dma_start3A_112 = arith.constant 0 : i32
      %dma_start3A_113 = tpu.memref_slice %arg7[%dma_start3A_110, %dma_start3A_111, %dma_start3A_112] : memref<4x128x128xf32, #tpu.memory_space<vmem>> -> memref<1x128x128xf32, #tpu.memory_space<vmem>>
      %dma_start3A_114 = tpu.memref_squeeze %dma_start3A_113 : memref<1x128x128xf32, #tpu.memory_space<vmem>> -> memref<128x128xf32, #tpu.memory_space<vmem>>
      %dma_start3A_115 = tpu.memref_slice %arg6[%add3A_109] : memref<25600xi32, #tpu.memory_space<vmem>> -> memref<128xi32, #tpu.memory_space<vmem>>
      %dma_start3A_116 = arith.constant 0 : i32
      %dma_start3A_117 = arith.constant 0 : i32
      %dma_start3A_118 = tpu.memref_slice %arg8[%dma_start3A_116, %dma_start3A_117] : memref<400x128xf32, #tpu.memory_space<vmem_shared>> -> memref<400x128xf32, #tpu.memory_space<vmem_shared>>
      tpu.enqueue_indirect_dma source(%dma_start3A_118 : memref<400x128xf32, #tpu.memory_space<vmem_shared>>) target(%dma_start3A_114 : memref<128x128xf32, #tpu.memory_space<vmem>>) offsets(%dma_start3A_115 : memref<128xi32, #tpu.memory_space<vmem>>) semaphore(%arg11 : memref<!tpu.dma_semaphore, #tpu.memory_space<semaphore_mem>>)
      %add3A_119 = arith.constant 256 : i32
      %add3A_120 = arith.addi %mul3A_46, %add3A_119 : i32
      %dma_start3A_121 = arith.constant 2 : i32
      %dma_start3A_122 = arith.constant 0 : i32
      %dma_start3A_123 = arith.constant 0 : i32
      %dma_start3A_124 = tpu.memref_slice %arg7[%dma_start3A_121, %dma_start3A_122, %dma_start3A_123] : memref<4x128x128xf32, #tpu.memory_space<vmem>> -> memref<1x128x128xf32, #tpu.memory_space<vmem>>
      %dma_start3A_125 = tpu.memref_squeeze %dma_start3A_124 : memref<1x128x128xf32, #tpu.memory_space<vmem>> -> memref<128x128xf32, #tpu.memory_space<vmem>>
      %dma_start3A_126 = tpu.memref_slice %arg6[%add3A_120] : memref<25600xi32, #tpu.memory_space<vmem>> -> memref<128xi32, #tpu.memory_space<vmem>>
      %dma_start3A_127 = arith.constant 0 : i32
      %dma_start3A_128 = arith.constant 0 : i32
      %dma_start3A_129 = tpu.memref_slice %arg8[%dma_start3A_127, %dma_start3A_128] : memref<400x128xf32, #tpu.memory_space<vmem_shared>> -> memref<400x128xf32, #tpu.memory_space<vmem_shared>>
      tpu.enqueue_indirect_dma source(%dma_start3A_129 : memref<400x128xf32, #tpu.memory_space<vmem_shared>>) target(%dma_start3A_125 : memref<128x128xf32, #tpu.memory_space<vmem>>) offsets(%dma_start3A_126 : memref<128xi32, #tpu.memory_space<vmem>>) semaphore(%arg12 : memref<!tpu.dma_semaphore, #tpu.memory_space<semaphore_mem>>)
      %scan3A_130 = arith.constant 0 : i32
      %scan3A_131 = arith.constant 0 : i32
      %scan3A_132 = arith.constant 25 : i32
      %scan3A_133 = arith.addi %scan3A_131, %scan3A_132 : i32
      %scan3A_134 = arith.constant 1 : i32
      %scan3A_135 = scf.for %scan3A_202 = %scan3A_131 to %scan3A_133 step %scan3A_134 iter_args(%scan3A_203 = %scan3A_130) -> (i32)  : i32 {
        %mul3A_204 = arith.constant 4 : i32
        %mul3A_205 = arith.muli %scan3A_202, %mul3A_204 : i32
        %add3A_206 = arith.constant 0 : i32
        %add3A_207 = arith.addi %mul3A_205, %add3A_206 : i32
        %lt3A_208 = arith.constant 7 : i32
        %lt3A_209 = arith.cmpi slt, %scan3A_33, %lt3A_208 : i32
        %convert_element_type3A_210 = arith.extui %lt3A_209 : i1 to i32
        %cond3A_211 = arith.constant 0 : i32
        %cond3A_212 = arith.cmpi ne, %convert_element_type3A_210, %cond3A_211 : i32
        scf.if %cond3A_212 {
          %gt3A_400 = arith.constant 0 : i32
          %gt3A_401 = arith.cmpi sgt, %add3A_207, %gt3A_400 : i32
          %convert_element_type3A_402 = arith.extui %gt3A_401 : i1 to i32
          %cond3A_403 = arith.constant 0 : i32
          %cond3A_404 = arith.cmpi ne, %convert_element_type3A_402, %cond3A_403 : i32
          scf.if %cond3A_404 {
            %dma_wait3A_841 = arith.constant 0 : i32
            %dma_wait3A_842 = tpu.memref_slice %arg5[%dma_wait3A_841] : memref<25600xi32, #tpu.memory_space<vmem>> -> memref<64xi32, #tpu.memory_space<vmem>>
            %dma_wait3A_843 = arith.constant 0 : i32
            %dma_wait3A_844 = tpu.memref_slice %arg2[%dma_wait3A_843] : memref<6553600xi32, #tpu.memory_space<hbm>> -> memref<64xi32, #tpu.memory_space<hbm>>
            %dma_wait3A_845 = arith.constant 0 : i32
            %dma_wait3A_846 = tpu.memref_slice %arg5[%dma_wait3A_845] : memref<25600xi32, #tpu.memory_space<vmem>> -> memref<64xi32, #tpu.memory_space<vmem>>
            %dma_wait3A_847 = arith.constant 0 : i32
            %dma_wait3A_848 = tpu.memref_slice %arg2[%dma_wait3A_847] : memref<6553600xi32, #tpu.memory_space<hbm>> -> memref<64xi32, #tpu.memory_space<hbm>>
            tpu.wait_dma2 semaphore(%arg9 : memref<!tpu.dma_semaphore, #tpu.memory_space<semaphore_mem>>) src(%dma_wait3A_848 : memref<64xi32, #tpu.memory_space<hbm>>) dst(%dma_wait3A_846 : memref<64xi32, #tpu.memory_space<vmem>>)
            %dma_wait3A_849 = arith.constant 0 : i32
            %dma_wait3A_850 = tpu.memref_slice %arg5[%dma_wait3A_849] : memref<25600xi32, #tpu.memory_space<vmem>> -> memref<64xi32, #tpu.memory_space<vmem>>
            %dma_wait3A_851 = arith.constant 0 : i32
            %dma_wait3A_852 = tpu.memref_slice %arg2[%dma_wait3A_851] : memref<6553600xi32, #tpu.memory_space<hbm>> -> memref<64xi32, #tpu.memory_space<hbm>>
            %dma_wait3A_853 = arith.constant 0 : i32
            %dma_wait3A_854 = tpu.memref_slice %arg5[%dma_wait3A_853] : memref<25600xi32, #tpu.memory_space<vmem>> -> memref<64xi32, #tpu.memory_space<vmem>>
            %dma_wait3A_855 = arith.constant 0 : i32
            %dma_wait3A_856 = tpu.memref_slice %arg2[%dma_wait3A_855] : memref<6553600xi32, #tpu.memory_space<hbm>> -> memref<64xi32, #tpu.memory_space<hbm>>
            tpu.wait_dma2 semaphore(%arg9 : memref<!tpu.dma_semaphore, #tpu.memory_space<semaphore_mem>>) src(%dma_wait3A_856 : memref<64xi32, #tpu.memory_space<hbm>>) dst(%dma_wait3A_854 : memref<64xi32, #tpu.memory_space<vmem>>)
            %dma_wait3A_857 = arith.constant 0 : i32
            %dma_wait3A_858 = tpu.memref_slice %arg5[%dma_wait3A_857] : memref<25600xi32, #tpu.memory_space<vmem>> -> memref<64xi32, #tpu.memory_space<vmem>>
            %dma_wait3A_859 = arith.constant 0 : i32
            %dma_wait3A_860 = tpu.memref_slice %arg2[%dma_wait3A_859] : memref<6553600xi32, #tpu.memory_space<hbm>> -> memref<64xi32, #tpu.memory_space<hbm>>
            %dma_wait3A_861 = arith.constant 0 : i32
            %dma_wait3A_862 = tpu.memref_slice %arg5[%dma_wait3A_861] : memref<25600xi32, #tpu.memory_space<vmem>> -> memref<64xi32, #tpu.memory_space<vmem>>
            %dma_wait3A_863 = arith.constant 0 : i32
            %dma_wait3A_864 = tpu.memref_slice %arg2[%dma_wait3A_863] : memref<6553600xi32, #tpu.memory_space<hbm>> -> memref<64xi32, #tpu.memory_space<hbm>>
            tpu.wait_dma2 semaphore(%arg9 : memref<!tpu.dma_semaphore, #tpu.memory_space<semaphore_mem>>) src(%dma_wait3A_864 : memref<64xi32, #tpu.memory_space<hbm>>) dst(%dma_wait3A_862 : memref<64xi32, #tpu.memory_space<vmem>>)
            %dma_wait3A_865 = arith.constant 0 : i32
            %dma_wait3A_866 = tpu.memref_slice %arg5[%dma_wait3A_865] : memref<25600xi32, #tpu.memory_space<vmem>> -> memref<64xi32, #tpu.memory_space<vmem>>
            %dma_wait3A_867 = arith.constant 0 : i32
            %dma_wait3A_868 = tpu.memref_slice %arg2[%dma_wait3A_867] : memref<6553600xi32, #tpu.memory_space<hbm>> -> memref<64xi32, #tpu.memory_space<hbm>>
            %dma_wait3A_869 = arith.constant 0 : i32
            %dma_wait3A_870 = tpu.memref_slice %arg5[%dma_wait3A_869] : memref<25600xi32, #tpu.memory_space<vmem>> -> memref<64xi32, #tpu.memory_space<vmem>>
            %dma_wait3A_871 = arith.constant 0 : i32
            %dma_wait3A_872 = tpu.memref_slice %arg2[%dma_wait3A_871] : memref<6553600xi32, #tpu.memory_space<hbm>> -> memref<64xi32, #tpu.memory_space<hbm>>
            tpu.wait_dma2 semaphore(%arg9 : memref<!tpu.dma_semaphore, #tpu.memory_space<semaphore_mem>>) src(%dma_wait3A_872 : memref<64xi32, #tpu.memory_space<hbm>>) dst(%dma_wait3A_870 : memref<64xi32, #tpu.memory_space<vmem>>)
            %mul3A_873 = arith.constant 2 : i32
            %mul3A_874 = arith.muli %mul3A_873, %add3A_207 : i32
            %sub3A_875 = arith.constant 2 : i32
            %sub3A_876 = arith.subi %mul3A_874, %sub3A_875 : i32
            %mul3A_877 = arith.constant 128 : i32
            %mul3A_878 = arith.muli %sub3A_876, %mul3A_877 : i32
            %add3A_879 = arith.constant 0 : i32
            %add3A_880 = arith.addi %mul3A_878, %add3A_879 : i32
            %get3A = arith.index_cast %add3A_880 : i32 to index
            %get3A_881 = tpu.vector_load %arg5[%get3A] {strides = array<i32>} : memref<25600xi32, #tpu.memory_space<vmem>>, vector<16xi32>,
            %add3A_882 = arith.constant 64 : i32
            %add3A_883 = arith.addi %mul3A_878, %add3A_882 : i32
            %add3A_884 = arith.constant 0 : i32
            %add3A_885 = arith.addi %add3A_883, %add3A_884 : i32
            %get3A_886 = arith.index_cast %add3A_885 : i32 to index
            %get3A_887 = tpu.vector_load %arg5[%get3A_886] {strides = array<i32>} : memref<25600xi32, #tpu.memory_space<vmem>>, vector<16xi32>,
            %add3A_888 = arith.constant 0 : i32
            %add3A_889 = arith.addi %add3A_888, %sub3A_876 : i32
            %add3A_890 = vector.broadcast %add3A_889 : i32 to vector<16xi32>
            %add3A_891 = arith.addi %mul3A_3, %add3A_890 : vector<16xi32>
            %add3A_892 = vector.broadcast %mul3A_49 : i32 to vector<16xi32>
            %add3A_893 = arith.addi %add3A_891, %add3A_892 : vector<16xi32>
            %mul3A_894 = arith.constant 20 : i32
            %mul3A_895 = vector.broadcast %mul3A_894 : i32 to vector<16xi32>
            %mul3A_896 = arith.muli %get3A_881, %mul3A_895 : vector<16xi32>
            %add3A_897 = arith.addi %mul3A_896, %get3A_887 : vector<16xi32>
            tpu.vector_store_idx %arg6[%add3A_893], %add3A_897 : memref<25600xi32, #tpu.memory_space<vmem>>[vector<16xi32>], vector<16xi32>,
            %add3A_898 = arith.constant 16 : i32
            %add3A_899 = arith.addi %mul3A_878, %add3A_898 : i32
            %get3A_900 = arith.index_cast %add3A_899 : i32 to index
            %get3A_901 = tpu.vector_load %arg5[%get3A_900] {strides = array<i32>} : memref<25600xi32, #tpu.memory_space<vmem>>, vector<16xi32>,
            %add3A_902 = arith.constant 64 : i32
            %add3A_903 = arith.addi %mul3A_878, %add3A_902 : i32
            %add3A_904 = arith.constant 16 : i32
            %add3A_905 = arith.addi %add3A_903, %add3A_904 : i32
            %get3A_906 = arith.index_cast %add3A_905 : i32 to index
            %get3A_907 = tpu.vector_load %arg5[%get3A_906] {strides = array<i32>} : memref<25600xi32, #tpu.memory_space<vmem>>, vector<16xi32>,
            %add3A_908 = arith.constant 3200 : i32
            %add3A_909 = arith.addi %add3A_908, %sub3A_876 : i32
            %add3A_910 = vector.broadcast %add3A_909 : i32 to vector<16xi32>
            %add3A_911 = arith.addi %mul3A_3, %add3A_910 : vector<16xi32>
            %add3A_912 = vector.broadcast %mul3A_49 : i32 to vector<16xi32>
            %add3A_913 = arith.addi %add3A_911, %add3A_912 : vector<16xi32>
            %mul3A_914 = arith.constant 20 : i32
            %mul3A_915 = vector.broadcast %mul3A_914 : i32 to vector<16xi32>
            %mul3A_916 = arith.muli %get3A_901, %mul3A_915 : vector<16xi32>
            %add3A_917 = arith.addi %mul3A_916, %get3A_907 : vector<16xi32>
            tpu.vector_store_idx %arg6[%add3A_913], %add3A_917 : memref<25600xi32, #tpu.memory_space<vmem>>[vector<16xi32>], vector<16xi32>,
            %add3A_918 = arith.constant 32 : i32
            %add3A_919 = arith.addi %mul3A_878, %add3A_918 : i32
            %get3A_920 = arith.index_cast %add3A_919 : i32 to index
            %get3A_921 = tpu.vector_load %arg5[%get3A_920] {strides = array<i32>} : memref<25600xi32, #tpu.memory_space<vmem>>, vector<16xi32>,
            %add3A_922 = arith.constant 64 : i32
            %add3A_923 = arith.addi %mul3A_878, %add3A_922 : i32
            %add3A_924 = arith.constant 32 : i32
            %add3A_925 = arith.addi %add3A_923, %add3A_924 : i32
            %get3A_926 = arith.index_cast %add3A_925 : i32 to index
            %get3A_927 = tpu.vector_load %arg5[%get3A_926] {strides = array<i32>} : memref<25600xi32, #tpu.memory_space<vmem>>, vector<16xi32>,
            %add3A_928 = arith.constant 6400 : i32
            %add3A_929 = arith.addi %add3A_928, %sub3A_876 : i32
            %add3A_930 = vector.broadcast %add3A_929 : i32 to vector<16xi32>
            %add3A_931 = arith.addi %mul3A_3, %add3A_930 : vector<16xi32>
            %add3A_932 = vector.broadcast %mul3A_49 : i32 to vector<16xi32>
            %add3A_933 = arith.addi %add3A_931, %add3A_932 : vector<16xi32>
            %mul3A_934 = arith.constant 20 : i32
            %mul3A_935 = vector.broadcast %mul3A_934 : i32 to vector<16xi32>
            %mul3A_936 = arith.muli %get3A_921, %mul3A_935 : vector<16xi32>
            %add3A_937 = arith.addi %mul3A_936, %get3A_927 : vector<16xi32>
            tpu.vector_store_idx %arg6[%add3A_933], %add3A_937 : memref<25600xi32, #tpu.memory_space<vmem>>[vector<16xi32>], vector<16xi32>,
            %add3A_938 = arith.constant 48 : i32
            %add3A_939 = arith.addi %mul3A_878, %add3A_938 : i32
            %get3A_940 = arith.index_cast %add3A_939 : i32 to index
            %get3A_941 = tpu.vector_load %arg5[%get3A_940] {strides = array<i32>} : memref<25600xi32, #tpu.memory_space<vmem>>, vector<16xi32>,
            %add3A_942 = arith.constant 64 : i32
            %add3A_943 = arith.addi %mul3A_878, %add3A_942 : i32
            %add3A_944 = arith.constant 48 : i32
            %add3A_945 = arith.addi %add3A_943, %add3A_944 : i32
            %get3A_946 = arith.index_cast %add3A_945 : i32 to index
            %get3A_947 = tpu.vector_load %arg5[%get3A_946] {strides = array<i32>} : memref<25600xi32, #tpu.memory_space<vmem>>, vector<16xi32>,
            %add3A_948 = arith.constant 9600 : i32
            %add3A_949 = arith.addi %add3A_948, %sub3A_876 : i32
            %add3A_950 = vector.broadcast %add3A_949 : i32 to vector<16xi32>
            %add3A_951 = arith.addi %mul3A_3, %add3A_950 : vector<16xi32>
            %add3A_952 = vector.broadcast %mul3A_49 : i32 to vector<16xi32>
            %add3A_953 = arith.addi %add3A_951, %add3A_952 : vector<16xi32>
            %mul3A_954 = arith.constant 20 : i32
            %mul3A_955 = vector.broadcast %mul3A_954 : i32 to vector<16xi32>
            %mul3A_956 = arith.muli %get3A_941, %mul3A_955 : vector<16xi32>
            %add3A_957 = arith.addi %mul3A_956, %get3A_947 : vector<16xi32>
            tpu.vector_store_idx %arg6[%add3A_953], %add3A_957 : memref<25600xi32, #tpu.memory_space<vmem>>[vector<16xi32>], vector<16xi32>,
            %mul3A_958 = arith.constant 2 : i32
            %mul3A_959 = arith.muli %mul3A_958, %add3A_207 : i32
            %sub3A_960 = arith.constant 1 : i32
            %sub3A_961 = arith.subi %mul3A_959, %sub3A_960 : i32
            %mul3A_962 = arith.constant 128 : i32
            %mul3A_963 = arith.muli %sub3A_961, %mul3A_962 : i32
            %add3A_964 = arith.constant 0 : i32
            %add3A_965 = arith.addi %mul3A_963, %add3A_964 : i32
            %get3A_966 = arith.index_cast %add3A_965 : i32 to index
            %get3A_967 = tpu.vector_load %arg5[%get3A_966] {strides = array<i32>} : memref<25600xi32, #tpu.memory_space<vmem>>, vector<16xi32>,
            %add3A_968 = arith.constant 64 : i32
            %add3A_969 = arith.addi %mul3A_963, %add3A_968 : i32
            %add3A_970 = arith.constant 0 : i32
            %add3A_971 = arith.addi %add3A_969, %add3A_970 : i32
            %get3A_972 = arith.index_cast %add3A_971 : i32 to index
            %get3A_973 = tpu.vector_load %arg5[%get3A_972] {strides = array<i32>} : memref<25600xi32, #tpu.memory_space<vmem>>, vector<16xi32>,
            %add3A_974 = arith.constant 0 : i32
            %add3A_975 = arith.addi %add3A_974, %sub3A_961 : i32
            %add3A_976 = vector.broadcast %add3A_975 : i32 to vector<16xi32>
            %add3A_977 = arith.addi %mul3A_3, %add3A_976 : vector<16xi32>
            %add3A_978 = vector.broadcast %mul3A_49 : i32 to vector<16xi32>
            %add3A_979 = arith.addi %add3A_977, %add3A_978 : vector<16xi32>
            %mul3A_980 = arith.constant 20 : i32
            %mul3A_981 = vector.broadcast %mul3A_980 : i32 to vector<16xi32>
            %mul3A_982 = arith.muli %get3A_967, %mul3A_981 : vector<16xi32>
            %add3A_983 = arith.addi %mul3A_982, %get3A_973 : vector<16xi32>
            tpu.vector_store_idx %arg6[%add3A_979], %add3A_983 : memref<25600xi32, #tpu.memory_space<vmem>>[vector<16xi32>], vector<16xi32>,
            %add3A_984 = arith.constant 16 : i32
            %add3A_985 = arith.addi %mul3A_963, %add3A_984 : i32
            %get3A_986 = arith.index_cast %add3A_985 : i32 to index
            %get3A_987 = tpu.vector_load %arg5[%get3A_986] {strides = array<i32>} : memref<25600xi32, #tpu.memory_space<vmem>>, vector<16xi32>,
            %add3A_988 = arith.constant 64 : i32
            %add3A_989 = arith.addi %mul3A_963, %add3A_988 : i32
            %add3A_990 = arith.constant 16 : i32
            %add3A_991 = arith.addi %add3A_989, %add3A_990 : i32
            %get3A_992 = arith.index_cast %add3A_991 : i32 to index
            %get3A_993 = tpu.vector_load %arg5[%get3A_992] {strides = array<i32>} : memref<25600xi32, #tpu.memory_space<vmem>>, vector<16xi32>,
            %add3A_994 = arith.constant 3200 : i32
            %add3A_995 = arith.addi %add3A_994, %sub3A_961 : i32
            %add3A_996 = vector.broadcast %add3A_995 : i32 to vector<16xi32>
            %add3A_997 = arith.addi %mul3A_3, %add3A_996 : vector<16xi32>
            %add3A_998 = vector.broadcast %mul3A_49 : i32 to vector<16xi32>
            %add3A_999 = arith.addi %add3A_997, %add3A_998 : vector<16xi32>
            %mul3A_1000 = arith.constant 20 : i32
            %mul3A_1001 = vector.broadcast %mul3A_1000 : i32 to vector<16xi32>
            %mul3A_1002 = arith.muli %get3A_987, %mul3A_1001 : vector<16xi32>
            %add3A_1003 = arith.addi %mul3A_1002, %get3A_993 : vector<16xi32>
            tpu.vector_store_idx %arg6[%add3A_999], %add3A_1003 : memref<25600xi32, #tpu.memory_space<vmem>>[vector<16xi32>], vector<16xi32>,
            %add3A_1004 = arith.constant 32 : i32
            %add3A_1005 = arith.addi %mul3A_963, %add3A_1004 : i32
            %get3A_1006 = arith.index_cast %add3A_1005 : i32 to index
            %get3A_1007 = tpu.vector_load %arg5[%get3A_1006] {strides = array<i32>} : memref<25600xi32, #tpu.memory_space<vmem>>, vector<16xi32>,
            %add3A_1008 = arith.constant 64 : i32
            %add3A_1009 = arith.addi %mul3A_963, %add3A_1008 : i32
            %add3A_1010 = arith.constant 32 : i32
            %add3A_1011 = arith.addi %add3A_1009, %add3A_1010 : i32
            %get3A_1012 = arith.index_cast %add3A_1011 : i32 to index
            %get3A_1013 = tpu.vector_load %arg5[%get3A_1012] {strides = array<i32>} : memref<25600xi32, #tpu.memory_space<vmem>>, vector<16xi32>,
            %add3A_1014 = arith.constant 6400 : i32
            %add3A_1015 = arith.addi %add3A_1014, %sub3A_961 : i32
            %add3A_1016 = vector.broadcast %add3A_1015 : i32 to vector<16xi32>
            %add3A_1017 = arith.addi %mul3A_3, %add3A_1016 : vector<16xi32>
            %add3A_1018 = vector.broadcast %mul3A_49 : i32 to vector<16xi32>
            %add3A_1019 = arith.addi %add3A_1017, %add3A_1018 : vector<16xi32>
            %mul3A_1020 = arith.constant 20 : i32
            %mul3A_1021 = vector.broadcast %mul3A_1020 : i32 to vector<16xi32>
            %mul3A_1022 = arith.muli %get3A_1007, %mul3A_1021 : vector<16xi32>
            %add3A_1023 = arith.addi %mul3A_1022, %get3A_1013 : vector<16xi32>
            tpu.vector_store_idx %arg6[%add3A_1019], %add3A_1023 : memref<25600xi32, #tpu.memory_space<vmem>>[vector<16xi32>], vector<16xi32>,
            %add3A_1024 = arith.constant 48 : i32
            %add3A_1025 = arith.addi %mul3A_963, %add3A_1024 : i32
            %get3A_1026 = arith.index_cast %add3A_1025 : i32 to index
            %get3A_1027 = tpu.vector_load %arg5[%get3A_1026] {strides = array<i32>} : memref<25600xi32, #tpu.memory_space<vmem>>, vector<16xi32>,
            %add3A_1028 = arith.constant 64 : i32
            %add3A_1029 = arith.addi %mul3A_963, %add3A_1028 : i32
            %add3A_1030 = arith.constant 48 : i32
            %add3A_1031 = arith.addi %add3A_1029, %add3A_1030 : i32
            %get3A_1032 = arith.index_cast %add3A_1031 : i32 to index
            %get3A_1033 = tpu.vector_load %arg5[%get3A_1032] {strides = array<i32>} : memref<25600xi32, #tpu.memory_space<vmem>>, vector<16xi32>,
            %add3A_1034 = arith.constant 9600 : i32
            %add3A_1035 = arith.addi %add3A_1034, %sub3A_961 : i32
            %add3A_1036 = vector.broadcast %add3A_1035 : i32 to vector<16xi32>
            %add3A_1037 = arith.addi %mul3A_3, %add3A_1036 : vector<16xi32>
            %add3A_1038 = vector.broadcast %mul3A_49 : i32 to vector<16xi32>
            %add3A_1039 = arith.addi %add3A_1037, %add3A_1038 : vector<16xi32>
            %mul3A_1040 = arith.constant 20 : i32
            %mul3A_1041 = vector.broadcast %mul3A_1040 : i32 to vector<16xi32>
            %mul3A_1042 = arith.muli %get3A_1027, %mul3A_1041 : vector<16xi32>
            %add3A_1043 = arith.addi %mul3A_1042, %get3A_1033 : vector<16xi32>
            tpu.vector_store_idx %arg6[%add3A_1039], %add3A_1043 : memref<25600xi32, #tpu.memory_space<vmem>>[vector<16xi32>], vector<16xi32>,
          } else {
          }
          %add3A_405 = arith.constant 1 : i32
          %add3A_406 = arith.addi %scan3A_33, %add3A_405 : i32
          %mul3A_407 = arith.constant 4 : i32
          %mul3A_408 = arith.muli %add3A_207, %mul3A_407 : i32
          %add3A_409 = arith.constant 0 : i32
          %add3A_410 = arith.addi %mul3A_408, %add3A_409 : i32
          %mul3A_411 = arith.constant 4 : i32
          %mul3A_412 = arith.muli %add3A, %mul3A_411 : i32
          %jit3A_413 = arith.constant 2 : i32
          %div3A_414 = arith.divsi %add3A_406, %jit3A_413 : i32
          %sign3A_415 = arith.constant 0 : i32
          %sign3A_416 = arith.cmpi sgt, %add3A_406, %sign3A_415 : i32
          %sign3A_417 = arith.extui %sign3A_416 : i1 to i32
          %sign3A_418 = arith.constant 0 : i32
          %sign3A_419 = arith.cmpi slt, %add3A_406, %sign3A_418 : i32
          %sign3A_420 = arith.extui %sign3A_419 : i1 to i32
          %sign3A_421 = arith.subi %sign3A_417, %sign3A_420 : i32
          %sign3A_422 = arith.constant 0 : i32
          %sign3A_423 = arith.cmpi sgt, %jit3A_413, %sign3A_422 : i32
          %sign3A_424 = arith.extui %sign3A_423 : i1 to i32
          %sign3A_425 = arith.constant 0 : i32
          %sign3A_426 = arith.cmpi slt, %jit3A_413, %sign3A_425 : i32
          %sign3A_427 = arith.extui %sign3A_426 : i1 to i32
          %sign3A_428 = arith.subi %sign3A_424, %sign3A_427 : i32
          %ne3A_429 = arith.cmpi ne, %sign3A_421, %sign3A_428 : i32
          %rem3A_430 = arith.remsi %add3A_406, %jit3A_413 : i32
          %ne3A_431 = arith.constant 0 : i32
          %ne3A_432 = arith.cmpi ne, %rem3A_430, %ne3A_431 : i32
          %and3A_433 = arith.andi %ne3A_429, %ne3A_432 : i1
          %sub3A_434 = arith.constant 1 : i32
          %sub3A_435 = arith.subi %div3A_414, %sub3A_434 : i32
          %select_n3A_436 = arith.select %and3A_433, %sub3A_435, %div3A_414 : i32
          %add3A_437 = arith.addi %mul3A_412, %select_n3A_436 : i32
          %jit3A_438 = arith.constant 2 : i32
          %eq3A_439 = arith.constant 0 : i32
          %eq3A_440 = arith.cmpi eq, %jit3A_438, %eq3A_439 : i32
          %jit3A_441 = arith.constant 1 : i32
          %select_n3A_442 = arith.select %eq3A_440, %jit3A_441, %jit3A_438 : i32
          %rem3A_443 = arith.remsi %add3A_406, %select_n3A_442 : i32
          %ne3A_444 = arith.constant 0 : i32
          %ne3A_445 = arith.cmpi ne, %rem3A_443, %ne3A_444 : i32
          %lt3A_446 = arith.constant 0 : i32
          %lt3A_447 = arith.cmpi slt, %rem3A_443, %lt3A_446 : i32
          %lt3A_448 = arith.constant 0 : i32
          %lt3A_449 = arith.cmpi slt, %select_n3A_442, %lt3A_448 : i32
          %ne3A_450 = arith.xori %lt3A_447, %lt3A_449 : i1
          %and3A_451 = arith.andi %ne3A_450, %ne3A_445 : i1
          %add3A_452 = arith.addi %rem3A_443, %select_n3A_442 : i32
          %select_n3A_453 = arith.select %and3A_451, %add3A_452, %rem3A_443 : i32
          %mul3A_454 = arith.constant 64 : i32
          %mul3A_455 = arith.muli %select_n3A_453, %mul3A_454 : i32
          %jit3A_456 = arith.constant 2 : i32
          %div3A_457 = arith.divsi %add3A_410, %jit3A_456 : i32
          %sign3A_458 = arith.constant 0 : i32
          %sign3A_459 = arith.cmpi sgt, %add3A_410, %sign3A_458 : i32
          %sign3A_460 = arith.extui %sign3A_459 : i1 to i32
          %sign3A_461 = arith.constant 0 : i32
          %sign3A_462 = arith.cmpi slt, %add3A_410, %sign3A_461 : i32
          %sign3A_463 = arith.extui %sign3A_462 : i1 to i32
          %sign3A_464 = arith.subi %sign3A_460, %sign3A_463 : i32
          %sign3A_465 = arith.constant 0 : i32
          %sign3A_466 = arith.cmpi sgt, %jit3A_456, %sign3A_465 : i32
          %sign3A_467 = arith.extui %sign3A_466 : i1 to i32
          %sign3A_468 = arith.constant 0 : i32
          %sign3A_469 = arith.cmpi slt, %jit3A_456, %sign3A_468 : i32
          %sign3A_470 = arith.extui %sign3A_469 : i1 to i32
          %sign3A_471 = arith.subi %sign3A_467, %sign3A_470 : i32
          %ne3A_472 = arith.cmpi ne, %sign3A_464, %sign3A_471 : i32
          %rem3A_473 = arith.remsi %add3A_410, %jit3A_456 : i32
          %ne3A_474 = arith.constant 0 : i32
          %ne3A_475 = arith.cmpi ne, %rem3A_473, %ne3A_474 : i32
          %and3A_476 = arith.andi %ne3A_472, %ne3A_475 : i1
          %sub3A_477 = arith.constant 1 : i32
          %sub3A_478 = arith.subi %div3A_457, %sub3A_477 : i32
          %select_n3A_479 = arith.select %and3A_476, %sub3A_478, %div3A_457 : i32
          %jit3A_480 = arith.constant 2 : i32
          %eq3A_481 = arith.constant 0 : i32
          %eq3A_482 = arith.cmpi eq, %jit3A_480, %eq3A_481 : i32
          %jit3A_483 = arith.constant 1 : i32
          %select_n3A_484 = arith.select %eq3A_482, %jit3A_483, %jit3A_480 : i32
          %rem3A_485 = arith.remsi %add3A_410, %select_n3A_484 : i32
          %ne3A_486 = arith.constant 0 : i32
          %ne3A_487 = arith.cmpi ne, %rem3A_485, %ne3A_486 : i32
          %lt3A_488 = arith.constant 0 : i32
          %lt3A_489 = arith.cmpi slt, %rem3A_485, %lt3A_488 : i32
          %lt3A_490 = arith.constant 0 : i32
          %lt3A_491 = arith.cmpi slt, %select_n3A_484, %lt3A_490 : i32
          %ne3A_492 = arith.xori %lt3A_489, %lt3A_491 : i1
          %and3A_493 = arith.andi %ne3A_492, %ne3A_487 : i1
          %add3A_494 = arith.addi %rem3A_485, %select_n3A_484 : i32
          %select_n3A_495 = arith.select %and3A_493, %add3A_494, %rem3A_485 : i32
          %mul3A_496 = arith.constant 32768 : i32
          %mul3A_497 = arith.muli %select_n3A_479, %mul3A_496 : i32
          %mul3A_498 = arith.constant 256 : i32
          %mul3A_499 = arith.muli %add3A_437, %mul3A_498 : i32
          %add3A_500 = arith.addi %mul3A_497, %mul3A_499 : i32
          %mul3A_501 = arith.constant 128 : i32
          %mul3A_502 = arith.muli %select_n3A_495, %mul3A_501 : i32
          %add3A_503 = arith.addi %add3A_500, %mul3A_502 : i32
          %add3A_504 = arith.addi %add3A_503, %mul3A_455 : i32
          %mul3A_505 = arith.constant 128 : i32
          %mul3A_506 = arith.muli %select_n3A_479, %mul3A_505 : i32
          %mul3A_507 = arith.constant 64 : i32
          %mul3A_508 = arith.muli %select_n3A_495, %mul3A_507 : i32
          %add3A_509 = arith.addi %mul3A_506, %mul3A_508 : i32
          %dma_start3A_510 = tpu.memref_slice %arg5[%add3A_509] : memref<25600xi32, #tpu.memory_space<vmem>> -> memref<64xi32, #tpu.memory_space<vmem>>
          %dma_start3A_511 = tpu.memref_slice %arg2[%add3A_504] : memref<6553600xi32, #tpu.memory_space<hbm>> -> memref<64xi32, #tpu.memory_space<hbm>>
          %dma_start3A_512 = tpu.memref_slice %arg5[%add3A_509] : memref<25600xi32, #tpu.memory_space<vmem>> -> memref<64xi32, #tpu.memory_space<vmem>>
          %dma_start3A_513 = tpu.memref_slice %arg2[%add3A_504] : memref<6553600xi32, #tpu.memory_space<hbm>> -> memref<64xi32, #tpu.memory_space<hbm>>
          tpu.enqueue_dma source(%dma_start3A_513 : memref<64xi32, #tpu.memory_space<hbm>>) target(%dma_start3A_512 : memref<64xi32, #tpu.memory_space<vmem>>) target_semaphore(%arg9 : memref<!tpu.dma_semaphore, #tpu.memory_space<semaphore_mem>>)
          %add3A_514 = arith.constant 1 : i32
          %add3A_515 = arith.addi %scan3A_33, %add3A_514 : i32
          %mul3A_516 = arith.constant 4 : i32
          %mul3A_517 = arith.muli %add3A_207, %mul3A_516 : i32
          %add3A_518 = arith.constant 1 : i32
          %add3A_519 = arith.addi %mul3A_517, %add3A_518 : i32
          %mul3A_520 = arith.constant 4 : i32
          %mul3A_521 = arith.muli %add3A, %mul3A_520 : i32
          %jit3A_522 = arith.constant 2 : i32
          %div3A_523 = arith.divsi %add3A_515, %jit3A_522 : i32
          %sign3A_524 = arith.constant 0 : i32
          %sign3A_525 = arith.cmpi sgt, %add3A_515, %sign3A_524 : i32
          %sign3A_526 = arith.extui %sign3A_525 : i1 to i32
          %sign3A_527 = arith.constant 0 : i32
          %sign3A_528 = arith.cmpi slt, %add3A_515, %sign3A_527 : i32
          %sign3A_529 = arith.extui %sign3A_528 : i1 to i32
          %sign3A_530 = arith.subi %sign3A_526, %sign3A_529 : i32
          %sign3A_531 = arith.constant 0 : i32
          %sign3A_532 = arith.cmpi sgt, %jit3A_522, %sign3A_531 : i32
          %sign3A_533 = arith.extui %sign3A_532 : i1 to i32
          %sign3A_534 = arith.constant 0 : i32
          %sign3A_535 = arith.cmpi slt, %jit3A_522, %sign3A_534 : i32
          %sign3A_536 = arith.extui %sign3A_535 : i1 to i32
          %sign3A_537 = arith.subi %sign3A_533, %sign3A_536 : i32
          %ne3A_538 = arith.cmpi ne, %sign3A_530, %sign3A_537 : i32
          %rem3A_539 = arith.remsi %add3A_515, %jit3A_522 : i32
          %ne3A_540 = arith.constant 0 : i32
          %ne3A_541 = arith.cmpi ne, %rem3A_539, %ne3A_540 : i32
          %and3A_542 = arith.andi %ne3A_538, %ne3A_541 : i1
          %sub3A_543 = arith.constant 1 : i32
          %sub3A_544 = arith.subi %div3A_523, %sub3A_543 : i32
          %select_n3A_545 = arith.select %and3A_542, %sub3A_544, %div3A_523 : i32
          %add3A_546 = arith.addi %mul3A_521, %select_n3A_545 : i32
          %jit3A_547 = arith.constant 2 : i32
          %eq3A_548 = arith.constant 0 : i32
          %eq3A_549 = arith.cmpi eq, %jit3A_547, %eq3A_548 : i32
          %jit3A_550 = arith.constant 1 : i32
          %select_n3A_551 = arith.select %eq3A_549, %jit3A_550, %jit3A_547 : i32
          %rem3A_552 = arith.remsi %add3A_515, %select_n3A_551 : i32
          %ne3A_553 = arith.constant 0 : i32
          %ne3A_554 = arith.cmpi ne, %rem3A_552, %ne3A_553 : i32
          %lt3A_555 = arith.constant 0 : i32
          %lt3A_556 = arith.cmpi slt, %rem3A_552, %lt3A_555 : i32
          %lt3A_557 = arith.constant 0 : i32
          %lt3A_558 = arith.cmpi slt, %select_n3A_551, %lt3A_557 : i32
          %ne3A_559 = arith.xori %lt3A_556, %lt3A_558 : i1
          %and3A_560 = arith.andi %ne3A_559, %ne3A_554 : i1
          %add3A_561 = arith.addi %rem3A_552, %select_n3A_551 : i32
          %select_n3A_562 = arith.select %and3A_560, %add3A_561, %rem3A_552 : i32
          %mul3A_563 = arith.constant 64 : i32
          %mul3A_564 = arith.muli %select_n3A_562, %mul3A_563 : i32
          %jit3A_565 = arith.constant 2 : i32
          %div3A_566 = arith.divsi %add3A_519, %jit3A_565 : i32
          %sign3A_567 = arith.constant 0 : i32
          %sign3A_568 = arith.cmpi sgt, %add3A_519, %sign3A_567 : i32
          %sign3A_569 = arith.extui %sign3A_568 : i1 to i32
          %sign3A_570 = arith.constant 0 : i32
          %sign3A_571 = arith.cmpi slt, %add3A_519, %sign3A_570 : i32
          %sign3A_572 = arith.extui %sign3A_571 : i1 to i32
          %sign3A_573 = arith.subi %sign3A_569, %sign3A_572 : i32
          %sign3A_574 = arith.constant 0 : i32
          %sign3A_575 = arith.cmpi sgt, %jit3A_565, %sign3A_574 : i32
          %sign3A_576 = arith.extui %sign3A_575 : i1 to i32
          %sign3A_577 = arith.constant 0 : i32
          %sign3A_578 = arith.cmpi slt, %jit3A_565, %sign3A_577 : i32
          %sign3A_579 = arith.extui %sign3A_578 : i1 to i32
          %sign3A_580 = arith.subi %sign3A_576, %sign3A_579 : i32
          %ne3A_581 = arith.cmpi ne, %sign3A_573, %sign3A_580 : i32
          %rem3A_582 = arith.remsi %add3A_519, %jit3A_565 : i32
          %ne3A_583 = arith.constant 0 : i32
          %ne3A_584 = arith.cmpi ne, %rem3A_582, %ne3A_583 : i32
          %and3A_585 = arith.andi %ne3A_581, %ne3A_584 : i1
          %sub3A_586 = arith.constant 1 : i32
          %sub3A_587 = arith.subi %div3A_566, %sub3A_586 : i32
          %select_n3A_588 = arith.select %and3A_585, %sub3A_587, %div3A_566 : i32
          %jit3A_589 = arith.constant 2 : i32
          %eq3A_590 = arith.constant 0 : i32
          %eq3A_591 = arith.cmpi eq, %jit3A_589, %eq3A_590 : i32
          %jit3A_592 = arith.constant 1 : i32
          %select_n3A_593 = arith.select %eq3A_591, %jit3A_592, %jit3A_589 : i32
          %rem3A_594 = arith.remsi %add3A_519, %select_n3A_593 : i32
          %ne3A_595 = arith.constant 0 : i32
          %ne3A_596 = arith.cmpi ne, %rem3A_594, %ne3A_595 : i32
          %lt3A_597 = arith.constant 0 : i32
          %lt3A_598 = arith.cmpi slt, %rem3A_594, %lt3A_597 : i32
          %lt3A_599 = arith.constant 0 : i32
          %lt3A_600 = arith.cmpi slt, %select_n3A_593, %lt3A_599 : i32
          %ne3A_601 = arith.xori %lt3A_598, %lt3A_600 : i1
          %and3A_602 = arith.andi %ne3A_601, %ne3A_596 : i1
          %add3A_603 = arith.addi %rem3A_594, %select_n3A_593 : i32
          %select_n3A_604 = arith.select %and3A_602, %add3A_603, %rem3A_594 : i32
          %mul3A_605 = arith.constant 32768 : i32
          %mul3A_606 = arith.muli %select_n3A_588, %mul3A_605 : i32
          %mul3A_607 = arith.constant 256 : i32
          %mul3A_608 = arith.muli %add3A_546, %mul3A_607 : i32
          %add3A_609 = arith.addi %mul3A_606, %mul3A_608 : i32
          %mul3A_610 = arith.constant 128 : i32
          %mul3A_611 = arith.muli %select_n3A_604, %mul3A_610 : i32
          %add3A_612 = arith.addi %add3A_609, %mul3A_611 : i32
          %add3A_613 = arith.addi %add3A_612, %mul3A_564 : i32
          %mul3A_614 = arith.constant 128 : i32
          %mul3A_615 = arith.muli %select_n3A_588, %mul3A_614 : i32
          %mul3A_616 = arith.constant 64 : i32
          %mul3A_617 = arith.muli %select_n3A_604, %mul3A_616 : i32
          %add3A_618 = arith.addi %mul3A_615, %mul3A_617 : i32
          %dma_start3A_619 = tpu.memref_slice %arg5[%add3A_618] : memref<25600xi32, #tpu.memory_space<vmem>> -> memref<64xi32, #tpu.memory_space<vmem>>
          %dma_start3A_620 = tpu.memref_slice %arg2[%add3A_613] : memref<6553600xi32, #tpu.memory_space<hbm>> -> memref<64xi32, #tpu.memory_space<hbm>>
          %dma_start3A_621 = tpu.memref_slice %arg5[%add3A_618] : memref<25600xi32, #tpu.memory_space<vmem>> -> memref<64xi32, #tpu.memory_space<vmem>>
          %dma_start3A_622 = tpu.memref_slice %arg2[%add3A_613] : memref<6553600xi32, #tpu.memory_space<hbm>> -> memref<64xi32, #tpu.memory_space<hbm>>
          tpu.enqueue_dma source(%dma_start3A_622 : memref<64xi32, #tpu.memory_space<hbm>>) target(%dma_start3A_621 : memref<64xi32, #tpu.memory_space<vmem>>) target_semaphore(%arg9 : memref<!tpu.dma_semaphore, #tpu.memory_space<semaphore_mem>>)
          %add3A_623 = arith.constant 1 : i32
          %add3A_624 = arith.addi %scan3A_33, %add3A_623 : i32
          %mul3A_625 = arith.constant 4 : i32
          %mul3A_626 = arith.muli %add3A_207, %mul3A_625 : i32
          %add3A_627 = arith.constant 2 : i32
          %add3A_628 = arith.addi %mul3A_626, %add3A_627 : i32
          %mul3A_629 = arith.constant 4 : i32
          %mul3A_630 = arith.muli %add3A, %mul3A_629 : i32
          %jit3A_631 = arith.constant 2 : i32
          %div3A_632 = arith.divsi %add3A_624, %jit3A_631 : i32
          %sign3A_633 = arith.constant 0 : i32
          %sign3A_634 = arith.cmpi sgt, %add3A_624, %sign3A_633 : i32
          %sign3A_635 = arith.extui %sign3A_634 : i1 to i32
          %sign3A_636 = arith.constant 0 : i32
          %sign3A_637 = arith.cmpi slt, %add3A_624, %sign3A_636 : i32
          %sign3A_638 = arith.extui %sign3A_637 : i1 to i32
          %sign3A_639 = arith.subi %sign3A_635, %sign3A_638 : i32
          %sign3A_640 = arith.constant 0 : i32
          %sign3A_641 = arith.cmpi sgt, %jit3A_631, %sign3A_640 : i32
          %sign3A_642 = arith.extui %sign3A_641 : i1 to i32
          %sign3A_643 = arith.constant 0 : i32
          %sign3A_644 = arith.cmpi slt, %jit3A_631, %sign3A_643 : i32
          %sign3A_645 = arith.extui %sign3A_644 : i1 to i32
          %sign3A_646 = arith.subi %sign3A_642, %sign3A_645 : i32
          %ne3A_647 = arith.cmpi ne, %sign3A_639, %sign3A_646 : i32
          %rem3A_648 = arith.remsi %add3A_624, %jit3A_631 : i32
          %ne3A_649 = arith.constant 0 : i32
          %ne3A_650 = arith.cmpi ne, %rem3A_648, %ne3A_649 : i32
          %and3A_651 = arith.andi %ne3A_647, %ne3A_650 : i1
          %sub3A_652 = arith.constant 1 : i32
          %sub3A_653 = arith.subi %div3A_632, %sub3A_652 : i32
          %select_n3A_654 = arith.select %and3A_651, %sub3A_653, %div3A_632 : i32
          %add3A_655 = arith.addi %mul3A_630, %select_n3A_654 : i32
          %jit3A_656 = arith.constant 2 : i32
          %eq3A_657 = arith.constant 0 : i32
          %eq3A_658 = arith.cmpi eq, %jit3A_656, %eq3A_657 : i32
          %jit3A_659 = arith.constant 1 : i32
          %select_n3A_660 = arith.select %eq3A_658, %jit3A_659, %jit3A_656 : i32
          %rem3A_661 = arith.remsi %add3A_624, %select_n3A_660 : i32
          %ne3A_662 = arith.constant 0 : i32
          %ne3A_663 = arith.cmpi ne, %rem3A_661, %ne3A_662 : i32
          %lt3A_664 = arith.constant 0 : i32
          %lt3A_665 = arith.cmpi slt, %rem3A_661, %lt3A_664 : i32
          %lt3A_666 = arith.constant 0 : i32
          %lt3A_667 = arith.cmpi slt, %select_n3A_660, %lt3A_666 : i32
          %ne3A_668 = arith.xori %lt3A_665, %lt3A_667 : i1
          %and3A_669 = arith.andi %ne3A_668, %ne3A_663 : i1
          %add3A_670 = arith.addi %rem3A_661, %select_n3A_660 : i32
          %select_n3A_671 = arith.select %and3A_669, %add3A_670, %rem3A_661 : i32
          %mul3A_672 = arith.constant 64 : i32
          %mul3A_673 = arith.muli %select_n3A_671, %mul3A_672 : i32
          %jit3A_674 = arith.constant 2 : i32
          %div3A_675 = arith.divsi %add3A_628, %jit3A_674 : i32
          %sign3A_676 = arith.constant 0 : i32
          %sign3A_677 = arith.cmpi sgt, %add3A_628, %sign3A_676 : i32
          %sign3A_678 = arith.extui %sign3A_677 : i1 to i32
          %sign3A_679 = arith.constant 0 : i32
          %sign3A_680 = arith.cmpi slt, %add3A_628, %sign3A_679 : i32
          %sign3A_681 = arith.extui %sign3A_680 : i1 to i32
          %sign3A_682 = arith.subi %sign3A_678, %sign3A_681 : i32
          %sign3A_683 = arith.constant 0 : i32
          %sign3A_684 = arith.cmpi sgt, %jit3A_674, %sign3A_683 : i32
          %sign3A_685 = arith.extui %sign3A_684 : i1 to i32
          %sign3A_686 = arith.constant 0 : i32
          %sign3A_687 = arith.cmpi slt, %jit3A_674, %sign3A_686 : i32
          %sign3A_688 = arith.extui %sign3A_687 : i1 to i32
          %sign3A_689 = arith.subi %sign3A_685, %sign3A_688 : i32
          %ne3A_690 = arith.cmpi ne, %sign3A_682, %sign3A_689 : i32
          %rem3A_691 = arith.remsi %add3A_628, %jit3A_674 : i32
          %ne3A_692 = arith.constant 0 : i32
          %ne3A_693 = arith.cmpi ne, %rem3A_691, %ne3A_692 : i32
          %and3A_694 = arith.andi %ne3A_690, %ne3A_693 : i1
          %sub3A_695 = arith.constant 1 : i32
          %sub3A_696 = arith.subi %div3A_675, %sub3A_695 : i32
          %select_n3A_697 = arith.select %and3A_694, %sub3A_696, %div3A_675 : i32
          %jit3A_698 = arith.constant 2 : i32
          %eq3A_699 = arith.constant 0 : i32
          %eq3A_700 = arith.cmpi eq, %jit3A_698, %eq3A_699 : i32
          %jit3A_701 = arith.constant 1 : i32
          %select_n3A_702 = arith.select %eq3A_700, %jit3A_701, %jit3A_698 : i32
          %rem3A_703 = arith.remsi %add3A_628, %select_n3A_702 : i32
          %ne3A_704 = arith.constant 0 : i32
          %ne3A_705 = arith.cmpi ne, %rem3A_703, %ne3A_704 : i32
          %lt3A_706 = arith.constant 0 : i32
          %lt3A_707 = arith.cmpi slt, %rem3A_703, %lt3A_706 : i32
          %lt3A_708 = arith.constant 0 : i32
          %lt3A_709 = arith.cmpi slt, %select_n3A_702, %lt3A_708 : i32
          %ne3A_710 = arith.xori %lt3A_707, %lt3A_709 : i1
          %and3A_711 = arith.andi %ne3A_710, %ne3A_705 : i1
          %add3A_712 = arith.addi %rem3A_703, %select_n3A_702 : i32
          %select_n3A_713 = arith.select %and3A_711, %add3A_712, %rem3A_703 : i32
          %mul3A_714 = arith.constant 32768 : i32
          %mul3A_715 = arith.muli %select_n3A_697, %mul3A_714 : i32
          %mul3A_716 = arith.constant 256 : i32
          %mul3A_717 = arith.muli %add3A_655, %mul3A_716 : i32
          %add3A_718 = arith.addi %mul3A_715, %mul3A_717 : i32
          %mul3A_719 = arith.constant 128 : i32
          %mul3A_720 = arith.muli %select_n3A_713, %mul3A_719 : i32
          %add3A_721 = arith.addi %add3A_718, %mul3A_720 : i32
          %add3A_722 = arith.addi %add3A_721, %mul3A_673 : i32
          %mul3A_723 = arith.constant 128 : i32
          %mul3A_724 = arith.muli %select_n3A_697, %mul3A_723 : i32
          %mul3A_725 = arith.constant 64 : i32
          %mul3A_726 = arith.muli %select_n3A_713, %mul3A_725 : i32
          %add3A_727 = arith.addi %mul3A_724, %mul3A_726 : i32
          %dma_start3A_728 = tpu.memref_slice %arg5[%add3A_727] : memref<25600xi32, #tpu.memory_space<vmem>> -> memref<64xi32, #tpu.memory_space<vmem>>
          %dma_start3A_729 = tpu.memref_slice %arg2[%add3A_722] : memref<6553600xi32, #tpu.memory_space<hbm>> -> memref<64xi32, #tpu.memory_space<hbm>>
          %dma_start3A_730 = tpu.memref_slice %arg5[%add3A_727] : memref<25600xi32, #tpu.memory_space<vmem>> -> memref<64xi32, #tpu.memory_space<vmem>>
          %dma_start3A_731 = tpu.memref_slice %arg2[%add3A_722] : memref<6553600xi32, #tpu.memory_space<hbm>> -> memref<64xi32, #tpu.memory_space<hbm>>
          tpu.enqueue_dma source(%dma_start3A_731 : memref<64xi32, #tpu.memory_space<hbm>>) target(%dma_start3A_730 : memref<64xi32, #tpu.memory_space<vmem>>) target_semaphore(%arg9 : memref<!tpu.dma_semaphore, #tpu.memory_space<semaphore_mem>>)
          %add3A_732 = arith.constant 1 : i32
          %add3A_733 = arith.addi %scan3A_33, %add3A_732 : i32
          %mul3A_734 = arith.constant 4 : i32
          %mul3A_735 = arith.muli %add3A_207, %mul3A_734 : i32
          %add3A_736 = arith.constant 3 : i32
          %add3A_737 = arith.addi %mul3A_735, %add3A_736 : i32
          %mul3A_738 = arith.constant 4 : i32
          %mul3A_739 = arith.muli %add3A, %mul3A_738 : i32
          %jit3A_740 = arith.constant 2 : i32
          %div3A_741 = arith.divsi %add3A_733, %jit3A_740 : i32
          %sign3A_742 = arith.constant 0 : i32
          %sign3A_743 = arith.cmpi sgt, %add3A_733, %sign3A_742 : i32
          %sign3A_744 = arith.extui %sign3A_743 : i1 to i32
          %sign3A_745 = arith.constant 0 : i32
          %sign3A_746 = arith.cmpi slt, %add3A_733, %sign3A_745 : i32
          %sign3A_747 = arith.extui %sign3A_746 : i1 to i32
          %sign3A_748 = arith.subi %sign3A_744, %sign3A_747 : i32
          %sign3A_749 = arith.constant 0 : i32
          %sign3A_750 = arith.cmpi sgt, %jit3A_740, %sign3A_749 : i32
          %sign3A_751 = arith.extui %sign3A_750 : i1 to i32
          %sign3A_752 = arith.constant 0 : i32
          %sign3A_753 = arith.cmpi slt, %jit3A_740, %sign3A_752 : i32
          %sign3A_754 = arith.extui %sign3A_753 : i1 to i32
          %sign3A_755 = arith.subi %sign3A_751, %sign3A_754 : i32
          %ne3A_756 = arith.cmpi ne, %sign3A_748, %sign3A_755 : i32
          %rem3A_757 = arith.remsi %add3A_733, %jit3A_740 : i32
          %ne3A_758 = arith.constant 0 : i32
          %ne3A_759 = arith.cmpi ne, %rem3A_757, %ne3A_758 : i32
          %and3A_760 = arith.andi %ne3A_756, %ne3A_759 : i1
          %sub3A_761 = arith.constant 1 : i32
          %sub3A_762 = arith.subi %div3A_741, %sub3A_761 : i32
          %select_n3A_763 = arith.select %and3A_760, %sub3A_762, %div3A_741 : i32
          %add3A_764 = arith.addi %mul3A_739, %select_n3A_763 : i32
          %jit3A_765 = arith.constant 2 : i32
          %eq3A_766 = arith.constant 0 : i32
          %eq3A_767 = arith.cmpi eq, %jit3A_765, %eq3A_766 : i32
          %jit3A_768 = arith.constant 1 : i32
          %select_n3A_769 = arith.select %eq3A_767, %jit3A_768, %jit3A_765 : i32
          %rem3A_770 = arith.remsi %add3A_733, %select_n3A_769 : i32
          %ne3A_771 = arith.constant 0 : i32
          %ne3A_772 = arith.cmpi ne, %rem3A_770, %ne3A_771 : i32
          %lt3A_773 = arith.constant 0 : i32
          %lt3A_774 = arith.cmpi slt, %rem3A_770, %lt3A_773 : i32
          %lt3A_775 = arith.constant 0 : i32
          %lt3A_776 = arith.cmpi slt, %select_n3A_769, %lt3A_775 : i32
          %ne3A_777 = arith.xori %lt3A_774, %lt3A_776 : i1
          %and3A_778 = arith.andi %ne3A_777, %ne3A_772 : i1
          %add3A_779 = arith.addi %rem3A_770, %select_n3A_769 : i32
          %select_n3A_780 = arith.select %and3A_778, %add3A_779, %rem3A_770 : i32
          %mul3A_781 = arith.constant 64 : i32
          %mul3A_782 = arith.muli %select_n3A_780, %mul3A_781 : i32
          %jit3A_783 = arith.constant 2 : i32
          %div3A_784 = arith.divsi %add3A_737, %jit3A_783 : i32
          %sign3A_785 = arith.constant 0 : i32
          %sign3A_786 = arith.cmpi sgt, %add3A_737, %sign3A_785 : i32
          %sign3A_787 = arith.extui %sign3A_786 : i1 to i32
          %sign3A_788 = arith.constant 0 : i32
          %sign3A_789 = arith.cmpi slt, %add3A_737, %sign3A_788 : i32
          %sign3A_790 = arith.extui %sign3A_789 : i1 to i32
          %sign3A_791 = arith.subi %sign3A_787, %sign3A_790 : i32
          %sign3A_792 = arith.constant 0 : i32
          %sign3A_793 = arith.cmpi sgt, %jit3A_783, %sign3A_792 : i32
          %sign3A_794 = arith.extui %sign3A_793 : i1 to i32
          %sign3A_795 = arith.constant 0 : i32
          %sign3A_796 = arith.cmpi slt, %jit3A_783, %sign3A_795 : i32
          %sign3A_797 = arith.extui %sign3A_796 : i1 to i32
          %sign3A_798 = arith.subi %sign3A_794, %sign3A_797 : i32
          %ne3A_799 = arith.cmpi ne, %sign3A_791, %sign3A_798 : i32
          %rem3A_800 = arith.remsi %add3A_737, %jit3A_783 : i32
          %ne3A_801 = arith.constant 0 : i32
          %ne3A_802 = arith.cmpi ne, %rem3A_800, %ne3A_801 : i32
          %and3A_803 = arith.andi %ne3A_799, %ne3A_802 : i1
          %sub3A_804 = arith.constant 1 : i32
          %sub3A_805 = arith.subi %div3A_784, %sub3A_804 : i32
          %select_n3A_806 = arith.select %and3A_803, %sub3A_805, %div3A_784 : i32
          %jit3A_807 = arith.constant 2 : i32
          %eq3A_808 = arith.constant 0 : i32
          %eq3A_809 = arith.cmpi eq, %jit3A_807, %eq3A_808 : i32
          %jit3A_810 = arith.constant 1 : i32
          %select_n3A_811 = arith.select %eq3A_809, %jit3A_810, %jit3A_807 : i32
          %rem3A_812 = arith.remsi %add3A_737, %select_n3A_811 : i32
          %ne3A_813 = arith.constant 0 : i32
          %ne3A_814 = arith.cmpi ne, %rem3A_812, %ne3A_813 : i32
          %lt3A_815 = arith.constant 0 : i32
          %lt3A_816 = arith.cmpi slt, %rem3A_812, %lt3A_815 : i32
          %lt3A_817 = arith.constant 0 : i32
          %lt3A_818 = arith.cmpi slt, %select_n3A_811, %lt3A_817 : i32
          %ne3A_819 = arith.xori %lt3A_816, %lt3A_818 : i1
          %and3A_820 = arith.andi %ne3A_819, %ne3A_814 : i1
          %add3A_821 = arith.addi %rem3A_812, %select_n3A_811 : i32
          %select_n3A_822 = arith.select %and3A_820, %add3A_821, %rem3A_812 : i32
          %mul3A_823 = arith.constant 32768 : i32
          %mul3A_824 = arith.muli %select_n3A_806, %mul3A_823 : i32
          %mul3A_825 = arith.constant 256 : i32
          %mul3A_826 = arith.muli %add3A_764, %mul3A_825 : i32
          %add3A_827 = arith.addi %mul3A_824, %mul3A_826 : i32
          %mul3A_828 = arith.constant 128 : i32
          %mul3A_829 = arith.muli %select_n3A_822, %mul3A_828 : i32
          %add3A_830 = arith.addi %add3A_827, %mul3A_829 : i32
          %add3A_831 = arith.addi %add3A_830, %mul3A_782 : i32
          %mul3A_832 = arith.constant 128 : i32
          %mul3A_833 = arith.muli %select_n3A_806, %mul3A_832 : i32
          %mul3A_834 = arith.constant 64 : i32
          %mul3A_835 = arith.muli %select_n3A_822, %mul3A_834 : i32
          %add3A_836 = arith.addi %mul3A_833, %mul3A_835 : i32
          %dma_start3A_837 = tpu.memref_slice %arg5[%add3A_836] : memref<25600xi32, #tpu.memory_space<vmem>> -> memref<64xi32, #tpu.memory_space<vmem>>
          %dma_start3A_838 = tpu.memref_slice %arg2[%add3A_831] : memref<6553600xi32, #tpu.memory_space<hbm>> -> memref<64xi32, #tpu.memory_space<hbm>>
          %dma_start3A_839 = tpu.memref_slice %arg5[%add3A_836] : memref<25600xi32, #tpu.memory_space<vmem>> -> memref<64xi32, #tpu.memory_space<vmem>>
          %dma_start3A_840 = tpu.memref_slice %arg2[%add3A_831] : memref<6553600xi32, #tpu.memory_space<hbm>> -> memref<64xi32, #tpu.memory_space<hbm>>
          tpu.enqueue_dma source(%dma_start3A_840 : memref<64xi32, #tpu.memory_space<hbm>>) target(%dma_start3A_839 : memref<64xi32, #tpu.memory_space<vmem>>) target_semaphore(%arg9 : memref<!tpu.dma_semaphore, #tpu.memory_space<semaphore_mem>>)
        } else {
        }
        %gt3A = arith.constant 0 : i32
        %gt3A_213 = arith.cmpi sgt, %scan3A_202, %gt3A : i32
        %convert_element_type3A_214 = arith.extui %gt3A_213 : i1 to i32
        %cond3A_215 = arith.constant 0 : i32
        %cond3A_216 = arith.cmpi ne, %convert_element_type3A_214, %cond3A_215 : i32
        scf.if %cond3A_216 {
          %dma_wait3A_400 = arith.constant 3 : i32
          %dma_wait3A_401 = arith.constant 0 : i32
          %dma_wait3A_402 = arith.constant 0 : i32
          %dma_wait3A_403 = tpu.memref_slice %arg7[%dma_wait3A_400, %dma_wait3A_401, %dma_wait3A_402] : memref<4x128x128xf32, #tpu.memory_space<vmem>> -> memref<1x128x128xf32, #tpu.memory_space<vmem>>
          %dma_wait3A_404 = tpu.memref_squeeze %dma_wait3A_403 : memref<1x128x128xf32, #tpu.memory_space<vmem>> -> memref<128x128xf32, #tpu.memory_space<vmem>>
          %dma_wait3A_405 = arith.constant 0 : i32
          %dma_wait3A_406 = arith.constant 0 : i32
          %dma_wait3A_407 = tpu.memref_slice %arg4[%dma_wait3A_405, %dma_wait3A_406] : memref<3276800x128xf32, #tpu.memory_space<hbm>> -> memref<128x128xf32, #tpu.memory_space<hbm>>
          %dma_wait3A_408 = arith.constant 0 : i32
          %dma_wait3A_409 = arith.constant 0 : i32
          %dma_wait3A_410 = tpu.memref_slice %arg4[%dma_wait3A_408, %dma_wait3A_409] : memref<3276800x128xf32, #tpu.memory_space<hbm>> -> memref<128x128xf32, #tpu.memory_space<hbm>>
          %dma_wait3A_411 = arith.constant 0 : i32
          %dma_wait3A_412 = arith.constant 0 : i32
          %dma_wait3A_413 = tpu.memref_slice %arg7[%dma_wait3A_400, %dma_wait3A_411, %dma_wait3A_412] : memref<4x128x128xf32, #tpu.memory_space<vmem>> -> memref<1x128x128xf32, #tpu.memory_space<vmem>>
          %dma_wait3A_414 = tpu.memref_squeeze %dma_wait3A_413 : memref<1x128x128xf32, #tpu.memory_space<vmem>> -> memref<128x128xf32, #tpu.memory_space<vmem>>
          tpu.wait_dma2 semaphore(%arg17 : memref<!tpu.dma_semaphore, #tpu.memory_space<semaphore_mem>>) src(%dma_wait3A_414 : memref<128x128xf32, #tpu.memory_space<vmem>>) dst(%dma_wait3A_410 : memref<128x128xf32, #tpu.memory_space<hbm>>)
        } else {
        }
        %add3A_217 = arith.constant 4 : i32
        %add3A_218 = arith.addi %add3A_207, %add3A_217 : i32
        %sub3A_219 = arith.constant 1 : i32
        %sub3A_220 = arith.subi %add3A_218, %sub3A_219 : i32
        %mul3A_221 = arith.constant 128 : i32
        %mul3A_222 = arith.muli %sub3A_220, %mul3A_221 : i32
        %add3A_223 = arith.addi %mul3A_46, %mul3A_222 : i32
        %dma_start3A_224 = arith.constant 3 : i32
        %dma_start3A_225 = arith.constant 0 : i32
        %dma_start3A_226 = arith.constant 0 : i32
        %dma_start3A_227 = tpu.memref_slice %arg7[%dma_start3A_224, %dma_start3A_225, %dma_start3A_226] : memref<4x128x128xf32, #tpu.memory_space<vmem>> -> memref<1x128x128xf32, #tpu.memory_space<vmem>>
        %dma_start3A_228 = tpu.memref_squeeze %dma_start3A_227 : memref<1x128x128xf32, #tpu.memory_space<vmem>> -> memref<128x128xf32, #tpu.memory_space<vmem>>
        %dma_start3A_229 = tpu.memref_slice %arg6[%add3A_223] : memref<25600xi32, #tpu.memory_space<vmem>> -> memref<128xi32, #tpu.memory_space<vmem>>
        %dma_start3A_230 = arith.constant 0 : i32
        %dma_start3A_231 = arith.constant 0 : i32
        %dma_start3A_232 = tpu.memref_slice %arg8[%dma_start3A_230, %dma_start3A_231] : memref<400x128xf32, #tpu.memory_space<vmem_shared>> -> memref<400x128xf32, #tpu.memory_space<vmem_shared>>
        tpu.enqueue_indirect_dma source(%dma_start3A_232 : memref<400x128xf32, #tpu.memory_space<vmem_shared>>) target(%dma_start3A_228 : memref<128x128xf32, #tpu.memory_space<vmem>>) offsets(%dma_start3A_229 : memref<128xi32, #tpu.memory_space<vmem>>) semaphore(%arg13 : memref<!tpu.dma_semaphore, #tpu.memory_space<semaphore_mem>>)
        %dma_wait3A_233 = arith.constant 0 : i32
        %dma_wait3A_234 = arith.constant 0 : i32
        %dma_wait3A_235 = arith.constant 0 : i32
        %dma_wait3A_236 = tpu.memref_slice %arg7[%dma_wait3A_233, %dma_wait3A_234, %dma_wait3A_235] : memref<4x128x128xf32, #tpu.memory_space<vmem>> -> memref<1x128x128xf32, #tpu.memory_space<vmem>>
        %dma_wait3A_237 = tpu.memref_squeeze %dma_wait3A_236 : memref<1x128x128xf32, #tpu.memory_space<vmem>> -> memref<128x128xf32, #tpu.memory_space<vmem>>
        %dma_wait3A_238 = arith.constant 0 : i32
        %dma_wait3A_239 = arith.constant 0 : i32
        %dma_wait3A_240 = tpu.memref_slice %arg3[%dma_wait3A_238, %dma_wait3A_239] : memref<400x128xf32, #tpu.memory_space<hbm>> -> memref<128x128xf32, #tpu.memory_space<hbm>>
        %dma_wait3A_241 = arith.constant 0 : i32
        %dma_wait3A_242 = arith.constant 0 : i32
        %dma_wait3A_243 = tpu.memref_slice %arg7[%dma_wait3A_233, %dma_wait3A_241, %dma_wait3A_242] : memref<4x128x128xf32, #tpu.memory_space<vmem>> -> memref<1x128x128xf32, #tpu.memory_space<vmem>>
        %dma_wait3A_244 = tpu.memref_squeeze %dma_wait3A_243 : memref<1x128x128xf32, #tpu.memory_space<vmem>> -> memref<128x128xf32, #tpu.memory_space<vmem>>
        %dma_wait3A_245 = arith.constant 0 : i32
        %dma_wait3A_246 = arith.constant 0 : i32
        %dma_wait3A_247 = tpu.memref_slice %arg3[%dma_wait3A_245, %dma_wait3A_246] : memref<400x128xf32, #tpu.memory_space<hbm>> -> memref<128x128xf32, #tpu.memory_space<hbm>>
        tpu.wait_dma2 semaphore(%arg10 : memref<!tpu.dma_semaphore, #tpu.memory_space<semaphore_mem>>) src(%dma_wait3A_247 : memref<128x128xf32, #tpu.memory_space<hbm>>) dst(%dma_wait3A_244 : memref<128x128xf32, #tpu.memory_space<vmem>>)
        %mul3A_248 = arith.constant 128 : i32
        %mul3A_249 = arith.muli %add3A_207, %mul3A_248 : i32
        %add3A_250 = arith.addi %mul3A_97, %mul3A_249 : i32
        %dma_start3A_251 = arith.constant 0 : i32
        %dma_start3A_252 = arith.constant 0 : i32
        %dma_start3A_253 = arith.constant 0 : i32
        %dma_start3A_254 = tpu.memref_slice %arg7[%dma_start3A_251, %dma_start3A_252, %dma_start3A_253] : memref<4x128x128xf32, #tpu.memory_space<vmem>> -> memref<1x128x128xf32, #tpu.memory_space<vmem>>
        %dma_start3A_255 = tpu.memref_squeeze %dma_start3A_254 : memref<1x128x128xf32, #tpu.memory_space<vmem>> -> memref<128x128xf32, #tpu.memory_space<vmem>>
        %dma_start3A_256 = arith.constant 0 : i32
        %dma_start3A_257 = tpu.memref_slice %arg4[%add3A_250, %dma_start3A_256] : memref<3276800x128xf32, #tpu.memory_space<hbm>> -> memref<128x128xf32, #tpu.memory_space<hbm>>
        %dma_start3A_258 = arith.constant 0 : i32
        %dma_start3A_259 = tpu.memref_slice %arg4[%add3A_250, %dma_start3A_258] : memref<3276800x128xf32, #tpu.memory_space<hbm>> -> memref<128x128xf32, #tpu.memory_space<hbm>>
        %dma_start3A_260 = arith.constant 0 : i32
        %dma_start3A_261 = arith.constant 0 : i32
        %dma_start3A_262 = tpu.memref_slice %arg7[%dma_start3A_251, %dma_start3A_260, %dma_start3A_261] : memref<4x128x128xf32, #tpu.memory_space<vmem>> -> memref<1x128x128xf32, #tpu.memory_space<vmem>>
        %dma_start3A_263 = tpu.memref_squeeze %dma_start3A_262 : memref<1x128x128xf32, #tpu.memory_space<vmem>> -> memref<128x128xf32, #tpu.memory_space<vmem>>
        tpu.enqueue_dma source(%dma_start3A_263 : memref<128x128xf32, #tpu.memory_space<vmem>>) target(%dma_start3A_259 : memref<128x128xf32, #tpu.memory_space<hbm>>) target_semaphore(%arg14 : memref<!tpu.dma_semaphore, #tpu.memory_space<semaphore_mem>>)
        %mul3A_264 = arith.constant 4 : i32
        %mul3A_265 = arith.muli %scan3A_202, %mul3A_264 : i32
        %add3A_266 = arith.constant 1 : i32
        %add3A_267 = arith.addi %mul3A_265, %add3A_266 : i32
        %lt3A_268 = arith.constant 7 : i32
        %lt3A_269 = arith.cmpi slt, %scan3A_33, %lt3A_268 : i32
        %convert_element_type3A_270 = arith.extui %lt3A_269 : i1 to i32
        %cond3A_271 = arith.constant 0 : i32
        %cond3A_272 = arith.cmpi ne, %convert_element_type3A_270, %cond3A_271 : i32
        scf.if %cond3A_272 {
          %gt3A_400 = arith.constant 0 : i32
          %gt3A_401 = arith.cmpi sgt, %add3A_267, %gt3A_400 : i32
          %convert_element_type3A_402 = arith.extui %gt3A_401 : i1 to i32
          %cond3A_403 = arith.constant 0 : i32
          %cond3A_404 = arith.cmpi ne, %convert_element_type3A_402, %cond3A_403 : i32
          scf.if %cond3A_404 {
            %dma_wait3A_841 = arith.constant 0 : i32
            %dma_wait3A_842 = tpu.memref_slice %arg5[%dma_wait3A_841] : memref<25600xi32, #tpu.memory_space<vmem>> -> memref<64xi32, #tpu.memory_space<vmem>>
            %dma_wait3A_843 = arith.constant 0 : i32
            %dma_wait3A_844 = tpu.memref_slice %arg2[%dma_wait3A_843] : memref<6553600xi32, #tpu.memory_space<hbm>> -> memref<64xi32, #tpu.memory_space<hbm>>
            %dma_wait3A_845 = arith.constant 0 : i32
            %dma_wait3A_846 = tpu.memref_slice %arg5[%dma_wait3A_845] : memref<25600xi32, #tpu.memory_space<vmem>> -> memref<64xi32, #tpu.memory_space<vmem>>
            %dma_wait3A_847 = arith.constant 0 : i32
            %dma_wait3A_848 = tpu.memref_slice %arg2[%dma_wait3A_847] : memref<6553600xi32, #tpu.memory_space<hbm>> -> memref<64xi32, #tpu.memory_space<hbm>>
            tpu.wait_dma2 semaphore(%arg9 : memref<!tpu.dma_semaphore, #tpu.memory_space<semaphore_mem>>) src(%dma_wait3A_848 : memref<64xi32, #tpu.memory_space<hbm>>) dst(%dma_wait3A_846 : memref<64xi32, #tpu.memory_space<vmem>>)
            %dma_wait3A_849 = arith.constant 0 : i32
            %dma_wait3A_850 = tpu.memref_slice %arg5[%dma_wait3A_849] : memref<25600xi32, #tpu.memory_space<vmem>> -> memref<64xi32, #tpu.memory_space<vmem>>
            %dma_wait3A_851 = arith.constant 0 : i32
            %dma_wait3A_852 = tpu.memref_slice %arg2[%dma_wait3A_851] : memref<6553600xi32, #tpu.memory_space<hbm>> -> memref<64xi32, #tpu.memory_space<hbm>>
            %dma_wait3A_853 = arith.constant 0 : i32
            %dma_wait3A_854 = tpu.memref_slice %arg5[%dma_wait3A_853] : memref<25600xi32, #tpu.memory_space<vmem>> -> memref<64xi32, #tpu.memory_space<vmem>>
            %dma_wait3A_855 = arith.constant 0 : i32
            %dma_wait3A_856 = tpu.memref_slice %arg2[%dma_wait3A_855] : memref<6553600xi32, #tpu.memory_space<hbm>> -> memref<64xi32, #tpu.memory_space<hbm>>
            tpu.wait_dma2 semaphore(%arg9 : memref<!tpu.dma_semaphore, #tpu.memory_space<semaphore_mem>>) src(%dma_wait3A_856 : memref<64xi32, #tpu.memory_space<hbm>>) dst(%dma_wait3A_854 : memref<64xi32, #tpu.memory_space<vmem>>)
            %dma_wait3A_857 = arith.constant 0 : i32
            %dma_wait3A_858 = tpu.memref_slice %arg5[%dma_wait3A_857] : memref<25600xi32, #tpu.memory_space<vmem>> -> memref<64xi32, #tpu.memory_space<vmem>>
            %dma_wait3A_859 = arith.constant 0 : i32
            %dma_wait3A_860 = tpu.memref_slice %arg2[%dma_wait3A_859] : memref<6553600xi32, #tpu.memory_space<hbm>> -> memref<64xi32, #tpu.memory_space<hbm>>
            %dma_wait3A_861 = arith.constant 0 : i32
            %dma_wait3A_862 = tpu.memref_slice %arg5[%dma_wait3A_861] : memref<25600xi32, #tpu.memory_space<vmem>> -> memref<64xi32, #tpu.memory_space<vmem>>
            %dma_wait3A_863 = arith.constant 0 : i32
            %dma_wait3A_864 = tpu.memref_slice %arg2[%dma_wait3A_863] : memref<6553600xi32, #tpu.memory_space<hbm>> -> memref<64xi32, #tpu.memory_space<hbm>>
            tpu.wait_dma2 semaphore(%arg9 : memref<!tpu.dma_semaphore, #tpu.memory_space<semaphore_mem>>) src(%dma_wait3A_864 : memref<64xi32, #tpu.memory_space<hbm>>) dst(%dma_wait3A_862 : memref<64xi32, #tpu.memory_space<vmem>>)
            %dma_wait3A_865 = arith.constant 0 : i32
            %dma_wait3A_866 = tpu.memref_slice %arg5[%dma_wait3A_865] : memref<25600xi32, #tpu.memory_space<vmem>> -> memref<64xi32, #tpu.memory_space<vmem>>
            %dma_wait3A_867 = arith.constant 0 : i32
            %dma_wait3A_868 = tpu.memref_slice %arg2[%dma_wait3A_867] : memref<6553600xi32, #tpu.memory_space<hbm>> -> memref<64xi32, #tpu.memory_space<hbm>>
            %dma_wait3A_869 = arith.constant 0 : i32
            %dma_wait3A_870 = tpu.memref_slice %arg5[%dma_wait3A_869] : memref<25600xi32, #tpu.memory_space<vmem>> -> memref<64xi32, #tpu.memory_space<vmem>>
            %dma_wait3A_871 = arith.constant 0 : i32
            %dma_wait3A_872 = tpu.memref_slice %arg2[%dma_wait3A_871] : memref<6553600xi32, #tpu.memory_space<hbm>> -> memref<64xi32, #tpu.memory_space<hbm>>
            tpu.wait_dma2 semaphore(%arg9 : memref<!tpu.dma_semaphore, #tpu.memory_space<semaphore_mem>>) src(%dma_wait3A_872 : memref<64xi32, #tpu.memory_space<hbm>>) dst(%dma_wait3A_870 : memref<64xi32, #tpu.memory_space<vmem>>)
            %mul3A_873 = arith.constant 2 : i32
            %mul3A_874 = arith.muli %mul3A_873, %add3A_267 : i32
            %sub3A_875 = arith.constant 2 : i32
            %sub3A_876 = arith.subi %mul3A_874, %sub3A_875 : i32
            %mul3A_877 = arith.constant 128 : i32
            %mul3A_878 = arith.muli %sub3A_876, %mul3A_877 : i32
            %add3A_879 = arith.constant 0 : i32
            %add3A_880 = arith.addi %mul3A_878, %add3A_879 : i32
            %get3A = arith.index_cast %add3A_880 : i32 to index
            %get3A_881 = tpu.vector_load %arg5[%get3A] {strides = array<i32>} : memref<25600xi32, #tpu.memory_space<vmem>>, vector<16xi32>,
            %add3A_882 = arith.constant 64 : i32
            %add3A_883 = arith.addi %mul3A_878, %add3A_882 : i32
            %add3A_884 = arith.constant 0 : i32
            %add3A_885 = arith.addi %add3A_883, %add3A_884 : i32
            %get3A_886 = arith.index_cast %add3A_885 : i32 to index
            %get3A_887 = tpu.vector_load %arg5[%get3A_886] {strides = array<i32>} : memref<25600xi32, #tpu.memory_space<vmem>>, vector<16xi32>,
            %add3A_888 = arith.constant 0 : i32
            %add3A_889 = arith.addi %add3A_888, %sub3A_876 : i32
            %add3A_890 = vector.broadcast %add3A_889 : i32 to vector<16xi32>
            %add3A_891 = arith.addi %mul3A_3, %add3A_890 : vector<16xi32>
            %add3A_892 = vector.broadcast %mul3A_49 : i32 to vector<16xi32>
            %add3A_893 = arith.addi %add3A_891, %add3A_892 : vector<16xi32>
            %mul3A_894 = arith.constant 20 : i32
            %mul3A_895 = vector.broadcast %mul3A_894 : i32 to vector<16xi32>
            %mul3A_896 = arith.muli %get3A_881, %mul3A_895 : vector<16xi32>
            %add3A_897 = arith.addi %mul3A_896, %get3A_887 : vector<16xi32>
            tpu.vector_store_idx %arg6[%add3A_893], %add3A_897 : memref<25600xi32, #tpu.memory_space<vmem>>[vector<16xi32>], vector<16xi32>,
            %add3A_898 = arith.constant 16 : i32
            %add3A_899 = arith.addi %mul3A_878, %add3A_898 : i32
            %get3A_900 = arith.index_cast %add3A_899 : i32 to index
            %get3A_901 = tpu.vector_load %arg5[%get3A_900] {strides = array<i32>} : memref<25600xi32, #tpu.memory_space<vmem>>, vector<16xi32>,
            %add3A_902 = arith.constant 64 : i32
            %add3A_903 = arith.addi %mul3A_878, %add3A_902 : i32
            %add3A_904 = arith.constant 16 : i32
            %add3A_905 = arith.addi %add3A_903, %add3A_904 : i32
            %get3A_906 = arith.index_cast %add3A_905 : i32 to index
            %get3A_907 = tpu.vector_load %arg5[%get3A_906] {strides = array<i32>} : memref<25600xi32, #tpu.memory_space<vmem>>, vector<16xi32>,
            %add3A_908 = arith.constant 3200 : i32
            %add3A_909 = arith.addi %add3A_908, %sub3A_876 : i32
            %add3A_910 = vector.broadcast %add3A_909 : i32 to vector<16xi32>
            %add3A_911 = arith.addi %mul3A_3, %add3A_910 : vector<16xi32>
            %add3A_912 = vector.broadcast %mul3A_49 : i32 to vector<16xi32>
            %add3A_913 = arith.addi %add3A_911, %add3A_912 : vector<16xi32>
            %mul3A_914 = arith.constant 20 : i32
            %mul3A_915 = vector.broadcast %mul3A_914 : i32 to vector<16xi32>
            %mul3A_916 = arith.muli %get3A_901, %mul3A_915 : vector<16xi32>
            %add3A_917 = arith.addi %mul3A_916, %get3A_907 : vector<16xi32>
            tpu.vector_store_idx %arg6[%add3A_913], %add3A_917 : memref<25600xi32, #tpu.memory_space<vmem>>[vector<16xi32>], vector<16xi32>,
            %add3A_918 = arith.constant 32 : i32
            %add3A_919 = arith.addi %mul3A_878, %add3A_918 : i32
            %get3A_920 = arith.index_cast %add3A_919 : i32 to index
            %get3A_921 = tpu.vector_load %arg5[%get3A_920] {strides = array<i32>} : memref<25600xi32, #tpu.memory_space<vmem>>, vector<16xi32>,
            %add3A_922 = arith.constant 64 : i32
            %add3A_923 = arith.addi %mul3A_878, %add3A_922 : i32
            %add3A_924 = arith.constant 32 : i32
            %add3A_925 = arith.addi %add3A_923, %add3A_924 : i32
            %get3A_926 = arith.index_cast %add3A_925 : i32 to index
            %get3A_927 = tpu.vector_load %arg5[%get3A_926] {strides = array<i32>} : memref<25600xi32, #tpu.memory_space<vmem>>, vector<16xi32>,
            %add3A_928 = arith.constant 6400 : i32
            %add3A_929 = arith.addi %add3A_928, %sub3A_876 : i32
            %add3A_930 = vector.broadcast %add3A_929 : i32 to vector<16xi32>
            %add3A_931 = arith.addi %mul3A_3, %add3A_930 : vector<16xi32>
            %add3A_932 = vector.broadcast %mul3A_49 : i32 to vector<16xi32>
            %add3A_933 = arith.addi %add3A_931, %add3A_932 : vector<16xi32>
            %mul3A_934 = arith.constant 20 : i32
            %mul3A_935 = vector.broadcast %mul3A_934 : i32 to vector<16xi32>
            %mul3A_936 = arith.muli %get3A_921, %mul3A_935 : vector<16xi32>
            %add3A_937 = arith.addi %mul3A_936, %get3A_927 : vector<16xi32>
            tpu.vector_store_idx %arg6[%add3A_933], %add3A_937 : memref<25600xi32, #tpu.memory_space<vmem>>[vector<16xi32>], vector<16xi32>,
            %add3A_938 = arith.constant 48 : i32
            %add3A_939 = arith.addi %mul3A_878, %add3A_938 : i32
            %get3A_940 = arith.index_cast %add3A_939 : i32 to index
            %get3A_941 = tpu.vector_load %arg5[%get3A_940] {strides = array<i32>} : memref<25600xi32, #tpu.memory_space<vmem>>, vector<16xi32>,
            %add3A_942 = arith.constant 64 : i32
            %add3A_943 = arith.addi %mul3A_878, %add3A_942 : i32
            %add3A_944 = arith.constant 48 : i32
            %add3A_945 = arith.addi %add3A_943, %add3A_944 : i32
            %get3A_946 = arith.index_cast %add3A_945 : i32 to index
            %get3A_947 = tpu.vector_load %arg5[%get3A_946] {strides = array<i32>} : memref<25600xi32, #tpu.memory_space<vmem>>, vector<16xi32>,
            %add3A_948 = arith.constant 9600 : i32
            %add3A_949 = arith.addi %add3A_948, %sub3A_876 : i32
            %add3A_950 = vector.broadcast %add3A_949 : i32 to vector<16xi32>
            %add3A_951 = arith.addi %mul3A_3, %add3A_950 : vector<16xi32>
            %add3A_952 = vector.broadcast %mul3A_49 : i32 to vector<16xi32>
            %add3A_953 = arith.addi %add3A_951, %add3A_952 : vector<16xi32>
            %mul3A_954 = arith.constant 20 : i32
            %mul3A_955 = vector.broadcast %mul3A_954 : i32 to vector<16xi32>
            %mul3A_956 = arith.muli %get3A_941, %mul3A_955 : vector<16xi32>
            %add3A_957 = arith.addi %mul3A_956, %get3A_947 : vector<16xi32>
            tpu.vector_store_idx %arg6[%add3A_953], %add3A_957 : memref<25600xi32, #tpu.memory_space<vmem>>[vector<16xi32>], vector<16xi32>,
            %mul3A_958 = arith.constant 2 : i32
            %mul3A_959 = arith.muli %mul3A_958, %add3A_267 : i32
            %sub3A_960 = arith.constant 1 : i32
            %sub3A_961 = arith.subi %mul3A_959, %sub3A_960 : i32
            %mul3A_962 = arith.constant 128 : i32
            %mul3A_963 = arith.muli %sub3A_961, %mul3A_962 : i32
            %add3A_964 = arith.constant 0 : i32
            %add3A_965 = arith.addi %mul3A_963, %add3A_964 : i32
            %get3A_966 = arith.index_cast %add3A_965 : i32 to index
            %get3A_967 = tpu.vector_load %arg5[%get3A_966] {strides = array<i32>} : memref<25600xi32, #tpu.memory_space<vmem>>, vector<16xi32>,
            %add3A_968 = arith.constant 64 : i32
            %add3A_969 = arith.addi %mul3A_963, %add3A_968 : i32
            %add3A_970 = arith.constant 0 : i32
            %add3A_971 = arith.addi %add3A_969, %add3A_970 : i32
            %get3A_972 = arith.index_cast %add3A_971 : i32 to index
            %get3A_973 = tpu.vector_load %arg5[%get3A_972] {strides = array<i32>} : memref<25600xi32, #tpu.memory_space<vmem>>, vector<16xi32>,
            %add3A_974 = arith.constant 0 : i32
            %add3A_975 = arith.addi %add3A_974, %sub3A_961 : i32
            %add3A_976 = vector.broadcast %add3A_975 : i32 to vector<16xi32>
            %add3A_977 = arith.addi %mul3A_3, %add3A_976 : vector<16xi32>
            %add3A_978 = vector.broadcast %mul3A_49 : i32 to vector<16xi32>
            %add3A_979 = arith.addi %add3A_977, %add3A_978 : vector<16xi32>
            %mul3A_980 = arith.constant 20 : i32
            %mul3A_981 = vector.broadcast %mul3A_980 : i32 to vector<16xi32>
            %mul3A_982 = arith.muli %get3A_967, %mul3A_981 : vector<16xi32>
            %add3A_983 = arith.addi %mul3A_982, %get3A_973 : vector<16xi32>
            tpu.vector_store_idx %arg6[%add3A_979], %add3A_983 : memref<25600xi32, #tpu.memory_space<vmem>>[vector<16xi32>], vector<16xi32>,
            %add3A_984 = arith.constant 16 : i32
            %add3A_985 = arith.addi %mul3A_963, %add3A_984 : i32
            %get3A_986 = arith.index_cast %add3A_985 : i32 to index
            %get3A_987 = tpu.vector_load %arg5[%get3A_986] {strides = array<i32>} : memref<25600xi32, #tpu.memory_space<vmem>>, vector<16xi32>,
            %add3A_988 = arith.constant 64 : i32
            %add3A_989 = arith.addi %mul3A_963, %add3A_988 : i32
            %add3A_990 = arith.constant 16 : i32
            %add3A_991 = arith.addi %add3A_989, %add3A_990 : i32
            %get3A_992 = arith.index_cast %add3A_991 : i32 to index
            %get3A_993 = tpu.vector_load %arg5[%get3A_992] {strides = array<i32>} : memref<25600xi32, #tpu.memory_space<vmem>>, vector<16xi32>,
            %add3A_994 = arith.constant 3200 : i32
            %add3A_995 = arith.addi %add3A_994, %sub3A_961 : i32
            %add3A_996 = vector.broadcast %add3A_995 : i32 to vector<16xi32>
            %add3A_997 = arith.addi %mul3A_3, %add3A_996 : vector<16xi32>
            %add3A_998 = vector.broadcast %mul3A_49 : i32 to vector<16xi32>
            %add3A_999 = arith.addi %add3A_997, %add3A_998 : vector<16xi32>
            %mul3A_1000 = arith.constant 20 : i32
            %mul3A_1001 = vector.broadcast %mul3A_1000 : i32 to vector<16xi32>
            %mul3A_1002 = arith.muli %get3A_987, %mul3A_1001 : vector<16xi32>
            %add3A_1003 = arith.addi %mul3A_1002, %get3A_993 : vector<16xi32>
            tpu.vector_store_idx %arg6[%add3A_999], %add3A_1003 : memref<25600xi32, #tpu.memory_space<vmem>>[vector<16xi32>], vector<16xi32>,
            %add3A_1004 = arith.constant 32 : i32
            %add3A_1005 = arith.addi %mul3A_963, %add3A_1004 : i32
            %get3A_1006 = arith.index_cast %add3A_1005 : i32 to index
            %get3A_1007 = tpu.vector_load %arg5[%get3A_1006] {strides = array<i32>} : memref<25600xi32, #tpu.memory_space<vmem>>, vector<16xi32>,
            %add3A_1008 = arith.constant 64 : i32
            %add3A_1009 = arith.addi %mul3A_963, %add3A_1008 : i32
            %add3A_1010 = arith.constant 32 : i32
            %add3A_1011 = arith.addi %add3A_1009, %add3A_1010 : i32
            %get3A_1012 = arith.index_cast %add3A_1011 : i32 to index
            %get3A_1013 = tpu.vector_load %arg5[%get3A_1012] {strides = array<i32>} : memref<25600xi32, #tpu.memory_space<vmem>>, vector<16xi32>,
            %add3A_1014 = arith.constant 6400 : i32
            %add3A_1015 = arith.addi %add3A_1014, %sub3A_961 : i32
            %add3A_1016 = vector.broadcast %add3A_1015 : i32 to vector<16xi32>
            %add3A_1017 = arith.addi %mul3A_3, %add3A_1016 : vector<16xi32>
            %add3A_1018 = vector.broadcast %mul3A_49 : i32 to vector<16xi32>
            %add3A_1019 = arith.addi %add3A_1017, %add3A_1018 : vector<16xi32>
            %mul3A_1020 = arith.constant 20 : i32
            %mul3A_1021 = vector.broadcast %mul3A_1020 : i32 to vector<16xi32>
            %mul3A_1022 = arith.muli %get3A_1007, %mul3A_1021 : vector<16xi32>
            %add3A_1023 = arith.addi %mul3A_1022, %get3A_1013 : vector<16xi32>
            tpu.vector_store_idx %arg6[%add3A_1019], %add3A_1023 : memref<25600xi32, #tpu.memory_space<vmem>>[vector<16xi32>], vector<16xi32>,
            %add3A_1024 = arith.constant 48 : i32
            %add3A_1025 = arith.addi %mul3A_963, %add3A_1024 : i32
            %get3A_1026 = arith.index_cast %add3A_1025 : i32 to index
            %get3A_1027 = tpu.vector_load %arg5[%get3A_1026] {strides = array<i32>} : memref<25600xi32, #tpu.memory_space<vmem>>, vector<16xi32>,
            %add3A_1028 = arith.constant 64 : i32
            %add3A_1029 = arith.addi %mul3A_963, %add3A_1028 : i32
            %add3A_1030 = arith.constant 48 : i32
            %add3A_1031 = arith.addi %add3A_1029, %add3A_1030 : i32
            %get3A_1032 = arith.index_cast %add3A_1031 : i32 to index
            %get3A_1033 = tpu.vector_load %arg5[%get3A_1032] {strides = array<i32>} : memref<25600xi32, #tpu.memory_space<vmem>>, vector<16xi32>,
            %add3A_1034 = arith.constant 9600 : i32
            %add3A_1035 = arith.addi %add3A_1034, %sub3A_961 : i32
            %add3A_1036 = vector.broadcast %add3A_1035 : i32 to vector<16xi32>
            %add3A_1037 = arith.addi %mul3A_3, %add3A_1036 : vector<16xi32>
            %add3A_1038 = vector.broadcast %mul3A_49 : i32 to vector<16xi32>
            %add3A_1039 = arith.addi %add3A_1037, %add3A_1038 : vector<16xi32>
            %mul3A_1040 = arith.constant 20 : i32
            %mul3A_1041 = vector.broadcast %mul3A_1040 : i32 to vector<16xi32>
            %mul3A_1042 = arith.muli %get3A_1027, %mul3A_1041 : vector<16xi32>
            %add3A_1043 = arith.addi %mul3A_1042, %get3A_1033 : vector<16xi32>
            tpu.vector_store_idx %arg6[%add3A_1039], %add3A_1043 : memref<25600xi32, #tpu.memory_space<vmem>>[vector<16xi32>], vector<16xi32>,
          } else {
          }
          %add3A_405 = arith.constant 1 : i32
          %add3A_406 = arith.addi %scan3A_33, %add3A_405 : i32
          %mul3A_407 = arith.constant 4 : i32
          %mul3A_408 = arith.muli %add3A_267, %mul3A_407 : i32
          %add3A_409 = arith.constant 0 : i32
          %add3A_410 = arith.addi %mul3A_408, %add3A_409 : i32
          %mul3A_411 = arith.constant 4 : i32
          %mul3A_412 = arith.muli %add3A, %mul3A_411 : i32
          %jit3A_413 = arith.constant 2 : i32
          %div3A_414 = arith.divsi %add3A_406, %jit3A_413 : i32
          %sign3A_415 = arith.constant 0 : i32
          %sign3A_416 = arith.cmpi sgt, %add3A_406, %sign3A_415 : i32
          %sign3A_417 = arith.extui %sign3A_416 : i1 to i32
          %sign3A_418 = arith.constant 0 : i32
          %sign3A_419 = arith.cmpi slt, %add3A_406, %sign3A_418 : i32
          %sign3A_420 = arith.extui %sign3A_419 : i1 to i32
          %sign3A_421 = arith.subi %sign3A_417, %sign3A_420 : i32
          %sign3A_422 = arith.constant 0 : i32
          %sign3A_423 = arith.cmpi sgt, %jit3A_413, %sign3A_422 : i32
          %sign3A_424 = arith.extui %sign3A_423 : i1 to i32
          %sign3A_425 = arith.constant 0 : i32
          %sign3A_426 = arith.cmpi slt, %jit3A_413, %sign3A_425 : i32
          %sign3A_427 = arith.extui %sign3A_426 : i1 to i32
          %sign3A_428 = arith.subi %sign3A_424, %sign3A_427 : i32
          %ne3A_429 = arith.cmpi ne, %sign3A_421, %sign3A_428 : i32
          %rem3A_430 = arith.remsi %add3A_406, %jit3A_413 : i32
          %ne3A_431 = arith.constant 0 : i32
          %ne3A_432 = arith.cmpi ne, %rem3A_430, %ne3A_431 : i32
          %and3A_433 = arith.andi %ne3A_429, %ne3A_432 : i1
          %sub3A_434 = arith.constant 1 : i32
          %sub3A_435 = arith.subi %div3A_414, %sub3A_434 : i32
          %select_n3A_436 = arith.select %and3A_433, %sub3A_435, %div3A_414 : i32
          %add3A_437 = arith.addi %mul3A_412, %select_n3A_436 : i32
          %jit3A_438 = arith.constant 2 : i32
          %eq3A_439 = arith.constant 0 : i32
          %eq3A_440 = arith.cmpi eq, %jit3A_438, %eq3A_439 : i32
          %jit3A_441 = arith.constant 1 : i32
          %select_n3A_442 = arith.select %eq3A_440, %jit3A_441, %jit3A_438 : i32
          %rem3A_443 = arith.remsi %add3A_406, %select_n3A_442 : i32
          %ne3A_444 = arith.constant 0 : i32
          %ne3A_445 = arith.cmpi ne, %rem3A_443, %ne3A_444 : i32
          %lt3A_446 = arith.constant 0 : i32
          %lt3A_447 = arith.cmpi slt, %rem3A_443, %lt3A_446 : i32
          %lt3A_448 = arith.constant 0 : i32
          %lt3A_449 = arith.cmpi slt, %select_n3A_442, %lt3A_448 : i32
          %ne3A_450 = arith.xori %lt3A_447, %lt3A_449 : i1
          %and3A_451 = arith.andi %ne3A_450, %ne3A_445 : i1
          %add3A_452 = arith.addi %rem3A_443, %select_n3A_442 : i32
          %select_n3A_453 = arith.select %and3A_451, %add3A_452, %rem3A_443 : i32
          %mul3A_454 = arith.constant 64 : i32
          %mul3A_455 = arith.muli %select_n3A_453, %mul3A_454 : i32
          %jit3A_456 = arith.constant 2 : i32
          %div3A_457 = arith.divsi %add3A_410, %jit3A_456 : i32
          %sign3A_458 = arith.constant 0 : i32
          %sign3A_459 = arith.cmpi sgt, %add3A_410, %sign3A_458 : i32
          %sign3A_460 = arith.extui %sign3A_459 : i1 to i32
          %sign3A_461 = arith.constant 0 : i32
          %sign3A_462 = arith.cmpi slt, %add3A_410, %sign3A_461 : i32
          %sign3A_463 = arith.extui %sign3A_462 : i1 to i32
          %sign3A_464 = arith.subi %sign3A_460, %sign3A_463 : i32
          %sign3A_465 = arith.constant 0 : i32
          %sign3A_466 = arith.cmpi sgt, %jit3A_456, %sign3A_465 : i32
          %sign3A_467 = arith.extui %sign3A_466 : i1 to i32
          %sign3A_468 = arith.constant 0 : i32
          %sign3A_469 = arith.cmpi slt, %jit3A_456, %sign3A_468 : i32
          %sign3A_470 = arith.extui %sign3A_469 : i1 to i32
          %sign3A_471 = arith.subi %sign3A_467, %sign3A_470 : i32
          %ne3A_472 = arith.cmpi ne, %sign3A_464, %sign3A_471 : i32
          %rem3A_473 = arith.remsi %add3A_410, %jit3A_456 : i32
          %ne3A_474 = arith.constant 0 : i32
          %ne3A_475 = arith.cmpi ne, %rem3A_473, %ne3A_474 : i32
          %and3A_476 = arith.andi %ne3A_472, %ne3A_475 : i1
          %sub3A_477 = arith.constant 1 : i32
          %sub3A_478 = arith.subi %div3A_457, %sub3A_477 : i32
          %select_n3A_479 = arith.select %and3A_476, %sub3A_478, %div3A_457 : i32
          %jit3A_480 = arith.constant 2 : i32
          %eq3A_481 = arith.constant 0 : i32
          %eq3A_482 = arith.cmpi eq, %jit3A_480, %eq3A_481 : i32
          %jit3A_483 = arith.constant 1 : i32
          %select_n3A_484 = arith.select %eq3A_482, %jit3A_483, %jit3A_480 : i32
          %rem3A_485 = arith.remsi %add3A_410, %select_n3A_484 : i32
          %ne3A_486 = arith.constant 0 : i32
          %ne3A_487 = arith.cmpi ne, %rem3A_485, %ne3A_486 : i32
          %lt3A_488 = arith.constant 0 : i32
          %lt3A_489 = arith.cmpi slt, %rem3A_485, %lt3A_488 : i32
          %lt3A_490 = arith.constant 0 : i32
          %lt3A_491 = arith.cmpi slt, %select_n3A_484, %lt3A_490 : i32
          %ne3A_492 = arith.xori %lt3A_489, %lt3A_491 : i1
          %and3A_493 = arith.andi %ne3A_492, %ne3A_487 : i1
          %add3A_494 = arith.addi %rem3A_485, %select_n3A_484 : i32
          %select_n3A_495 = arith.select %and3A_493, %add3A_494, %rem3A_485 : i32
          %mul3A_496 = arith.constant 32768 : i32
          %mul3A_497 = arith.muli %select_n3A_479, %mul3A_496 : i32
          %mul3A_498 = arith.constant 256 : i32
          %mul3A_499 = arith.muli %add3A_437, %mul3A_498 : i32
          %add3A_500 = arith.addi %mul3A_497, %mul3A_499 : i32
          %mul3A_501 = arith.constant 128 : i32
          %mul3A_502 = arith.muli %select_n3A_495, %mul3A_501 : i32
          %add3A_503 = arith.addi %add3A_500, %mul3A_502 : i32
          %add3A_504 = arith.addi %add3A_503, %mul3A_455 : i32
          %mul3A_505 = arith.constant 128 : i32
          %mul3A_506 = arith.muli %select_n3A_479, %mul3A_505 : i32
          %mul3A_507 = arith.constant 64 : i32
          %mul3A_508 = arith.muli %select_n3A_495, %mul3A_507 : i32
          %add3A_509 = arith.addi %mul3A_506, %mul3A_508 : i32
          %dma_start3A_510 = tpu.memref_slice %arg5[%add3A_509] : memref<25600xi32, #tpu.memory_space<vmem>> -> memref<64xi32, #tpu.memory_space<vmem>>
          %dma_start3A_511 = tpu.memref_slice %arg2[%add3A_504] : memref<6553600xi32, #tpu.memory_space<hbm>> -> memref<64xi32, #tpu.memory_space<hbm>>
          %dma_start3A_512 = tpu.memref_slice %arg5[%add3A_509] : memref<25600xi32, #tpu.memory_space<vmem>> -> memref<64xi32, #tpu.memory_space<vmem>>
          %dma_start3A_513 = tpu.memref_slice %arg2[%add3A_504] : memref<6553600xi32, #tpu.memory_space<hbm>> -> memref<64xi32, #tpu.memory_space<hbm>>
          tpu.enqueue_dma source(%dma_start3A_513 : memref<64xi32, #tpu.memory_space<hbm>>) target(%dma_start3A_512 : memref<64xi32, #tpu.memory_space<vmem>>) target_semaphore(%arg9 : memref<!tpu.dma_semaphore, #tpu.memory_space<semaphore_mem>>)
          %add3A_514 = arith.constant 1 : i32
          %add3A_515 = arith.addi %scan3A_33, %add3A_514 : i32
          %mul3A_516 = arith.constant 4 : i32
          %mul3A_517 = arith.muli %add3A_267, %mul3A_516 : i32
          %add3A_518 = arith.constant 1 : i32
          %add3A_519 = arith.addi %mul3A_517, %add3A_518 : i32
          %mul3A_520 = arith.constant 4 : i32
          %mul3A_521 = arith.muli %add3A, %mul3A_520 : i32
          %jit3A_522 = arith.constant 2 : i32
          %div3A_523 = arith.divsi %add3A_515, %jit3A_522 : i32
          %sign3A_524 = arith.constant 0 : i32
          %sign3A_525 = arith.cmpi sgt, %add3A_515, %sign3A_524 : i32
          %sign3A_526 = arith.extui %sign3A_525 : i1 to i32
          %sign3A_527 = arith.constant 0 : i32
          %sign3A_528 = arith.cmpi slt, %add3A_515, %sign3A_527 : i32
          %sign3A_529 = arith.extui %sign3A_528 : i1 to i32
          %sign3A_530 = arith.subi %sign3A_526, %sign3A_529 : i32
          %sign3A_531 = arith.constant 0 : i32
          %sign3A_532 = arith.cmpi sgt, %jit3A_522, %sign3A_531 : i32
          %sign3A_533 = arith.extui %sign3A_532 : i1 to i32
          %sign3A_534 = arith.constant 0 : i32
          %sign3A_535 = arith.cmpi slt, %jit3A_522, %sign3A_534 : i32
          %sign3A_536 = arith.extui %sign3A_535 : i1 to i32
          %sign3A_537 = arith.subi %sign3A_533, %sign3A_536 : i32
          %ne3A_538 = arith.cmpi ne, %sign3A_530, %sign3A_537 : i32
          %rem3A_539 = arith.remsi %add3A_515, %jit3A_522 : i32
          %ne3A_540 = arith.constant 0 : i32
          %ne3A_541 = arith.cmpi ne, %rem3A_539, %ne3A_540 : i32
          %and3A_542 = arith.andi %ne3A_538, %ne3A_541 : i1
          %sub3A_543 = arith.constant 1 : i32
          %sub3A_544 = arith.subi %div3A_523, %sub3A_543 : i32
          %select_n3A_545 = arith.select %and3A_542, %sub3A_544, %div3A_523 : i32
          %add3A_546 = arith.addi %mul3A_521, %select_n3A_545 : i32
          %jit3A_547 = arith.constant 2 : i32
          %eq3A_548 = arith.constant 0 : i32
          %eq3A_549 = arith.cmpi eq, %jit3A_547, %eq3A_548 : i32
          %jit3A_550 = arith.constant 1 : i32
          %select_n3A_551 = arith.select %eq3A_549, %jit3A_550, %jit3A_547 : i32
          %rem3A_552 = arith.remsi %add3A_515, %select_n3A_551 : i32
          %ne3A_553 = arith.constant 0 : i32
          %ne3A_554 = arith.cmpi ne, %rem3A_552, %ne3A_553 : i32
          %lt3A_555 = arith.constant 0 : i32
          %lt3A_556 = arith.cmpi slt, %rem3A_552, %lt3A_555 : i32
          %lt3A_557 = arith.constant 0 : i32
          %lt3A_558 = arith.cmpi slt, %select_n3A_551, %lt3A_557 : i32
          %ne3A_559 = arith.xori %lt3A_556, %lt3A_558 : i1
          %and3A_560 = arith.andi %ne3A_559, %ne3A_554 : i1
          %add3A_561 = arith.addi %rem3A_552, %select_n3A_551 : i32
          %select_n3A_562 = arith.select %and3A_560, %add3A_561, %rem3A_552 : i32
          %mul3A_563 = arith.constant 64 : i32
          %mul3A_564 = arith.muli %select_n3A_562, %mul3A_563 : i32
          %jit3A_565 = arith.constant 2 : i32
          %div3A_566 = arith.divsi %add3A_519, %jit3A_565 : i32
          %sign3A_567 = arith.constant 0 : i32
          %sign3A_568 = arith.cmpi sgt, %add3A_519, %sign3A_567 : i32
          %sign3A_569 = arith.extui %sign3A_568 : i1 to i32
          %sign3A_570 = arith.constant 0 : i32
          %sign3A_571 = arith.cmpi slt, %add3A_519, %sign3A_570 : i32
          %sign3A_572 = arith.extui %sign3A_571 : i1 to i32
          %sign3A_573 = arith.subi %sign3A_569, %sign3A_572 : i32
          %sign3A_574 = arith.constant 0 : i32
          %sign3A_575 = arith.cmpi sgt, %jit3A_565, %sign3A_574 : i32
          %sign3A_576 = arith.extui %sign3A_575 : i1 to i32
          %sign3A_577 = arith.constant 0 : i32
          %sign3A_578 = arith.cmpi slt, %jit3A_565, %sign3A_577 : i32
          %sign3A_579 = arith.extui %sign3A_578 : i1 to i32
          %sign3A_580 = arith.subi %sign3A_576, %sign3A_579 : i32
          %ne3A_581 = arith.cmpi ne, %sign3A_573, %sign3A_580 : i32
          %rem3A_582 = arith.remsi %add3A_519, %jit3A_565 : i32
          %ne3A_583 = arith.constant 0 : i32
          %ne3A_584 = arith.cmpi ne, %rem3A_582, %ne3A_583 : i32
          %and3A_585 = arith.andi %ne3A_581, %ne3A_584 : i1
          %sub3A_586 = arith.constant 1 : i32
          %sub3A_587 = arith.subi %div3A_566, %sub3A_586 : i32
          %select_n3A_588 = arith.select %and3A_585, %sub3A_587, %div3A_566 : i32
          %jit3A_589 = arith.constant 2 : i32
          %eq3A_590 = arith.constant 0 : i32
          %eq3A_591 = arith.cmpi eq, %jit3A_589, %eq3A_590 : i32
          %jit3A_592 = arith.constant 1 : i32
          %select_n3A_593 = arith.select %eq3A_591, %jit3A_592, %jit3A_589 : i32
          %rem3A_594 = arith.remsi %add3A_519, %select_n3A_593 : i32
          %ne3A_595 = arith.constant 0 : i32
          %ne3A_596 = arith.cmpi ne, %rem3A_594, %ne3A_595 : i32
          %lt3A_597 = arith.constant 0 : i32
          %lt3A_598 = arith.cmpi slt, %rem3A_594, %lt3A_597 : i32
          %lt3A_599 = arith.constant 0 : i32
          %lt3A_600 = arith.cmpi slt, %select_n3A_593, %lt3A_599 : i32
          %ne3A_601 = arith.xori %lt3A_598, %lt3A_600 : i1
          %and3A_602 = arith.andi %ne3A_601, %ne3A_596 : i1
          %add3A_603 = arith.addi %rem3A_594, %select_n3A_593 : i32
          %select_n3A_604 = arith.select %and3A_602, %add3A_603, %rem3A_594 : i32
          %mul3A_605 = arith.constant 32768 : i32
          %mul3A_606 = arith.muli %select_n3A_588, %mul3A_605 : i32
          %mul3A_607 = arith.constant 256 : i32
          %mul3A_608 = arith.muli %add3A_546, %mul3A_607 : i32
          %add3A_609 = arith.addi %mul3A_606, %mul3A_608 : i32
          %mul3A_610 = arith.constant 128 : i32
          %mul3A_611 = arith.muli %select_n3A_604, %mul3A_610 : i32
          %add3A_612 = arith.addi %add3A_609, %mul3A_611 : i32
          %add3A_613 = arith.addi %add3A_612, %mul3A_564 : i32
          %mul3A_614 = arith.constant 128 : i32
          %mul3A_615 = arith.muli %select_n3A_588, %mul3A_614 : i32
          %mul3A_616 = arith.constant 64 : i32
          %mul3A_617 = arith.muli %select_n3A_604, %mul3A_616 : i32
          %add3A_618 = arith.addi %mul3A_615, %mul3A_617 : i32
          %dma_start3A_619 = tpu.memref_slice %arg5[%add3A_618] : memref<25600xi32, #tpu.memory_space<vmem>> -> memref<64xi32, #tpu.memory_space<vmem>>
          %dma_start3A_620 = tpu.memref_slice %arg2[%add3A_613] : memref<6553600xi32, #tpu.memory_space<hbm>> -> memref<64xi32, #tpu.memory_space<hbm>>
          %dma_start3A_621 = tpu.memref_slice %arg5[%add3A_618] : memref<25600xi32, #tpu.memory_space<vmem>> -> memref<64xi32, #tpu.memory_space<vmem>>
          %dma_start3A_622 = tpu.memref_slice %arg2[%add3A_613] : memref<6553600xi32, #tpu.memory_space<hbm>> -> memref<64xi32, #tpu.memory_space<hbm>>
          tpu.enqueue_dma source(%dma_start3A_622 : memref<64xi32, #tpu.memory_space<hbm>>) target(%dma_start3A_621 : memref<64xi32, #tpu.memory_space<vmem>>) target_semaphore(%arg9 : memref<!tpu.dma_semaphore, #tpu.memory_space<semaphore_mem>>)
          %add3A_623 = arith.constant 1 : i32
          %add3A_624 = arith.addi %scan3A_33, %add3A_623 : i32
          %mul3A_625 = arith.constant 4 : i32
          %mul3A_626 = arith.muli %add3A_267, %mul3A_625 : i32
          %add3A_627 = arith.constant 2 : i32
          %add3A_628 = arith.addi %mul3A_626, %add3A_627 : i32
          %mul3A_629 = arith.constant 4 : i32
          %mul3A_630 = arith.muli %add3A, %mul3A_629 : i32
          %jit3A_631 = arith.constant 2 : i32
          %div3A_632 = arith.divsi %add3A_624, %jit3A_631 : i32
          %sign3A_633 = arith.constant 0 : i32
          %sign3A_634 = arith.cmpi sgt, %add3A_624, %sign3A_633 : i32
          %sign3A_635 = arith.extui %sign3A_634 : i1 to i32
          %sign3A_636 = arith.constant 0 : i32
          %sign3A_637 = arith.cmpi slt, %add3A_624, %sign3A_636 : i32
          %sign3A_638 = arith.extui %sign3A_637 : i1 to i32
          %sign3A_639 = arith.subi %sign3A_635, %sign3A_638 : i32
          %sign3A_640 = arith.constant 0 : i32
          %sign3A_641 = arith.cmpi sgt, %jit3A_631, %sign3A_640 : i32
          %sign3A_642 = arith.extui %sign3A_641 : i1 to i32
          %sign3A_643 = arith.constant 0 : i32
          %sign3A_644 = arith.cmpi slt, %jit3A_631, %sign3A_643 : i32
          %sign3A_645 = arith.extui %sign3A_644 : i1 to i32
          %sign3A_646 = arith.subi %sign3A_642, %sign3A_645 : i32
          %ne3A_647 = arith.cmpi ne, %sign3A_639, %sign3A_646 : i32
          %rem3A_648 = arith.remsi %add3A_624, %jit3A_631 : i32
          %ne3A_649 = arith.constant 0 : i32
          %ne3A_650 = arith.cmpi ne, %rem3A_648, %ne3A_649 : i32
          %and3A_651 = arith.andi %ne3A_647, %ne3A_650 : i1
          %sub3A_652 = arith.constant 1 : i32
          %sub3A_653 = arith.subi %div3A_632, %sub3A_652 : i32
          %select_n3A_654 = arith.select %and3A_651, %sub3A_653, %div3A_632 : i32
          %add3A_655 = arith.addi %mul3A_630, %select_n3A_654 : i32
          %jit3A_656 = arith.constant 2 : i32
          %eq3A_657 = arith.constant 0 : i32
          %eq3A_658 = arith.cmpi eq, %jit3A_656, %eq3A_657 : i32
          %jit3A_659 = arith.constant 1 : i32
          %select_n3A_660 = arith.select %eq3A_658, %jit3A_659, %jit3A_656 : i32
          %rem3A_661 = arith.remsi %add3A_624, %select_n3A_660 : i32
          %ne3A_662 = arith.constant 0 : i32
          %ne3A_663 = arith.cmpi ne, %rem3A_661, %ne3A_662 : i32
          %lt3A_664 = arith.constant 0 : i32
          %lt3A_665 = arith.cmpi slt, %rem3A_661, %lt3A_664 : i32
          %lt3A_666 = arith.constant 0 : i32
          %lt3A_667 = arith.cmpi slt, %select_n3A_660, %lt3A_666 : i32
          %ne3A_668 = arith.xori %lt3A_665, %lt3A_667 : i1
          %and3A_669 = arith.andi %ne3A_668, %ne3A_663 : i1
          %add3A_670 = arith.addi %rem3A_661, %select_n3A_660 : i32
          %select_n3A_671 = arith.select %and3A_669, %add3A_670, %rem3A_661 : i32
          %mul3A_672 = arith.constant 64 : i32
          %mul3A_673 = arith.muli %select_n3A_671, %mul3A_672 : i32
          %jit3A_674 = arith.constant 2 : i32
          %div3A_675 = arith.divsi %add3A_628, %jit3A_674 : i32
          %sign3A_676 = arith.constant 0 : i32
          %sign3A_677 = arith.cmpi sgt, %add3A_628, %sign3A_676 : i32
          %sign3A_678 = arith.extui %sign3A_677 : i1 to i32
          %sign3A_679 = arith.constant 0 : i32
          %sign3A_680 = arith.cmpi slt, %add3A_628, %sign3A_679 : i32
          %sign3A_681 = arith.extui %sign3A_680 : i1 to i32
          %sign3A_682 = arith.subi %sign3A_678, %sign3A_681 : i32
          %sign3A_683 = arith.constant 0 : i32
          %sign3A_684 = arith.cmpi sgt, %jit3A_674, %sign3A_683 : i32
          %sign3A_685 = arith.extui %sign3A_684 : i1 to i32
          %sign3A_686 = arith.constant 0 : i32
          %sign3A_687 = arith.cmpi slt, %jit3A_674, %sign3A_686 : i32
          %sign3A_688 = arith.extui %sign3A_687 : i1 to i32
          %sign3A_689 = arith.subi %sign3A_685, %sign3A_688 : i32
          %ne3A_690 = arith.cmpi ne, %sign3A_682, %sign3A_689 : i32
          %rem3A_691 = arith.remsi %add3A_628, %jit3A_674 : i32
          %ne3A_692 = arith.constant 0 : i32
          %ne3A_693 = arith.cmpi ne, %rem3A_691, %ne3A_692 : i32
          %and3A_694 = arith.andi %ne3A_690, %ne3A_693 : i1
          %sub3A_695 = arith.constant 1 : i32
          %sub3A_696 = arith.subi %div3A_675, %sub3A_695 : i32
          %select_n3A_697 = arith.select %and3A_694, %sub3A_696, %div3A_675 : i32
          %jit3A_698 = arith.constant 2 : i32
          %eq3A_699 = arith.constant 0 : i32
          %eq3A_700 = arith.cmpi eq, %jit3A_698, %eq3A_699 : i32
          %jit3A_701 = arith.constant 1 : i32
          %select_n3A_702 = arith.select %eq3A_700, %jit3A_701, %jit3A_698 : i32
          %rem3A_703 = arith.remsi %add3A_628, %select_n3A_702 : i32
          %ne3A_704 = arith.constant 0 : i32
          %ne3A_705 = arith.cmpi ne, %rem3A_703, %ne3A_704 : i32
          %lt3A_706 = arith.constant 0 : i32
          %lt3A_707 = arith.cmpi slt, %rem3A_703, %lt3A_706 : i32
          %lt3A_708 = arith.constant 0 : i32
          %lt3A_709 = arith.cmpi slt, %select_n3A_702, %lt3A_708 : i32
          %ne3A_710 = arith.xori %lt3A_707, %lt3A_709 : i1
          %and3A_711 = arith.andi %ne3A_710, %ne3A_705 : i1
          %add3A_712 = arith.addi %rem3A_703, %select_n3A_702 : i32
          %select_n3A_713 = arith.select %and3A_711, %add3A_712, %rem3A_703 : i32
          %mul3A_714 = arith.constant 32768 : i32
          %mul3A_715 = arith.muli %select_n3A_697, %mul3A_714 : i32
          %mul3A_716 = arith.constant 256 : i32
          %mul3A_717 = arith.muli %add3A_655, %mul3A_716 : i32
          %add3A_718 = arith.addi %mul3A_715, %mul3A_717 : i32
          %mul3A_719 = arith.constant 128 : i32
          %mul3A_720 = arith.muli %select_n3A_713, %mul3A_719 : i32
          %add3A_721 = arith.addi %add3A_718, %mul3A_720 : i32
          %add3A_722 = arith.addi %add3A_721, %mul3A_673 : i32
          %mul3A_723 = arith.constant 128 : i32
          %mul3A_724 = arith.muli %select_n3A_697, %mul3A_723 : i32
          %mul3A_725 = arith.constant 64 : i32
          %mul3A_726 = arith.muli %select_n3A_713, %mul3A_725 : i32
          %add3A_727 = arith.addi %mul3A_724, %mul3A_726 : i32
          %dma_start3A_728 = tpu.memref_slice %arg5[%add3A_727] : memref<25600xi32, #tpu.memory_space<vmem>> -> memref<64xi32, #tpu.memory_space<vmem>>
          %dma_start3A_729 = tpu.memref_slice %arg2[%add3A_722] : memref<6553600xi32, #tpu.memory_space<hbm>> -> memref<64xi32, #tpu.memory_space<hbm>>
          %dma_start3A_730 = tpu.memref_slice %arg5[%add3A_727] : memref<25600xi32, #tpu.memory_space<vmem>> -> memref<64xi32, #tpu.memory_space<vmem>>
          %dma_start3A_731 = tpu.memref_slice %arg2[%add3A_722] : memref<6553600xi32, #tpu.memory_space<hbm>> -> memref<64xi32, #tpu.memory_space<hbm>>
          tpu.enqueue_dma source(%dma_start3A_731 : memref<64xi32, #tpu.memory_space<hbm>>) target(%dma_start3A_730 : memref<64xi32, #tpu.memory_space<vmem>>) target_semaphore(%arg9 : memref<!tpu.dma_semaphore, #tpu.memory_space<semaphore_mem>>)
          %add3A_732 = arith.constant 1 : i32
          %add3A_733 = arith.addi %scan3A_33, %add3A_732 : i32
          %mul3A_734 = arith.constant 4 : i32
          %mul3A_735 = arith.muli %add3A_267, %mul3A_734 : i32
          %add3A_736 = arith.constant 3 : i32
          %add3A_737 = arith.addi %mul3A_735, %add3A_736 : i32
          %mul3A_738 = arith.constant 4 : i32
          %mul3A_739 = arith.muli %add3A, %mul3A_738 : i32
          %jit3A_740 = arith.constant 2 : i32
          %div3A_741 = arith.divsi %add3A_733, %jit3A_740 : i32
          %sign3A_742 = arith.constant 0 : i32
          %sign3A_743 = arith.cmpi sgt, %add3A_733, %sign3A_742 : i32
          %sign3A_744 = arith.extui %sign3A_743 : i1 to i32
          %sign3A_745 = arith.constant 0 : i32
          %sign3A_746 = arith.cmpi slt, %add3A_733, %sign3A_745 : i32
          %sign3A_747 = arith.extui %sign3A_746 : i1 to i32
          %sign3A_748 = arith.subi %sign3A_744, %sign3A_747 : i32
          %sign3A_749 = arith.constant 0 : i32
          %sign3A_750 = arith.cmpi sgt, %jit3A_740, %sign3A_749 : i32
          %sign3A_751 = arith.extui %sign3A_750 : i1 to i32
          %sign3A_752 = arith.constant 0 : i32
          %sign3A_753 = arith.cmpi slt, %jit3A_740, %sign3A_752 : i32
          %sign3A_754 = arith.extui %sign3A_753 : i1 to i32
          %sign3A_755 = arith.subi %sign3A_751, %sign3A_754 : i32
          %ne3A_756 = arith.cmpi ne, %sign3A_748, %sign3A_755 : i32
          %rem3A_757 = arith.remsi %add3A_733, %jit3A_740 : i32
          %ne3A_758 = arith.constant 0 : i32
          %ne3A_759 = arith.cmpi ne, %rem3A_757, %ne3A_758 : i32
          %and3A_760 = arith.andi %ne3A_756, %ne3A_759 : i1
          %sub3A_761 = arith.constant 1 : i32
          %sub3A_762 = arith.subi %div3A_741, %sub3A_761 : i32
          %select_n3A_763 = arith.select %and3A_760, %sub3A_762, %div3A_741 : i32
          %add3A_764 = arith.addi %mul3A_739, %select_n3A_763 : i32
          %jit3A_765 = arith.constant 2 : i32
          %eq3A_766 = arith.constant 0 : i32
          %eq3A_767 = arith.cmpi eq, %jit3A_765, %eq3A_766 : i32
          %jit3A_768 = arith.constant 1 : i32
          %select_n3A_769 = arith.select %eq3A_767, %jit3A_768, %jit3A_765 : i32
          %rem3A_770 = arith.remsi %add3A_733, %select_n3A_769 : i32
          %ne3A_771 = arith.constant 0 : i32
          %ne3A_772 = arith.cmpi ne, %rem3A_770, %ne3A_771 : i32
          %lt3A_773 = arith.constant 0 : i32
          %lt3A_774 = arith.cmpi slt, %rem3A_770, %lt3A_773 : i32
          %lt3A_775 = arith.constant 0 : i32
          %lt3A_776 = arith.cmpi slt, %select_n3A_769, %lt3A_775 : i32
          %ne3A_777 = arith.xori %lt3A_774, %lt3A_776 : i1
          %and3A_778 = arith.andi %ne3A_777, %ne3A_772 : i1
          %add3A_779 = arith.addi %rem3A_770, %select_n3A_769 : i32
          %select_n3A_780 = arith.select %and3A_778, %add3A_779, %rem3A_770 : i32
          %mul3A_781 = arith.constant 64 : i32
          %mul3A_782 = arith.muli %select_n3A_780, %mul3A_781 : i32
          %jit3A_783 = arith.constant 2 : i32
          %div3A_784 = arith.divsi %add3A_737, %jit3A_783 : i32
          %sign3A_785 = arith.constant 0 : i32
          %sign3A_786 = arith.cmpi sgt, %add3A_737, %sign3A_785 : i32
          %sign3A_787 = arith.extui %sign3A_786 : i1 to i32
          %sign3A_788 = arith.constant 0 : i32
          %sign3A_789 = arith.cmpi slt, %add3A_737, %sign3A_788 : i32
          %sign3A_790 = arith.extui %sign3A_789 : i1 to i32
          %sign3A_791 = arith.subi %sign3A_787, %sign3A_790 : i32
          %sign3A_792 = arith.constant 0 : i32
          %sign3A_793 = arith.cmpi sgt, %jit3A_783, %sign3A_792 : i32
          %sign3A_794 = arith.extui %sign3A_793 : i1 to i32
          %sign3A_795 = arith.constant 0 : i32
          %sign3A_796 = arith.cmpi slt, %jit3A_783, %sign3A_795 : i32
          %sign3A_797 = arith.extui %sign3A_796 : i1 to i32
          %sign3A_798 = arith.subi %sign3A_794, %sign3A_797 : i32
          %ne3A_799 = arith.cmpi ne, %sign3A_791, %sign3A_798 : i32
          %rem3A_800 = arith.remsi %add3A_737, %jit3A_783 : i32
          %ne3A_801 = arith.constant 0 : i32
          %ne3A_802 = arith.cmpi ne, %rem3A_800, %ne3A_801 : i32
          %and3A_803 = arith.andi %ne3A_799, %ne3A_802 : i1
          %sub3A_804 = arith.constant 1 : i32
          %sub3A_805 = arith.subi %div3A_784, %sub3A_804 : i32
          %select_n3A_806 = arith.select %and3A_803, %sub3A_805, %div3A_784 : i32
          %jit3A_807 = arith.constant 2 : i32
          %eq3A_808 = arith.constant 0 : i32
          %eq3A_809 = arith.cmpi eq, %jit3A_807, %eq3A_808 : i32
          %jit3A_810 = arith.constant 1 : i32
          %select_n3A_811 = arith.select %eq3A_809, %jit3A_810, %jit3A_807 : i32
          %rem3A_812 = arith.remsi %add3A_737, %select_n3A_811 : i32
          %ne3A_813 = arith.constant 0 : i32
          %ne3A_814 = arith.cmpi ne, %rem3A_812, %ne3A_813 : i32
          %lt3A_815 = arith.constant 0 : i32
          %lt3A_816 = arith.cmpi slt, %rem3A_812, %lt3A_815 : i32
          %lt3A_817 = arith.constant 0 : i32
          %lt3A_818 = arith.cmpi slt, %select_n3A_811, %lt3A_817 : i32
          %ne3A_819 = arith.xori %lt3A_816, %lt3A_818 : i1
          %and3A_820 = arith.andi %ne3A_819, %ne3A_814 : i1
          %add3A_821 = arith.addi %rem3A_812, %select_n3A_811 : i32
          %select_n3A_822 = arith.select %and3A_820, %add3A_821, %rem3A_812 : i32
          %mul3A_823 = arith.constant 32768 : i32
          %mul3A_824 = arith.muli %select_n3A_806, %mul3A_823 : i32
          %mul3A_825 = arith.constant 256 : i32
          %mul3A_826 = arith.muli %add3A_764, %mul3A_825 : i32
          %add3A_827 = arith.addi %mul3A_824, %mul3A_826 : i32
          %mul3A_828 = arith.constant 128 : i32
          %mul3A_829 = arith.muli %select_n3A_822, %mul3A_828 : i32
          %add3A_830 = arith.addi %add3A_827, %mul3A_829 : i32
          %add3A_831 = arith.addi %add3A_830, %mul3A_782 : i32
          %mul3A_832 = arith.constant 128 : i32
          %mul3A_833 = arith.muli %select_n3A_806, %mul3A_832 : i32
          %mul3A_834 = arith.constant 64 : i32
          %mul3A_835 = arith.muli %select_n3A_822, %mul3A_834 : i32
          %add3A_836 = arith.addi %mul3A_833, %mul3A_835 : i32
          %dma_start3A_837 = tpu.memref_slice %arg5[%add3A_836] : memref<25600xi32, #tpu.memory_space<vmem>> -> memref<64xi32, #tpu.memory_space<vmem>>
          %dma_start3A_838 = tpu.memref_slice %arg2[%add3A_831] : memref<6553600xi32, #tpu.memory_space<hbm>> -> memref<64xi32, #tpu.memory_space<hbm>>
          %dma_start3A_839 = tpu.memref_slice %arg5[%add3A_836] : memref<25600xi32, #tpu.memory_space<vmem>> -> memref<64xi32, #tpu.memory_space<vmem>>
          %dma_start3A_840 = tpu.memref_slice %arg2[%add3A_831] : memref<6553600xi32, #tpu.memory_space<hbm>> -> memref<64xi32, #tpu.memory_space<hbm>>
          tpu.enqueue_dma source(%dma_start3A_840 : memref<64xi32, #tpu.memory_space<hbm>>) target(%dma_start3A_839 : memref<64xi32, #tpu.memory_space<vmem>>) target_semaphore(%arg9 : memref<!tpu.dma_semaphore, #tpu.memory_space<semaphore_mem>>)
        } else {
        }
        %lt3A_273 = arith.constant 24 : i32
        %lt3A_274 = arith.cmpi slt, %scan3A_202, %lt3A_273 : i32
        %convert_element_type3A_275 = arith.extui %lt3A_274 : i1 to i32
        %cond3A_276 = arith.constant 0 : i32
        %cond3A_277 = arith.cmpi ne, %convert_element_type3A_275, %cond3A_276 : i32
        scf.if %cond3A_277 {
          %dma_wait3A_400 = arith.constant 0 : i32
          %dma_wait3A_401 = arith.constant 0 : i32
          %dma_wait3A_402 = arith.constant 0 : i32
          %dma_wait3A_403 = tpu.memref_slice %arg7[%dma_wait3A_400, %dma_wait3A_401, %dma_wait3A_402] : memref<4x128x128xf32, #tpu.memory_space<vmem>> -> memref<1x128x128xf32, #tpu.memory_space<vmem>>
          %dma_wait3A_404 = tpu.memref_squeeze %dma_wait3A_403 : memref<1x128x128xf32, #tpu.memory_space<vmem>> -> memref<128x128xf32, #tpu.memory_space<vmem>>
          %dma_wait3A_405 = arith.constant 0 : i32
          %dma_wait3A_406 = arith.constant 0 : i32
          %dma_wait3A_407 = tpu.memref_slice %arg4[%dma_wait3A_405, %dma_wait3A_406] : memref<3276800x128xf32, #tpu.memory_space<hbm>> -> memref<128x128xf32, #tpu.memory_space<hbm>>
          %dma_wait3A_408 = arith.constant 0 : i32
          %dma_wait3A_409 = arith.constant 0 : i32
          %dma_wait3A_410 = tpu.memref_slice %arg4[%dma_wait3A_408, %dma_wait3A_409] : memref<3276800x128xf32, #tpu.memory_space<hbm>> -> memref<128x128xf32, #tpu.memory_space<hbm>>
          %dma_wait3A_411 = arith.constant 0 : i32
          %dma_wait3A_412 = arith.constant 0 : i32
          %dma_wait3A_413 = tpu.memref_slice %arg7[%dma_wait3A_400, %dma_wait3A_411, %dma_wait3A_412] : memref<4x128x128xf32, #tpu.memory_space<vmem>> -> memref<1x128x128xf32, #tpu.memory_space<vmem>>
          %dma_wait3A_414 = tpu.memref_squeeze %dma_wait3A_413 : memref<1x128x128xf32, #tpu.memory_space<vmem>> -> memref<128x128xf32, #tpu.memory_space<vmem>>
          tpu.wait_dma2 semaphore(%arg14 : memref<!tpu.dma_semaphore, #tpu.memory_space<semaphore_mem>>) src(%dma_wait3A_414 : memref<128x128xf32, #tpu.memory_space<vmem>>) dst(%dma_wait3A_410 : memref<128x128xf32, #tpu.memory_space<hbm>>)
          %add3A_415 = arith.constant 4 : i32
          %add3A_416 = arith.addi %add3A_267, %add3A_415 : i32
          %sub3A_417 = arith.constant 1 : i32
          %sub3A_418 = arith.subi %add3A_416, %sub3A_417 : i32
          %mul3A_419 = arith.constant 128 : i32
          %mul3A_420 = arith.muli %sub3A_418, %mul3A_419 : i32
          %add3A_421 = arith.addi %mul3A_46, %mul3A_420 : i32
          %dma_start3A_422 = arith.constant 0 : i32
          %dma_start3A_423 = arith.constant 0 : i32
          %dma_start3A_424 = arith.constant 0 : i32
          %dma_start3A_425 = tpu.memref_slice %arg7[%dma_start3A_422, %dma_start3A_423, %dma_start3A_424] : memref<4x128x128xf32, #tpu.memory_space<vmem>> -> memref<1x128x128xf32, #tpu.memory_space<vmem>>
          %dma_start3A_426 = tpu.memref_squeeze %dma_start3A_425 : memref<1x128x128xf32, #tpu.memory_space<vmem>> -> memref<128x128xf32, #tpu.memory_space<vmem>>
          %dma_start3A_427 = tpu.memref_slice %arg6[%add3A_421] : memref<25600xi32, #tpu.memory_space<vmem>> -> memref<128xi32, #tpu.memory_space<vmem>>
          %dma_start3A_428 = arith.constant 0 : i32
          %dma_start3A_429 = arith.constant 0 : i32
          %dma_start3A_430 = tpu.memref_slice %arg8[%dma_start3A_428, %dma_start3A_429] : memref<400x128xf32, #tpu.memory_space<vmem_shared>> -> memref<400x128xf32, #tpu.memory_space<vmem_shared>>
          tpu.enqueue_indirect_dma source(%dma_start3A_430 : memref<400x128xf32, #tpu.memory_space<vmem_shared>>) target(%dma_start3A_426 : memref<128x128xf32, #tpu.memory_space<vmem>>) offsets(%dma_start3A_427 : memref<128xi32, #tpu.memory_space<vmem>>) semaphore(%arg10 : memref<!tpu.dma_semaphore, #tpu.memory_space<semaphore_mem>>)
        } else {
        }
        %dma_wait3A_278 = arith.constant 1 : i32
        %dma_wait3A_279 = arith.constant 0 : i32
        %dma_wait3A_280 = arith.constant 0 : i32
        %dma_wait3A_281 = tpu.memref_slice %arg7[%dma_wait3A_278, %dma_wait3A_279, %dma_wait3A_280] : memref<4x128x128xf32, #tpu.memory_space<vmem>> -> memref<1x128x128xf32, #tpu.memory_space<vmem>>
        %dma_wait3A_282 = tpu.memref_squeeze %dma_wait3A_281 : memref<1x128x128xf32, #tpu.memory_space<vmem>> -> memref<128x128xf32, #tpu.memory_space<vmem>>
        %dma_wait3A_283 = arith.constant 0 : i32
        %dma_wait3A_284 = arith.constant 0 : i32
        %dma_wait3A_285 = tpu.memref_slice %arg3[%dma_wait3A_283, %dma_wait3A_284] : memref<400x128xf32, #tpu.memory_space<hbm>> -> memref<128x128xf32, #tpu.memory_space<hbm>>
        %dma_wait3A_286 = arith.constant 0 : i32
        %dma_wait3A_287 = arith.constant 0 : i32
        %dma_wait3A_288 = tpu.memref_slice %arg7[%dma_wait3A_278, %dma_wait3A_286, %dma_wait3A_287] : memref<4x128x128xf32, #tpu.memory_space<vmem>> -> memref<1x128x128xf32, #tpu.memory_space<vmem>>
        %dma_wait3A_289 = tpu.memref_squeeze %dma_wait3A_288 : memref<1x128x128xf32, #tpu.memory_space<vmem>> -> memref<128x128xf32, #tpu.memory_space<vmem>>
        %dma_wait3A_290 = arith.constant 0 : i32
        %dma_wait3A_291 = arith.constant 0 : i32
        %dma_wait3A_292 = tpu.memref_slice %arg3[%dma_wait3A_290, %dma_wait3A_291] : memref<400x128xf32, #tpu.memory_space<hbm>> -> memref<128x128xf32, #tpu.memory_space<hbm>>
        tpu.wait_dma2 semaphore(%arg11 : memref<!tpu.dma_semaphore, #tpu.memory_space<semaphore_mem>>) src(%dma_wait3A_292 : memref<128x128xf32, #tpu.memory_space<hbm>>) dst(%dma_wait3A_289 : memref<128x128xf32, #tpu.memory_space<vmem>>)
        %mul3A_293 = arith.constant 128 : i32
        %mul3A_294 = arith.muli %add3A_267, %mul3A_293 : i32
        %add3A_295 = arith.addi %mul3A_97, %mul3A_294 : i32
        %dma_start3A_296 = arith.constant 1 : i32
        %dma_start3A_297 = arith.constant 0 : i32
        %dma_start3A_298 = arith.constant 0 : i32
        %dma_start3A_299 = tpu.memref_slice %arg7[%dma_start3A_296, %dma_start3A_297, %dma_start3A_298] : memref<4x128x128xf32, #tpu.memory_space<vmem>> -> memref<1x128x128xf32, #tpu.memory_space<vmem>>
        %dma_start3A_300 = tpu.memref_squeeze %dma_start3A_299 : memref<1x128x128xf32, #tpu.memory_space<vmem>> -> memref<128x128xf32, #tpu.memory_space<vmem>>
        %dma_start3A_301 = arith.constant 0 : i32
        %dma_start3A_302 = tpu.memref_slice %arg4[%add3A_295, %dma_start3A_301] : memref<3276800x128xf32, #tpu.memory_space<hbm>> -> memref<128x128xf32, #tpu.memory_space<hbm>>
        %dma_start3A_303 = arith.constant 0 : i32
        %dma_start3A_304 = tpu.memref_slice %arg4[%add3A_295, %dma_start3A_303] : memref<3276800x128xf32, #tpu.memory_space<hbm>> -> memref<128x128xf32, #tpu.memory_space<hbm>>
        %dma_start3A_305 = arith.constant 0 : i32
        %dma_start3A_306 = arith.constant 0 : i32
        %dma_start3A_307 = tpu.memref_slice %arg7[%dma_start3A_296, %dma_start3A_305, %dma_start3A_306] : memref<4x128x128xf32, #tpu.memory_space<vmem>> -> memref<1x128x128xf32, #tpu.memory_space<vmem>>
        %dma_start3A_308 = tpu.memref_squeeze %dma_start3A_307 : memref<1x128x128xf32, #tpu.memory_space<vmem>> -> memref<128x128xf32, #tpu.memory_space<vmem>>
        tpu.enqueue_dma source(%dma_start3A_308 : memref<128x128xf32, #tpu.memory_space<vmem>>) target(%dma_start3A_304 : memref<128x128xf32, #tpu.memory_space<hbm>>) target_semaphore(%arg15 : memref<!tpu.dma_semaphore, #tpu.memory_space<semaphore_mem>>)
        %mul3A_309 = arith.constant 4 : i32
        %mul3A_310 = arith.muli %scan3A_202, %mul3A_309 : i32
        %add3A_311 = arith.constant 2 : i32
        %add3A_312 = arith.addi %mul3A_310, %add3A_311 : i32
        %lt3A_313 = arith.constant 7 : i32
        %lt3A_314 = arith.cmpi slt, %scan3A_33, %lt3A_313 : i32
        %convert_element_type3A_315 = arith.extui %lt3A_314 : i1 to i32
        %cond3A_316 = arith.constant 0 : i32
        %cond3A_317 = arith.cmpi ne, %convert_element_type3A_315, %cond3A_316 : i32
        scf.if %cond3A_317 {
          %gt3A_400 = arith.constant 0 : i32
          %gt3A_401 = arith.cmpi sgt, %add3A_312, %gt3A_400 : i32
          %convert_element_type3A_402 = arith.extui %gt3A_401 : i1 to i32
          %cond3A_403 = arith.constant 0 : i32
          %cond3A_404 = arith.cmpi ne, %convert_element_type3A_402, %cond3A_403 : i32
          scf.if %cond3A_404 {
            %dma_wait3A_841 = arith.constant 0 : i32
            %dma_wait3A_842 = tpu.memref_slice %arg5[%dma_wait3A_841] : memref<25600xi32, #tpu.memory_space<vmem>> -> memref<64xi32, #tpu.memory_space<vmem>>
            %dma_wait3A_843 = arith.constant 0 : i32
            %dma_wait3A_844 = tpu.memref_slice %arg2[%dma_wait3A_843] : memref<6553600xi32, #tpu.memory_space<hbm>> -> memref<64xi32, #tpu.memory_space<hbm>>
            %dma_wait3A_845 = arith.constant 0 : i32
            %dma_wait3A_846 = tpu.memref_slice %arg5[%dma_wait3A_845] : memref<25600xi32, #tpu.memory_space<vmem>> -> memref<64xi32, #tpu.memory_space<vmem>>
            %dma_wait3A_847 = arith.constant 0 : i32
            %dma_wait3A_848 = tpu.memref_slice %arg2[%dma_wait3A_847] : memref<6553600xi32, #tpu.memory_space<hbm>> -> memref<64xi32, #tpu.memory_space<hbm>>
            tpu.wait_dma2 semaphore(%arg9 : memref<!tpu.dma_semaphore, #tpu.memory_space<semaphore_mem>>) src(%dma_wait3A_848 : memref<64xi32, #tpu.memory_space<hbm>>) dst(%dma_wait3A_846 : memref<64xi32, #tpu.memory_space<vmem>>)
            %dma_wait3A_849 = arith.constant 0 : i32
            %dma_wait3A_850 = tpu.memref_slice %arg5[%dma_wait3A_849] : memref<25600xi32, #tpu.memory_space<vmem>> -> memref<64xi32, #tpu.memory_space<vmem>>
            %dma_wait3A_851 = arith.constant 0 : i32
            %dma_wait3A_852 = tpu.memref_slice %arg2[%dma_wait3A_851] : memref<6553600xi32, #tpu.memory_space<hbm>> -> memref<64xi32, #tpu.memory_space<hbm>>
            %dma_wait3A_853 = arith.constant 0 : i32
            %dma_wait3A_854 = tpu.memref_slice %arg5[%dma_wait3A_853] : memref<25600xi32, #tpu.memory_space<vmem>> -> memref<64xi32, #tpu.memory_space<vmem>>
            %dma_wait3A_855 = arith.constant 0 : i32
            %dma_wait3A_856 = tpu.memref_slice %arg2[%dma_wait3A_855] : memref<6553600xi32, #tpu.memory_space<hbm>> -> memref<64xi32, #tpu.memory_space<hbm>>
            tpu.wait_dma2 semaphore(%arg9 : memref<!tpu.dma_semaphore, #tpu.memory_space<semaphore_mem>>) src(%dma_wait3A_856 : memref<64xi32, #tpu.memory_space<hbm>>) dst(%dma_wait3A_854 : memref<64xi32, #tpu.memory_space<vmem>>)
            %dma_wait3A_857 = arith.constant 0 : i32
            %dma_wait3A_858 = tpu.memref_slice %arg5[%dma_wait3A_857] : memref<25600xi32, #tpu.memory_space<vmem>> -> memref<64xi32, #tpu.memory_space<vmem>>
            %dma_wait3A_859 = arith.constant 0 : i32
            %dma_wait3A_860 = tpu.memref_slice %arg2[%dma_wait3A_859] : memref<6553600xi32, #tpu.memory_space<hbm>> -> memref<64xi32, #tpu.memory_space<hbm>>
            %dma_wait3A_861 = arith.constant 0 : i32
            %dma_wait3A_862 = tpu.memref_slice %arg5[%dma_wait3A_861] : memref<25600xi32, #tpu.memory_space<vmem>> -> memref<64xi32, #tpu.memory_space<vmem>>
            %dma_wait3A_863 = arith.constant 0 : i32
            %dma_wait3A_864 = tpu.memref_slice %arg2[%dma_wait3A_863] : memref<6553600xi32, #tpu.memory_space<hbm>> -> memref<64xi32, #tpu.memory_space<hbm>>
            tpu.wait_dma2 semaphore(%arg9 : memref<!tpu.dma_semaphore, #tpu.memory_space<semaphore_mem>>) src(%dma_wait3A_864 : memref<64xi32, #tpu.memory_space<hbm>>) dst(%dma_wait3A_862 : memref<64xi32, #tpu.memory_space<vmem>>)
            %dma_wait3A_865 = arith.constant 0 : i32
            %dma_wait3A_866 = tpu.memref_slice %arg5[%dma_wait3A_865] : memref<25600xi32, #tpu.memory_space<vmem>> -> memref<64xi32, #tpu.memory_space<vmem>>
            %dma_wait3A_867 = arith.constant 0 : i32
            %dma_wait3A_868 = tpu.memref_slice %arg2[%dma_wait3A_867] : memref<6553600xi32, #tpu.memory_space<hbm>> -> memref<64xi32, #tpu.memory_space<hbm>>
            %dma_wait3A_869 = arith.constant 0 : i32
            %dma_wait3A_870 = tpu.memref_slice %arg5[%dma_wait3A_869] : memref<25600xi32, #tpu.memory_space<vmem>> -> memref<64xi32, #tpu.memory_space<vmem>>
            %dma_wait3A_871 = arith.constant 0 : i32
            %dma_wait3A_872 = tpu.memref_slice %arg2[%dma_wait3A_871] : memref<6553600xi32, #tpu.memory_space<hbm>> -> memref<64xi32, #tpu.memory_space<hbm>>
            tpu.wait_dma2 semaphore(%arg9 : memref<!tpu.dma_semaphore, #tpu.memory_space<semaphore_mem>>) src(%dma_wait3A_872 : memref<64xi32, #tpu.memory_space<hbm>>) dst(%dma_wait3A_870 : memref<64xi32, #tpu.memory_space<vmem>>)
            %mul3A_873 = arith.constant 2 : i32
            %mul3A_874 = arith.muli %mul3A_873, %add3A_312 : i32
            %sub3A_875 = arith.constant 2 : i32
            %sub3A_876 = arith.subi %mul3A_874, %sub3A_875 : i32
            %mul3A_877 = arith.constant 128 : i32
            %mul3A_878 = arith.muli %sub3A_876, %mul3A_877 : i32
            %add3A_879 = arith.constant 0 : i32
            %add3A_880 = arith.addi %mul3A_878, %add3A_879 : i32
            %get3A = arith.index_cast %add3A_880 : i32 to index
            %get3A_881 = tpu.vector_load %arg5[%get3A] {strides = array<i32>} : memref<25600xi32, #tpu.memory_space<vmem>>, vector<16xi32>,
            %add3A_882 = arith.constant 64 : i32
            %add3A_883 = arith.addi %mul3A_878, %add3A_882 : i32
            %add3A_884 = arith.constant 0 : i32
            %add3A_885 = arith.addi %add3A_883, %add3A_884 : i32
            %get3A_886 = arith.index_cast %add3A_885 : i32 to index
            %get3A_887 = tpu.vector_load %arg5[%get3A_886] {strides = array<i32>} : memref<25600xi32, #tpu.memory_space<vmem>>, vector<16xi32>,
            %add3A_888 = arith.constant 0 : i32
            %add3A_889 = arith.addi %add3A_888, %sub3A_876 : i32
            %add3A_890 = vector.broadcast %add3A_889 : i32 to vector<16xi32>
            %add3A_891 = arith.addi %mul3A_3, %add3A_890 : vector<16xi32>
            %add3A_892 = vector.broadcast %mul3A_49 : i32 to vector<16xi32>
            %add3A_893 = arith.addi %add3A_891, %add3A_892 : vector<16xi32>
            %mul3A_894 = arith.constant 20 : i32
            %mul3A_895 = vector.broadcast %mul3A_894 : i32 to vector<16xi32>
            %mul3A_896 = arith.muli %get3A_881, %mul3A_895 : vector<16xi32>
            %add3A_897 = arith.addi %mul3A_896, %get3A_887 : vector<16xi32>
            tpu.vector_store_idx %arg6[%add3A_893], %add3A_897 : memref<25600xi32, #tpu.memory_space<vmem>>[vector<16xi32>], vector<16xi32>,
            %add3A_898 = arith.constant 16 : i32
            %add3A_899 = arith.addi %mul3A_878, %add3A_898 : i32
            %get3A_900 = arith.index_cast %add3A_899 : i32 to index
            %get3A_901 = tpu.vector_load %arg5[%get3A_900] {strides = array<i32>} : memref<25600xi32, #tpu.memory_space<vmem>>, vector<16xi32>,
            %add3A_902 = arith.constant 64 : i32
            %add3A_903 = arith.addi %mul3A_878, %add3A_902 : i32
            %add3A_904 = arith.constant 16 : i32
            %add3A_905 = arith.addi %add3A_903, %add3A_904 : i32
            %get3A_906 = arith.index_cast %add3A_905 : i32 to index
            %get3A_907 = tpu.vector_load %arg5[%get3A_906] {strides = array<i32>} : memref<25600xi32, #tpu.memory_space<vmem>>, vector<16xi32>,
            %add3A_908 = arith.constant 3200 : i32
            %add3A_909 = arith.addi %add3A_908, %sub3A_876 : i32
            %add3A_910 = vector.broadcast %add3A_909 : i32 to vector<16xi32>
            %add3A_911 = arith.addi %mul3A_3, %add3A_910 : vector<16xi32>
            %add3A_912 = vector.broadcast %mul3A_49 : i32 to vector<16xi32>
            %add3A_913 = arith.addi %add3A_911, %add3A_912 : vector<16xi32>
            %mul3A_914 = arith.constant 20 : i32
            %mul3A_915 = vector.broadcast %mul3A_914 : i32 to vector<16xi32>
            %mul3A_916 = arith.muli %get3A_901, %mul3A_915 : vector<16xi32>
            %add3A_917 = arith.addi %mul3A_916, %get3A_907 : vector<16xi32>
            tpu.vector_store_idx %arg6[%add3A_913], %add3A_917 : memref<25600xi32, #tpu.memory_space<vmem>>[vector<16xi32>], vector<16xi32>,
            %add3A_918 = arith.constant 32 : i32
            %add3A_919 = arith.addi %mul3A_878, %add3A_918 : i32
            %get3A_920 = arith.index_cast %add3A_919 : i32 to index
            %get3A_921 = tpu.vector_load %arg5[%get3A_920] {strides = array<i32>} : memref<25600xi32, #tpu.memory_space<vmem>>, vector<16xi32>,
            %add3A_922 = arith.constant 64 : i32
            %add3A_923 = arith.addi %mul3A_878, %add3A_922 : i32
            %add3A_924 = arith.constant 32 : i32
            %add3A_925 = arith.addi %add3A_923, %add3A_924 : i32
            %get3A_926 = arith.index_cast %add3A_925 : i32 to index
            %get3A_927 = tpu.vector_load %arg5[%get3A_926] {strides = array<i32>} : memref<25600xi32, #tpu.memory_space<vmem>>, vector<16xi32>,
            %add3A_928 = arith.constant 6400 : i32
            %add3A_929 = arith.addi %add3A_928, %sub3A_876 : i32
            %add3A_930 = vector.broadcast %add3A_929 : i32 to vector<16xi32>
            %add3A_931 = arith.addi %mul3A_3, %add3A_930 : vector<16xi32>
            %add3A_932 = vector.broadcast %mul3A_49 : i32 to vector<16xi32>
            %add3A_933 = arith.addi %add3A_931, %add3A_932 : vector<16xi32>
            %mul3A_934 = arith.constant 20 : i32
            %mul3A_935 = vector.broadcast %mul3A_934 : i32 to vector<16xi32>
            %mul3A_936 = arith.muli %get3A_921, %mul3A_935 : vector<16xi32>
            %add3A_937 = arith.addi %mul3A_936, %get3A_927 : vector<16xi32>
            tpu.vector_store_idx %arg6[%add3A_933], %add3A_937 : memref<25600xi32, #tpu.memory_space<vmem>>[vector<16xi32>], vector<16xi32>,
            %add3A_938 = arith.constant 48 : i32
            %add3A_939 = arith.addi %mul3A_878, %add3A_938 : i32
            %get3A_940 = arith.index_cast %add3A_939 : i32 to index
            %get3A_941 = tpu.vector_load %arg5[%get3A_940] {strides = array<i32>} : memref<25600xi32, #tpu.memory_space<vmem>>, vector<16xi32>,
            %add3A_942 = arith.constant 64 : i32
            %add3A_943 = arith.addi %mul3A_878, %add3A_942 : i32
            %add3A_944 = arith.constant 48 : i32
            %add3A_945 = arith.addi %add3A_943, %add3A_944 : i32
            %get3A_946 = arith.index_cast %add3A_945 : i32 to index
            %get3A_947 = tpu.vector_load %arg5[%get3A_946] {strides = array<i32>} : memref<25600xi32, #tpu.memory_space<vmem>>, vector<16xi32>,
            %add3A_948 = arith.constant 9600 : i32
            %add3A_949 = arith.addi %add3A_948, %sub3A_876 : i32
            %add3A_950 = vector.broadcast %add3A_949 : i32 to vector<16xi32>
            %add3A_951 = arith.addi %mul3A_3, %add3A_950 : vector<16xi32>
            %add3A_952 = vector.broadcast %mul3A_49 : i32 to vector<16xi32>
            %add3A_953 = arith.addi %add3A_951, %add3A_952 : vector<16xi32>
            %mul3A_954 = arith.constant 20 : i32
            %mul3A_955 = vector.broadcast %mul3A_954 : i32 to vector<16xi32>
            %mul3A_956 = arith.muli %get3A_941, %mul3A_955 : vector<16xi32>
            %add3A_957 = arith.addi %mul3A_956, %get3A_947 : vector<16xi32>
            tpu.vector_store_idx %arg6[%add3A_953], %add3A_957 : memref<25600xi32, #tpu.memory_space<vmem>>[vector<16xi32>], vector<16xi32>,
            %mul3A_958 = arith.constant 2 : i32
            %mul3A_959 = arith.muli %mul3A_958, %add3A_312 : i32
            %sub3A_960 = arith.constant 1 : i32
            %sub3A_961 = arith.subi %mul3A_959, %sub3A_960 : i32
            %mul3A_962 = arith.constant 128 : i32
            %mul3A_963 = arith.muli %sub3A_961, %mul3A_962 : i32
            %add3A_964 = arith.constant 0 : i32
            %add3A_965 = arith.addi %mul3A_963, %add3A_964 : i32
            %get3A_966 = arith.index_cast %add3A_965 : i32 to index
            %get3A_967 = tpu.vector_load %arg5[%get3A_966] {strides = array<i32>} : memref<25600xi32, #tpu.memory_space<vmem>>, vector<16xi32>,
            %add3A_968 = arith.constant 64 : i32
            %add3A_969 = arith.addi %mul3A_963, %add3A_968 : i32
            %add3A_970 = arith.constant 0 : i32
            %add3A_971 = arith.addi %add3A_969, %add3A_970 : i32
            %get3A_972 = arith.index_cast %add3A_971 : i32 to index
            %get3A_973 = tpu.vector_load %arg5[%get3A_972] {strides = array<i32>} : memref<25600xi32, #tpu.memory_space<vmem>>, vector<16xi32>,
            %add3A_974 = arith.constant 0 : i32
            %add3A_975 = arith.addi %add3A_974, %sub3A_961 : i32
            %add3A_976 = vector.broadcast %add3A_975 : i32 to vector<16xi32>
            %add3A_977 = arith.addi %mul3A_3, %add3A_976 : vector<16xi32>
            %add3A_978 = vector.broadcast %mul3A_49 : i32 to vector<16xi32>
            %add3A_979 = arith.addi %add3A_977, %add3A_978 : vector<16xi32>
            %mul3A_980 = arith.constant 20 : i32
            %mul3A_981 = vector.broadcast %mul3A_980 : i32 to vector<16xi32>
            %mul3A_982 = arith.muli %get3A_967, %mul3A_981 : vector<16xi32>
            %add3A_983 = arith.addi %mul3A_982, %get3A_973 : vector<16xi32>
            tpu.vector_store_idx %arg6[%add3A_979], %add3A_983 : memref<25600xi32, #tpu.memory_space<vmem>>[vector<16xi32>], vector<16xi32>,
            %add3A_984 = arith.constant 16 : i32
            %add3A_985 = arith.addi %mul3A_963, %add3A_984 : i32
            %get3A_986 = arith.index_cast %add3A_985 : i32 to index
            %get3A_987 = tpu.vector_load %arg5[%get3A_986] {strides = array<i32>} : memref<25600xi32, #tpu.memory_space<vmem>>, vector<16xi32>,
            %add3A_988 = arith.constant 64 : i32
            %add3A_989 = arith.addi %mul3A_963, %add3A_988 : i32
            %add3A_990 = arith.constant 16 : i32
            %add3A_991 = arith.addi %add3A_989, %add3A_990 : i32
            %get3A_992 = arith.index_cast %add3A_991 : i32 to index
            %get3A_993 = tpu.vector_load %arg5[%get3A_992] {strides = array<i32>} : memref<25600xi32, #tpu.memory_space<vmem>>, vector<16xi32>,
            %add3A_994 = arith.constant 3200 : i32
            %add3A_995 = arith.addi %add3A_994, %sub3A_961 : i32
            %add3A_996 = vector.broadcast %add3A_995 : i32 to vector<16xi32>
            %add3A_997 = arith.addi %mul3A_3, %add3A_996 : vector<16xi32>
            %add3A_998 = vector.broadcast %mul3A_49 : i32 to vector<16xi32>
            %add3A_999 = arith.addi %add3A_997, %add3A_998 : vector<16xi32>
            %mul3A_1000 = arith.constant 20 : i32
            %mul3A_1001 = vector.broadcast %mul3A_1000 : i32 to vector<16xi32>
            %mul3A_1002 = arith.muli %get3A_987, %mul3A_1001 : vector<16xi32>
            %add3A_1003 = arith.addi %mul3A_1002, %get3A_993 : vector<16xi32>
            tpu.vector_store_idx %arg6[%add3A_999], %add3A_1003 : memref<25600xi32, #tpu.memory_space<vmem>>[vector<16xi32>], vector<16xi32>,
            %add3A_1004 = arith.constant 32 : i32
            %add3A_1005 = arith.addi %mul3A_963, %add3A_1004 : i32
            %get3A_1006 = arith.index_cast %add3A_1005 : i32 to index
            %get3A_1007 = tpu.vector_load %arg5[%get3A_1006] {strides = array<i32>} : memref<25600xi32, #tpu.memory_space<vmem>>, vector<16xi32>,
            %add3A_1008 = arith.constant 64 : i32
            %add3A_1009 = arith.addi %mul3A_963, %add3A_1008 : i32
            %add3A_1010 = arith.constant 32 : i32
            %add3A_1011 = arith.addi %add3A_1009, %add3A_1010 : i32
            %get3A_1012 = arith.index_cast %add3A_1011 : i32 to index
            %get3A_1013 = tpu.vector_load %arg5[%get3A_1012] {strides = array<i32>} : memref<25600xi32, #tpu.memory_space<vmem>>, vector<16xi32>,
            %add3A_1014 = arith.constant 6400 : i32
            %add3A_1015 = arith.addi %add3A_1014, %sub3A_961 : i32
            %add3A_1016 = vector.broadcast %add3A_1015 : i32 to vector<16xi32>
            %add3A_1017 = arith.addi %mul3A_3, %add3A_1016 : vector<16xi32>
            %add3A_1018 = vector.broadcast %mul3A_49 : i32 to vector<16xi32>
            %add3A_1019 = arith.addi %add3A_1017, %add3A_1018 : vector<16xi32>
            %mul3A_1020 = arith.constant 20 : i32
            %mul3A_1021 = vector.broadcast %mul3A_1020 : i32 to vector<16xi32>
            %mul3A_1022 = arith.muli %get3A_1007, %mul3A_1021 : vector<16xi32>
            %add3A_1023 = arith.addi %mul3A_1022, %get3A_1013 : vector<16xi32>
            tpu.vector_store_idx %arg6[%add3A_1019], %add3A_1023 : memref<25600xi32, #tpu.memory_space<vmem>>[vector<16xi32>], vector<16xi32>,
            %add3A_1024 = arith.constant 48 : i32
            %add3A_1025 = arith.addi %mul3A_963, %add3A_1024 : i32
            %get3A_1026 = arith.index_cast %add3A_1025 : i32 to index
            %get3A_1027 = tpu.vector_load %arg5[%get3A_1026] {strides = array<i32>} : memref<25600xi32, #tpu.memory_space<vmem>>, vector<16xi32>,
            %add3A_1028 = arith.constant 64 : i32
            %add3A_1029 = arith.addi %mul3A_963, %add3A_1028 : i32
            %add3A_1030 = arith.constant 48 : i32
            %add3A_1031 = arith.addi %add3A_1029, %add3A_1030 : i32
            %get3A_1032 = arith.index_cast %add3A_1031 : i32 to index
            %get3A_1033 = tpu.vector_load %arg5[%get3A_1032] {strides = array<i32>} : memref<25600xi32, #tpu.memory_space<vmem>>, vector<16xi32>,
            %add3A_1034 = arith.constant 9600 : i32
            %add3A_1035 = arith.addi %add3A_1034, %sub3A_961 : i32
            %add3A_1036 = vector.broadcast %add3A_1035 : i32 to vector<16xi32>
            %add3A_1037 = arith.addi %mul3A_3, %add3A_1036 : vector<16xi32>
            %add3A_1038 = vector.broadcast %mul3A_49 : i32 to vector<16xi32>
            %add3A_1039 = arith.addi %add3A_1037, %add3A_1038 : vector<16xi32>
            %mul3A_1040 = arith.constant 20 : i32
            %mul3A_1041 = vector.broadcast %mul3A_1040 : i32 to vector<16xi32>
            %mul3A_1042 = arith.muli %get3A_1027, %mul3A_1041 : vector<16xi32>
            %add3A_1043 = arith.addi %mul3A_1042, %get3A_1033 : vector<16xi32>
            tpu.vector_store_idx %arg6[%add3A_1039], %add3A_1043 : memref<25600xi32, #tpu.memory_space<vmem>>[vector<16xi32>], vector<16xi32>,
          } else {
          }
          %add3A_405 = arith.constant 1 : i32
          %add3A_406 = arith.addi %scan3A_33, %add3A_405 : i32
          %mul3A_407 = arith.constant 4 : i32
          %mul3A_408 = arith.muli %add3A_312, %mul3A_407 : i32
          %add3A_409 = arith.constant 0 : i32
          %add3A_410 = arith.addi %mul3A_408, %add3A_409 : i32
          %mul3A_411 = arith.constant 4 : i32
          %mul3A_412 = arith.muli %add3A, %mul3A_411 : i32
          %jit3A_413 = arith.constant 2 : i32
          %div3A_414 = arith.divsi %add3A_406, %jit3A_413 : i32
          %sign3A_415 = arith.constant 0 : i32
          %sign3A_416 = arith.cmpi sgt, %add3A_406, %sign3A_415 : i32
          %sign3A_417 = arith.extui %sign3A_416 : i1 to i32
          %sign3A_418 = arith.constant 0 : i32
          %sign3A_419 = arith.cmpi slt, %add3A_406, %sign3A_418 : i32
          %sign3A_420 = arith.extui %sign3A_419 : i1 to i32
          %sign3A_421 = arith.subi %sign3A_417, %sign3A_420 : i32
          %sign3A_422 = arith.constant 0 : i32
          %sign3A_423 = arith.cmpi sgt, %jit3A_413, %sign3A_422 : i32
          %sign3A_424 = arith.extui %sign3A_423 : i1 to i32
          %sign3A_425 = arith.constant 0 : i32
          %sign3A_426 = arith.cmpi slt, %jit3A_413, %sign3A_425 : i32
          %sign3A_427 = arith.extui %sign3A_426 : i1 to i32
          %sign3A_428 = arith.subi %sign3A_424, %sign3A_427 : i32
          %ne3A_429 = arith.cmpi ne, %sign3A_421, %sign3A_428 : i32
          %rem3A_430 = arith.remsi %add3A_406, %jit3A_413 : i32
          %ne3A_431 = arith.constant 0 : i32
          %ne3A_432 = arith.cmpi ne, %rem3A_430, %ne3A_431 : i32
          %and3A_433 = arith.andi %ne3A_429, %ne3A_432 : i1
          %sub3A_434 = arith.constant 1 : i32
          %sub3A_435 = arith.subi %div3A_414, %sub3A_434 : i32
          %select_n3A_436 = arith.select %and3A_433, %sub3A_435, %div3A_414 : i32
          %add3A_437 = arith.addi %mul3A_412, %select_n3A_436 : i32
          %jit3A_438 = arith.constant 2 : i32
          %eq3A_439 = arith.constant 0 : i32
          %eq3A_440 = arith.cmpi eq, %jit3A_438, %eq3A_439 : i32
          %jit3A_441 = arith.constant 1 : i32
          %select_n3A_442 = arith.select %eq3A_440, %jit3A_441, %jit3A_438 : i32
          %rem3A_443 = arith.remsi %add3A_406, %select_n3A_442 : i32
          %ne3A_444 = arith.constant 0 : i32
          %ne3A_445 = arith.cmpi ne, %rem3A_443, %ne3A_444 : i32
          %lt3A_446 = arith.constant 0 : i32
          %lt3A_447 = arith.cmpi slt, %rem3A_443, %lt3A_446 : i32
          %lt3A_448 = arith.constant 0 : i32
          %lt3A_449 = arith.cmpi slt, %select_n3A_442, %lt3A_448 : i32
          %ne3A_450 = arith.xori %lt3A_447, %lt3A_449 : i1
          %and3A_451 = arith.andi %ne3A_450, %ne3A_445 : i1
          %add3A_452 = arith.addi %rem3A_443, %select_n3A_442 : i32
          %select_n3A_453 = arith.select %and3A_451, %add3A_452, %rem3A_443 : i32
          %mul3A_454 = arith.constant 64 : i32
          %mul3A_455 = arith.muli %select_n3A_453, %mul3A_454 : i32
          %jit3A_456 = arith.constant 2 : i32
          %div3A_457 = arith.divsi %add3A_410, %jit3A_456 : i32
          %sign3A_458 = arith.constant 0 : i32
          %sign3A_459 = arith.cmpi sgt, %add3A_410, %sign3A_458 : i32
          %sign3A_460 = arith.extui %sign3A_459 : i1 to i32
          %sign3A_461 = arith.constant 0 : i32
          %sign3A_462 = arith.cmpi slt, %add3A_410, %sign3A_461 : i32
          %sign3A_463 = arith.extui %sign3A_462 : i1 to i32
          %sign3A_464 = arith.subi %sign3A_460, %sign3A_463 : i32
          %sign3A_465 = arith.constant 0 : i32
          %sign3A_466 = arith.cmpi sgt, %jit3A_456, %sign3A_465 : i32
          %sign3A_467 = arith.extui %sign3A_466 : i1 to i32
          %sign3A_468 = arith.constant 0 : i32
          %sign3A_469 = arith.cmpi slt, %jit3A_456, %sign3A_468 : i32
          %sign3A_470 = arith.extui %sign3A_469 : i1 to i32
          %sign3A_471 = arith.subi %sign3A_467, %sign3A_470 : i32
          %ne3A_472 = arith.cmpi ne, %sign3A_464, %sign3A_471 : i32
          %rem3A_473 = arith.remsi %add3A_410, %jit3A_456 : i32
          %ne3A_474 = arith.constant 0 : i32
          %ne3A_475 = arith.cmpi ne, %rem3A_473, %ne3A_474 : i32
          %and3A_476 = arith.andi %ne3A_472, %ne3A_475 : i1
          %sub3A_477 = arith.constant 1 : i32
          %sub3A_478 = arith.subi %div3A_457, %sub3A_477 : i32
          %select_n3A_479 = arith.select %and3A_476, %sub3A_478, %div3A_457 : i32
          %jit3A_480 = arith.constant 2 : i32
          %eq3A_481 = arith.constant 0 : i32
          %eq3A_482 = arith.cmpi eq, %jit3A_480, %eq3A_481 : i32
          %jit3A_483 = arith.constant 1 : i32
          %select_n3A_484 = arith.select %eq3A_482, %jit3A_483, %jit3A_480 : i32
          %rem3A_485 = arith.remsi %add3A_410, %select_n3A_484 : i32
          %ne3A_486 = arith.constant 0 : i32
          %ne3A_487 = arith.cmpi ne, %rem3A_485, %ne3A_486 : i32
          %lt3A_488 = arith.constant 0 : i32
          %lt3A_489 = arith.cmpi slt, %rem3A_485, %lt3A_488 : i32
          %lt3A_490 = arith.constant 0 : i32
          %lt3A_491 = arith.cmpi slt, %select_n3A_484, %lt3A_490 : i32
          %ne3A_492 = arith.xori %lt3A_489, %lt3A_491 : i1
          %and3A_493 = arith.andi %ne3A_492, %ne3A_487 : i1
          %add3A_494 = arith.addi %rem3A_485, %select_n3A_484 : i32
          %select_n3A_495 = arith.select %and3A_493, %add3A_494, %rem3A_485 : i32
          %mul3A_496 = arith.constant 32768 : i32
          %mul3A_497 = arith.muli %select_n3A_479, %mul3A_496 : i32
          %mul3A_498 = arith.constant 256 : i32
          %mul3A_499 = arith.muli %add3A_437, %mul3A_498 : i32
          %add3A_500 = arith.addi %mul3A_497, %mul3A_499 : i32
          %mul3A_501 = arith.constant 128 : i32
          %mul3A_502 = arith.muli %select_n3A_495, %mul3A_501 : i32
          %add3A_503 = arith.addi %add3A_500, %mul3A_502 : i32
          %add3A_504 = arith.addi %add3A_503, %mul3A_455 : i32
          %mul3A_505 = arith.constant 128 : i32
          %mul3A_506 = arith.muli %select_n3A_479, %mul3A_505 : i32
          %mul3A_507 = arith.constant 64 : i32
          %mul3A_508 = arith.muli %select_n3A_495, %mul3A_507 : i32
          %add3A_509 = arith.addi %mul3A_506, %mul3A_508 : i32
          %dma_start3A_510 = tpu.memref_slice %arg5[%add3A_509] : memref<25600xi32, #tpu.memory_space<vmem>> -> memref<64xi32, #tpu.memory_space<vmem>>
          %dma_start3A_511 = tpu.memref_slice %arg2[%add3A_504] : memref<6553600xi32, #tpu.memory_space<hbm>> -> memref<64xi32, #tpu.memory_space<hbm>>
          %dma_start3A_512 = tpu.memref_slice %arg5[%add3A_509] : memref<25600xi32, #tpu.memory_space<vmem>> -> memref<64xi32, #tpu.memory_space<vmem>>
          %dma_start3A_513 = tpu.memref_slice %arg2[%add3A_504] : memref<6553600xi32, #tpu.memory_space<hbm>> -> memref<64xi32, #tpu.memory_space<hbm>>
          tpu.enqueue_dma source(%dma_start3A_513 : memref<64xi32, #tpu.memory_space<hbm>>) target(%dma_start3A_512 : memref<64xi32, #tpu.memory_space<vmem>>) target_semaphore(%arg9 : memref<!tpu.dma_semaphore, #tpu.memory_space<semaphore_mem>>)
          %add3A_514 = arith.constant 1 : i32
          %add3A_515 = arith.addi %scan3A_33, %add3A_514 : i32
          %mul3A_516 = arith.constant 4 : i32
          %mul3A_517 = arith.muli %add3A_312, %mul3A_516 : i32
          %add3A_518 = arith.constant 1 : i32
          %add3A_519 = arith.addi %mul3A_517, %add3A_518 : i32
          %mul3A_520 = arith.constant 4 : i32
          %mul3A_521 = arith.muli %add3A, %mul3A_520 : i32
          %jit3A_522 = arith.constant 2 : i32
          %div3A_523 = arith.divsi %add3A_515, %jit3A_522 : i32
          %sign3A_524 = arith.constant 0 : i32
          %sign3A_525 = arith.cmpi sgt, %add3A_515, %sign3A_524 : i32
          %sign3A_526 = arith.extui %sign3A_525 : i1 to i32
          %sign3A_527 = arith.constant 0 : i32
          %sign3A_528 = arith.cmpi slt, %add3A_515, %sign3A_527 : i32
          %sign3A_529 = arith.extui %sign3A_528 : i1 to i32
          %sign3A_530 = arith.subi %sign3A_526, %sign3A_529 : i32
          %sign3A_531 = arith.constant 0 : i32
          %sign3A_532 = arith.cmpi sgt, %jit3A_522, %sign3A_531 : i32
          %sign3A_533 = arith.extui %sign3A_532 : i1 to i32
          %sign3A_534 = arith.constant 0 : i32
          %sign3A_535 = arith.cmpi slt, %jit3A_522, %sign3A_534 : i32
          %sign3A_536 = arith.extui %sign3A_535 : i1 to i32
          %sign3A_537 = arith.subi %sign3A_533, %sign3A_536 : i32
          %ne3A_538 = arith.cmpi ne, %sign3A_530, %sign3A_537 : i32
          %rem3A_539 = arith.remsi %add3A_515, %jit3A_522 : i32
          %ne3A_540 = arith.constant 0 : i32
          %ne3A_541 = arith.cmpi ne, %rem3A_539, %ne3A_540 : i32
          %and3A_542 = arith.andi %ne3A_538, %ne3A_541 : i1
          %sub3A_543 = arith.constant 1 : i32
          %sub3A_544 = arith.subi %div3A_523, %sub3A_543 : i32
          %select_n3A_545 = arith.select %and3A_542, %sub3A_544, %div3A_523 : i32
          %add3A_546 = arith.addi %mul3A_521, %select_n3A_545 : i32
          %jit3A_547 = arith.constant 2 : i32
          %eq3A_548 = arith.constant 0 : i32
          %eq3A_549 = arith.cmpi eq, %jit3A_547, %eq3A_548 : i32
          %jit3A_550 = arith.constant 1 : i32
          %select_n3A_551 = arith.select %eq3A_549, %jit3A_550, %jit3A_547 : i32
          %rem3A_552 = arith.remsi %add3A_515, %select_n3A_551 : i32
          %ne3A_553 = arith.constant 0 : i32
          %ne3A_554 = arith.cmpi ne, %rem3A_552, %ne3A_553 : i32
          %lt3A_555 = arith.constant 0 : i32
          %lt3A_556 = arith.cmpi slt, %rem3A_552, %lt3A_555 : i32
          %lt3A_557 = arith.constant 0 : i32
          %lt3A_558 = arith.cmpi slt, %select_n3A_551, %lt3A_557 : i32
          %ne3A_559 = arith.xori %lt3A_556, %lt3A_558 : i1
          %and3A_560 = arith.andi %ne3A_559, %ne3A_554 : i1
          %add3A_561 = arith.addi %rem3A_552, %select_n3A_551 : i32
          %select_n3A_562 = arith.select %and3A_560, %add3A_561, %rem3A_552 : i32
          %mul3A_563 = arith.constant 64 : i32
          %mul3A_564 = arith.muli %select_n3A_562, %mul3A_563 : i32
          %jit3A_565 = arith.constant 2 : i32
          %div3A_566 = arith.divsi %add3A_519, %jit3A_565 : i32
          %sign3A_567 = arith.constant 0 : i32
          %sign3A_568 = arith.cmpi sgt, %add3A_519, %sign3A_567 : i32
          %sign3A_569 = arith.extui %sign3A_568 : i1 to i32
          %sign3A_570 = arith.constant 0 : i32
          %sign3A_571 = arith.cmpi slt, %add3A_519, %sign3A_570 : i32
          %sign3A_572 = arith.extui %sign3A_571 : i1 to i32
          %sign3A_573 = arith.subi %sign3A_569, %sign3A_572 : i32
          %sign3A_574 = arith.constant 0 : i32
          %sign3A_575 = arith.cmpi sgt, %jit3A_565, %sign3A_574 : i32
          %sign3A_576 = arith.extui %sign3A_575 : i1 to i32
          %sign3A_577 = arith.constant 0 : i32
          %sign3A_578 = arith.cmpi slt, %jit3A_565, %sign3A_577 : i32
          %sign3A_579 = arith.extui %sign3A_578 : i1 to i32
          %sign3A_580 = arith.subi %sign3A_576, %sign3A_579 : i32
          %ne3A_581 = arith.cmpi ne, %sign3A_573, %sign3A_580 : i32
          %rem3A_582 = arith.remsi %add3A_519, %jit3A_565 : i32
          %ne3A_583 = arith.constant 0 : i32
          %ne3A_584 = arith.cmpi ne, %rem3A_582, %ne3A_583 : i32
          %and3A_585 = arith.andi %ne3A_581, %ne3A_584 : i1
          %sub3A_586 = arith.constant 1 : i32
          %sub3A_587 = arith.subi %div3A_566, %sub3A_586 : i32
          %select_n3A_588 = arith.select %and3A_585, %sub3A_587, %div3A_566 : i32
          %jit3A_589 = arith.constant 2 : i32
          %eq3A_590 = arith.constant 0 : i32
          %eq3A_591 = arith.cmpi eq, %jit3A_589, %eq3A_590 : i32
          %jit3A_592 = arith.constant 1 : i32
          %select_n3A_593 = arith.select %eq3A_591, %jit3A_592, %jit3A_589 : i32
          %rem3A_594 = arith.remsi %add3A_519, %select_n3A_593 : i32
          %ne3A_595 = arith.constant 0 : i32
          %ne3A_596 = arith.cmpi ne, %rem3A_594, %ne3A_595 : i32
          %lt3A_597 = arith.constant 0 : i32
          %lt3A_598 = arith.cmpi slt, %rem3A_594, %lt3A_597 : i32
          %lt3A_599 = arith.constant 0 : i32
          %lt3A_600 = arith.cmpi slt, %select_n3A_593, %lt3A_599 : i32
          %ne3A_601 = arith.xori %lt3A_598, %lt3A_600 : i1
          %and3A_602 = arith.andi %ne3A_601, %ne3A_596 : i1
          %add3A_603 = arith.addi %rem3A_594, %select_n3A_593 : i32
          %select_n3A_604 = arith.select %and3A_602, %add3A_603, %rem3A_594 : i32
          %mul3A_605 = arith.constant 32768 : i32
          %mul3A_606 = arith.muli %select_n3A_588, %mul3A_605 : i32
          %mul3A_607 = arith.constant 256 : i32
          %mul3A_608 = arith.muli %add3A_546, %mul3A_607 : i32
          %add3A_609 = arith.addi %mul3A_606, %mul3A_608 : i32
          %mul3A_610 = arith.constant 128 : i32
          %mul3A_611 = arith.muli %select_n3A_604, %mul3A_610 : i32
          %add3A_612 = arith.addi %add3A_609, %mul3A_611 : i32
          %add3A_613 = arith.addi %add3A_612, %mul3A_564 : i32
          %mul3A_614 = arith.constant 128 : i32
          %mul3A_615 = arith.muli %select_n3A_588, %mul3A_614 : i32
          %mul3A_616 = arith.constant 64 : i32
          %mul3A_617 = arith.muli %select_n3A_604, %mul3A_616 : i32
          %add3A_618 = arith.addi %mul3A_615, %mul3A_617 : i32
          %dma_start3A_619 = tpu.memref_slice %arg5[%add3A_618] : memref<25600xi32, #tpu.memory_space<vmem>> -> memref<64xi32, #tpu.memory_space<vmem>>
          %dma_start3A_620 = tpu.memref_slice %arg2[%add3A_613] : memref<6553600xi32, #tpu.memory_space<hbm>> -> memref<64xi32, #tpu.memory_space<hbm>>
          %dma_start3A_621 = tpu.memref_slice %arg5[%add3A_618] : memref<25600xi32, #tpu.memory_space<vmem>> -> memref<64xi32, #tpu.memory_space<vmem>>
          %dma_start3A_622 = tpu.memref_slice %arg2[%add3A_613] : memref<6553600xi32, #tpu.memory_space<hbm>> -> memref<64xi32, #tpu.memory_space<hbm>>
          tpu.enqueue_dma source(%dma_start3A_622 : memref<64xi32, #tpu.memory_space<hbm>>) target(%dma_start3A_621 : memref<64xi32, #tpu.memory_space<vmem>>) target_semaphore(%arg9 : memref<!tpu.dma_semaphore, #tpu.memory_space<semaphore_mem>>)
          %add3A_623 = arith.constant 1 : i32
          %add3A_624 = arith.addi %scan3A_33, %add3A_623 : i32
          %mul3A_625 = arith.constant 4 : i32
          %mul3A_626 = arith.muli %add3A_312, %mul3A_625 : i32
          %add3A_627 = arith.constant 2 : i32
          %add3A_628 = arith.addi %mul3A_626, %add3A_627 : i32
          %mul3A_629 = arith.constant 4 : i32
          %mul3A_630 = arith.muli %add3A, %mul3A_629 : i32
          %jit3A_631 = arith.constant 2 : i32
          %div3A_632 = arith.divsi %add3A_624, %jit3A_631 : i32
          %sign3A_633 = arith.constant 0 : i32
          %sign3A_634 = arith.cmpi sgt, %add3A_624, %sign3A_633 : i32
          %sign3A_635 = arith.extui %sign3A_634 : i1 to i32
          %sign3A_636 = arith.constant 0 : i32
          %sign3A_637 = arith.cmpi slt, %add3A_624, %sign3A_636 : i32
          %sign3A_638 = arith.extui %sign3A_637 : i1 to i32
          %sign3A_639 = arith.subi %sign3A_635, %sign3A_638 : i32
          %sign3A_640 = arith.constant 0 : i32
          %sign3A_641 = arith.cmpi sgt, %jit3A_631, %sign3A_640 : i32
          %sign3A_642 = arith.extui %sign3A_641 : i1 to i32
          %sign3A_643 = arith.constant 0 : i32
          %sign3A_644 = arith.cmpi slt, %jit3A_631, %sign3A_643 : i32
          %sign3A_645 = arith.extui %sign3A_644 : i1 to i32
          %sign3A_646 = arith.subi %sign3A_642, %sign3A_645 : i32
          %ne3A_647 = arith.cmpi ne, %sign3A_639, %sign3A_646 : i32
          %rem3A_648 = arith.remsi %add3A_624, %jit3A_631 : i32
          %ne3A_649 = arith.constant 0 : i32
          %ne3A_650 = arith.cmpi ne, %rem3A_648, %ne3A_649 : i32
          %and3A_651 = arith.andi %ne3A_647, %ne3A_650 : i1
          %sub3A_652 = arith.constant 1 : i32
          %sub3A_653 = arith.subi %div3A_632, %sub3A_652 : i32
          %select_n3A_654 = arith.select %and3A_651, %sub3A_653, %div3A_632 : i32
          %add3A_655 = arith.addi %mul3A_630, %select_n3A_654 : i32
          %jit3A_656 = arith.constant 2 : i32
          %eq3A_657 = arith.constant 0 : i32
          %eq3A_658 = arith.cmpi eq, %jit3A_656, %eq3A_657 : i32
          %jit3A_659 = arith.constant 1 : i32
          %select_n3A_660 = arith.select %eq3A_658, %jit3A_659, %jit3A_656 : i32
          %rem3A_661 = arith.remsi %add3A_624, %select_n3A_660 : i32
          %ne3A_662 = arith.constant 0 : i32
          %ne3A_663 = arith.cmpi ne, %rem3A_661, %ne3A_662 : i32
          %lt3A_664 = arith.constant 0 : i32
          %lt3A_665 = arith.cmpi slt, %rem3A_661, %lt3A_664 : i32
          %lt3A_666 = arith.constant 0 : i32
          %lt3A_667 = arith.cmpi slt, %select_n3A_660, %lt3A_666 : i32
          %ne3A_668 = arith.xori %lt3A_665, %lt3A_667 : i1
          %and3A_669 = arith.andi %ne3A_668, %ne3A_663 : i1
          %add3A_670 = arith.addi %rem3A_661, %select_n3A_660 : i32
          %select_n3A_671 = arith.select %and3A_669, %add3A_670, %rem3A_661 : i32
          %mul3A_672 = arith.constant 64 : i32
          %mul3A_673 = arith.muli %select_n3A_671, %mul3A_672 : i32
          %jit3A_674 = arith.constant 2 : i32
          %div3A_675 = arith.divsi %add3A_628, %jit3A_674 : i32
          %sign3A_676 = arith.constant 0 : i32
          %sign3A_677 = arith.cmpi sgt, %add3A_628, %sign3A_676 : i32
          %sign3A_678 = arith.extui %sign3A_677 : i1 to i32
          %sign3A_679 = arith.constant 0 : i32
          %sign3A_680 = arith.cmpi slt, %add3A_628, %sign3A_679 : i32
          %sign3A_681 = arith.extui %sign3A_680 : i1 to i32
          %sign3A_682 = arith.subi %sign3A_678, %sign3A_681 : i32
          %sign3A_683 = arith.constant 0 : i32
          %sign3A_684 = arith.cmpi sgt, %jit3A_674, %sign3A_683 : i32
          %sign3A_685 = arith.extui %sign3A_684 : i1 to i32
          %sign3A_686 = arith.constant 0 : i32
          %sign3A_687 = arith.cmpi slt, %jit3A_674, %sign3A_686 : i32
          %sign3A_688 = arith.extui %sign3A_687 : i1 to i32
          %sign3A_689 = arith.subi %sign3A_685, %sign3A_688 : i32
          %ne3A_690 = arith.cmpi ne, %sign3A_682, %sign3A_689 : i32
          %rem3A_691 = arith.remsi %add3A_628, %jit3A_674 : i32
          %ne3A_692 = arith.constant 0 : i32
          %ne3A_693 = arith.cmpi ne, %rem3A_691, %ne3A_692 : i32
          %and3A_694 = arith.andi %ne3A_690, %ne3A_693 : i1
          %sub3A_695 = arith.constant 1 : i32
          %sub3A_696 = arith.subi %div3A_675, %sub3A_695 : i32
          %select_n3A_697 = arith.select %and3A_694, %sub3A_696, %div3A_675 : i32
          %jit3A_698 = arith.constant 2 : i32
          %eq3A_699 = arith.constant 0 : i32
          %eq3A_700 = arith.cmpi eq, %jit3A_698, %eq3A_699 : i32
          %jit3A_701 = arith.constant 1 : i32
          %select_n3A_702 = arith.select %eq3A_700, %jit3A_701, %jit3A_698 : i32
          %rem3A_703 = arith.remsi %add3A_628, %select_n3A_702 : i32
          %ne3A_704 = arith.constant 0 : i32
          %ne3A_705 = arith.cmpi ne, %rem3A_703, %ne3A_704 : i32
          %lt3A_706 = arith.constant 0 : i32
          %lt3A_707 = arith.cmpi slt, %rem3A_703, %lt3A_706 : i32
          %lt3A_708 = arith.constant 0 : i32
          %lt3A_709 = arith.cmpi slt, %select_n3A_702, %lt3A_708 : i32
          %ne3A_710 = arith.xori %lt3A_707, %lt3A_709 : i1
          %and3A_711 = arith.andi %ne3A_710, %ne3A_705 : i1
          %add3A_712 = arith.addi %rem3A_703, %select_n3A_702 : i32
          %select_n3A_713 = arith.select %and3A_711, %add3A_712, %rem3A_703 : i32
          %mul3A_714 = arith.constant 32768 : i32
          %mul3A_715 = arith.muli %select_n3A_697, %mul3A_714 : i32
          %mul3A_716 = arith.constant 256 : i32
          %mul3A_717 = arith.muli %add3A_655, %mul3A_716 : i32
          %add3A_718 = arith.addi %mul3A_715, %mul3A_717 : i32
          %mul3A_719 = arith.constant 128 : i32
          %mul3A_720 = arith.muli %select_n3A_713, %mul3A_719 : i32
          %add3A_721 = arith.addi %add3A_718, %mul3A_720 : i32
          %add3A_722 = arith.addi %add3A_721, %mul3A_673 : i32
          %mul3A_723 = arith.constant 128 : i32
          %mul3A_724 = arith.muli %select_n3A_697, %mul3A_723 : i32
          %mul3A_725 = arith.constant 64 : i32
          %mul3A_726 = arith.muli %select_n3A_713, %mul3A_725 : i32
          %add3A_727 = arith.addi %mul3A_724, %mul3A_726 : i32
          %dma_start3A_728 = tpu.memref_slice %arg5[%add3A_727] : memref<25600xi32, #tpu.memory_space<vmem>> -> memref<64xi32, #tpu.memory_space<vmem>>
          %dma_start3A_729 = tpu.memref_slice %arg2[%add3A_722] : memref<6553600xi32, #tpu.memory_space<hbm>> -> memref<64xi32, #tpu.memory_space<hbm>>
          %dma_start3A_730 = tpu.memref_slice %arg5[%add3A_727] : memref<25600xi32, #tpu.memory_space<vmem>> -> memref<64xi32, #tpu.memory_space<vmem>>
          %dma_start3A_731 = tpu.memref_slice %arg2[%add3A_722] : memref<6553600xi32, #tpu.memory_space<hbm>> -> memref<64xi32, #tpu.memory_space<hbm>>
          tpu.enqueue_dma source(%dma_start3A_731 : memref<64xi32, #tpu.memory_space<hbm>>) target(%dma_start3A_730 : memref<64xi32, #tpu.memory_space<vmem>>) target_semaphore(%arg9 : memref<!tpu.dma_semaphore, #tpu.memory_space<semaphore_mem>>)
          %add3A_732 = arith.constant 1 : i32
          %add3A_733 = arith.addi %scan3A_33, %add3A_732 : i32
          %mul3A_734 = arith.constant 4 : i32
          %mul3A_735 = arith.muli %add3A_312, %mul3A_734 : i32
          %add3A_736 = arith.constant 3 : i32
          %add3A_737 = arith.addi %mul3A_735, %add3A_736 : i32
          %mul3A_738 = arith.constant 4 : i32
          %mul3A_739 = arith.muli %add3A, %mul3A_738 : i32
          %jit3A_740 = arith.constant 2 : i32
          %div3A_741 = arith.divsi %add3A_733, %jit3A_740 : i32
          %sign3A_742 = arith.constant 0 : i32
          %sign3A_743 = arith.cmpi sgt, %add3A_733, %sign3A_742 : i32
          %sign3A_744 = arith.extui %sign3A_743 : i1 to i32
          %sign3A_745 = arith.constant 0 : i32
          %sign3A_746 = arith.cmpi slt, %add3A_733, %sign3A_745 : i32
          %sign3A_747 = arith.extui %sign3A_746 : i1 to i32
          %sign3A_748 = arith.subi %sign3A_744, %sign3A_747 : i32
          %sign3A_749 = arith.constant 0 : i32
          %sign3A_750 = arith.cmpi sgt, %jit3A_740, %sign3A_749 : i32
          %sign3A_751 = arith.extui %sign3A_750 : i1 to i32
          %sign3A_752 = arith.constant 0 : i32
          %sign3A_753 = arith.cmpi slt, %jit3A_740, %sign3A_752 : i32
          %sign3A_754 = arith.extui %sign3A_753 : i1 to i32
          %sign3A_755 = arith.subi %sign3A_751, %sign3A_754 : i32
          %ne3A_756 = arith.cmpi ne, %sign3A_748, %sign3A_755 : i32
          %rem3A_757 = arith.remsi %add3A_733, %jit3A_740 : i32
          %ne3A_758 = arith.constant 0 : i32
          %ne3A_759 = arith.cmpi ne, %rem3A_757, %ne3A_758 : i32
          %and3A_760 = arith.andi %ne3A_756, %ne3A_759 : i1
          %sub3A_761 = arith.constant 1 : i32
          %sub3A_762 = arith.subi %div3A_741, %sub3A_761 : i32
          %select_n3A_763 = arith.select %and3A_760, %sub3A_762, %div3A_741 : i32
          %add3A_764 = arith.addi %mul3A_739, %select_n3A_763 : i32
          %jit3A_765 = arith.constant 2 : i32
          %eq3A_766 = arith.constant 0 : i32
          %eq3A_767 = arith.cmpi eq, %jit3A_765, %eq3A_766 : i32
          %jit3A_768 = arith.constant 1 : i32
          %select_n3A_769 = arith.select %eq3A_767, %jit3A_768, %jit3A_765 : i32
          %rem3A_770 = arith.remsi %add3A_733, %select_n3A_769 : i32
          %ne3A_771 = arith.constant 0 : i32
          %ne3A_772 = arith.cmpi ne, %rem3A_770, %ne3A_771 : i32
          %lt3A_773 = arith.constant 0 : i32
          %lt3A_774 = arith.cmpi slt, %rem3A_770, %lt3A_773 : i32
          %lt3A_775 = arith.constant 0 : i32
          %lt3A_776 = arith.cmpi slt, %select_n3A_769, %lt3A_775 : i32
          %ne3A_777 = arith.xori %lt3A_774, %lt3A_776 : i1
          %and3A_778 = arith.andi %ne3A_777, %ne3A_772 : i1
          %add3A_779 = arith.addi %rem3A_770, %select_n3A_769 : i32
          %select_n3A_780 = arith.select %and3A_778, %add3A_779, %rem3A_770 : i32
          %mul3A_781 = arith.constant 64 : i32
          %mul3A_782 = arith.muli %select_n3A_780, %mul3A_781 : i32
          %jit3A_783 = arith.constant 2 : i32
          %div3A_784 = arith.divsi %add3A_737, %jit3A_783 : i32
          %sign3A_785 = arith.constant 0 : i32
          %sign3A_786 = arith.cmpi sgt, %add3A_737, %sign3A_785 : i32
          %sign3A_787 = arith.extui %sign3A_786 : i1 to i32
          %sign3A_788 = arith.constant 0 : i32
          %sign3A_789 = arith.cmpi slt, %add3A_737, %sign3A_788 : i32
          %sign3A_790 = arith.extui %sign3A_789 : i1 to i32
          %sign3A_791 = arith.subi %sign3A_787, %sign3A_790 : i32
          %sign3A_792 = arith.constant 0 : i32
          %sign3A_793 = arith.cmpi sgt, %jit3A_783, %sign3A_792 : i32
          %sign3A_794 = arith.extui %sign3A_793 : i1 to i32
          %sign3A_795 = arith.constant 0 : i32
          %sign3A_796 = arith.cmpi slt, %jit3A_783, %sign3A_795 : i32
          %sign3A_797 = arith.extui %sign3A_796 : i1 to i32
          %sign3A_798 = arith.subi %sign3A_794, %sign3A_797 : i32
          %ne3A_799 = arith.cmpi ne, %sign3A_791, %sign3A_798 : i32
          %rem3A_800 = arith.remsi %add3A_737, %jit3A_783 : i32
          %ne3A_801 = arith.constant 0 : i32
          %ne3A_802 = arith.cmpi ne, %rem3A_800, %ne3A_801 : i32
          %and3A_803 = arith.andi %ne3A_799, %ne3A_802 : i1
          %sub3A_804 = arith.constant 1 : i32
          %sub3A_805 = arith.subi %div3A_784, %sub3A_804 : i32
          %select_n3A_806 = arith.select %and3A_803, %sub3A_805, %div3A_784 : i32
          %jit3A_807 = arith.constant 2 : i32
          %eq3A_808 = arith.constant 0 : i32
          %eq3A_809 = arith.cmpi eq, %jit3A_807, %eq3A_808 : i32
          %jit3A_810 = arith.constant 1 : i32
          %select_n3A_811 = arith.select %eq3A_809, %jit3A_810, %jit3A_807 : i32
          %rem3A_812 = arith.remsi %add3A_737, %select_n3A_811 : i32
          %ne3A_813 = arith.constant 0 : i32
          %ne3A_814 = arith.cmpi ne, %rem3A_812, %ne3A_813 : i32
          %lt3A_815 = arith.constant 0 : i32
          %lt3A_816 = arith.cmpi slt, %rem3A_812, %lt3A_815 : i32
          %lt3A_817 = arith.constant 0 : i32
          %lt3A_818 = arith.cmpi slt, %select_n3A_811, %lt3A_817 : i32
          %ne3A_819 = arith.xori %lt3A_816, %lt3A_818 : i1
          %and3A_820 = arith.andi %ne3A_819, %ne3A_814 : i1
          %add3A_821 = arith.addi %rem3A_812, %select_n3A_811 : i32
          %select_n3A_822 = arith.select %and3A_820, %add3A_821, %rem3A_812 : i32
          %mul3A_823 = arith.constant 32768 : i32
          %mul3A_824 = arith.muli %select_n3A_806, %mul3A_823 : i32
          %mul3A_825 = arith.constant 256 : i32
          %mul3A_826 = arith.muli %add3A_764, %mul3A_825 : i32
          %add3A_827 = arith.addi %mul3A_824, %mul3A_826 : i32
          %mul3A_828 = arith.constant 128 : i32
          %mul3A_829 = arith.muli %select_n3A_822, %mul3A_828 : i32
          %add3A_830 = arith.addi %add3A_827, %mul3A_829 : i32
          %add3A_831 = arith.addi %add3A_830, %mul3A_782 : i32
          %mul3A_832 = arith.constant 128 : i32
          %mul3A_833 = arith.muli %select_n3A_806, %mul3A_832 : i32
          %mul3A_834 = arith.constant 64 : i32
          %mul3A_835 = arith.muli %select_n3A_822, %mul3A_834 : i32
          %add3A_836 = arith.addi %mul3A_833, %mul3A_835 : i32
          %dma_start3A_837 = tpu.memref_slice %arg5[%add3A_836] : memref<25600xi32, #tpu.memory_space<vmem>> -> memref<64xi32, #tpu.memory_space<vmem>>
          %dma_start3A_838 = tpu.memref_slice %arg2[%add3A_831] : memref<6553600xi32, #tpu.memory_space<hbm>> -> memref<64xi32, #tpu.memory_space<hbm>>
          %dma_start3A_839 = tpu.memref_slice %arg5[%add3A_836] : memref<25600xi32, #tpu.memory_space<vmem>> -> memref<64xi32, #tpu.memory_space<vmem>>
          %dma_start3A_840 = tpu.memref_slice %arg2[%add3A_831] : memref<6553600xi32, #tpu.memory_space<hbm>> -> memref<64xi32, #tpu.memory_space<hbm>>
          tpu.enqueue_dma source(%dma_start3A_840 : memref<64xi32, #tpu.memory_space<hbm>>) target(%dma_start3A_839 : memref<64xi32, #tpu.memory_space<vmem>>) target_semaphore(%arg9 : memref<!tpu.dma_semaphore, #tpu.memory_space<semaphore_mem>>)
        } else {
        }
        %lt3A_318 = arith.constant 24 : i32
        %lt3A_319 = arith.cmpi slt, %scan3A_202, %lt3A_318 : i32
        %convert_element_type3A_320 = arith.extui %lt3A_319 : i1 to i32
        %cond3A_321 = arith.constant 0 : i32
        %cond3A_322 = arith.cmpi ne, %convert_element_type3A_320, %cond3A_321 : i32
        scf.if %cond3A_322 {
          %dma_wait3A_400 = arith.constant 1 : i32
          %dma_wait3A_401 = arith.constant 0 : i32
          %dma_wait3A_402 = arith.constant 0 : i32
          %dma_wait3A_403 = tpu.memref_slice %arg7[%dma_wait3A_400, %dma_wait3A_401, %dma_wait3A_402] : memref<4x128x128xf32, #tpu.memory_space<vmem>> -> memref<1x128x128xf32, #tpu.memory_space<vmem>>
          %dma_wait3A_404 = tpu.memref_squeeze %dma_wait3A_403 : memref<1x128x128xf32, #tpu.memory_space<vmem>> -> memref<128x128xf32, #tpu.memory_space<vmem>>
          %dma_wait3A_405 = arith.constant 0 : i32
          %dma_wait3A_406 = arith.constant 0 : i32
          %dma_wait3A_407 = tpu.memref_slice %arg4[%dma_wait3A_405, %dma_wait3A_406] : memref<3276800x128xf32, #tpu.memory_space<hbm>> -> memref<128x128xf32, #tpu.memory_space<hbm>>
          %dma_wait3A_408 = arith.constant 0 : i32
          %dma_wait3A_409 = arith.constant 0 : i32
          %dma_wait3A_410 = tpu.memref_slice %arg4[%dma_wait3A_408, %dma_wait3A_409] : memref<3276800x128xf32, #tpu.memory_space<hbm>> -> memref<128x128xf32, #tpu.memory_space<hbm>>
          %dma_wait3A_411 = arith.constant 0 : i32
          %dma_wait3A_412 = arith.constant 0 : i32
          %dma_wait3A_413 = tpu.memref_slice %arg7[%dma_wait3A_400, %dma_wait3A_411, %dma_wait3A_412] : memref<4x128x128xf32, #tpu.memory_space<vmem>> -> memref<1x128x128xf32, #tpu.memory_space<vmem>>
          %dma_wait3A_414 = tpu.memref_squeeze %dma_wait3A_413 : memref<1x128x128xf32, #tpu.memory_space<vmem>> -> memref<128x128xf32, #tpu.memory_space<vmem>>
          tpu.wait_dma2 semaphore(%arg15 : memref<!tpu.dma_semaphore, #tpu.memory_space<semaphore_mem>>) src(%dma_wait3A_414 : memref<128x128xf32, #tpu.memory_space<vmem>>) dst(%dma_wait3A_410 : memref<128x128xf32, #tpu.memory_space<hbm>>)
          %add3A_415 = arith.constant 4 : i32
          %add3A_416 = arith.addi %add3A_312, %add3A_415 : i32
          %sub3A_417 = arith.constant 1 : i32
          %sub3A_418 = arith.subi %add3A_416, %sub3A_417 : i32
          %mul3A_419 = arith.constant 128 : i32
          %mul3A_420 = arith.muli %sub3A_418, %mul3A_419 : i32
          %add3A_421 = arith.addi %mul3A_46, %mul3A_420 : i32
          %dma_start3A_422 = arith.constant 1 : i32
          %dma_start3A_423 = arith.constant 0 : i32
          %dma_start3A_424 = arith.constant 0 : i32
          %dma_start3A_425 = tpu.memref_slice %arg7[%dma_start3A_422, %dma_start3A_423, %dma_start3A_424] : memref<4x128x128xf32, #tpu.memory_space<vmem>> -> memref<1x128x128xf32, #tpu.memory_space<vmem>>
          %dma_start3A_426 = tpu.memref_squeeze %dma_start3A_425 : memref<1x128x128xf32, #tpu.memory_space<vmem>> -> memref<128x128xf32, #tpu.memory_space<vmem>>
          %dma_start3A_427 = tpu.memref_slice %arg6[%add3A_421] : memref<25600xi32, #tpu.memory_space<vmem>> -> memref<128xi32, #tpu.memory_space<vmem>>
          %dma_start3A_428 = arith.constant 0 : i32
          %dma_start3A_429 = arith.constant 0 : i32
          %dma_start3A_430 = tpu.memref_slice %arg8[%dma_start3A_428, %dma_start3A_429] : memref<400x128xf32, #tpu.memory_space<vmem_shared>> -> memref<400x128xf32, #tpu.memory_space<vmem_shared>>
          tpu.enqueue_indirect_dma source(%dma_start3A_430 : memref<400x128xf32, #tpu.memory_space<vmem_shared>>) target(%dma_start3A_426 : memref<128x128xf32, #tpu.memory_space<vmem>>) offsets(%dma_start3A_427 : memref<128xi32, #tpu.memory_space<vmem>>) semaphore(%arg11 : memref<!tpu.dma_semaphore, #tpu.memory_space<semaphore_mem>>)
        } else {
        }
        %dma_wait3A_323 = arith.constant 2 : i32
        %dma_wait3A_324 = arith.constant 0 : i32
        %dma_wait3A_325 = arith.constant 0 : i32
        %dma_wait3A_326 = tpu.memref_slice %arg7[%dma_wait3A_323, %dma_wait3A_324, %dma_wait3A_325] : memref<4x128x128xf32, #tpu.memory_space<vmem>> -> memref<1x128x128xf32, #tpu.memory_space<vmem>>
        %dma_wait3A_327 = tpu.memref_squeeze %dma_wait3A_326 : memref<1x128x128xf32, #tpu.memory_space<vmem>> -> memref<128x128xf32, #tpu.memory_space<vmem>>
        %dma_wait3A_328 = arith.constant 0 : i32
        %dma_wait3A_329 = arith.constant 0 : i32
        %dma_wait3A_330 = tpu.memref_slice %arg3[%dma_wait3A_328, %dma_wait3A_329] : memref<400x128xf32, #tpu.memory_space<hbm>> -> memref<128x128xf32, #tpu.memory_space<hbm>>
        %dma_wait3A_331 = arith.constant 0 : i32
        %dma_wait3A_332 = arith.constant 0 : i32
        %dma_wait3A_333 = tpu.memref_slice %arg7[%dma_wait3A_323, %dma_wait3A_331, %dma_wait3A_332] : memref<4x128x128xf32, #tpu.memory_space<vmem>> -> memref<1x128x128xf32, #tpu.memory_space<vmem>>
        %dma_wait3A_334 = tpu.memref_squeeze %dma_wait3A_333 : memref<1x128x128xf32, #tpu.memory_space<vmem>> -> memref<128x128xf32, #tpu.memory_space<vmem>>
        %dma_wait3A_335 = arith.constant 0 : i32
        %dma_wait3A_336 = arith.constant 0 : i32
        %dma_wait3A_337 = tpu.memref_slice %arg3[%dma_wait3A_335, %dma_wait3A_336] : memref<400x128xf32, #tpu.memory_space<hbm>> -> memref<128x128xf32, #tpu.memory_space<hbm>>
        tpu.wait_dma2 semaphore(%arg12 : memref<!tpu.dma_semaphore, #tpu.memory_space<semaphore_mem>>) src(%dma_wait3A_337 : memref<128x128xf32, #tpu.memory_space<hbm>>) dst(%dma_wait3A_334 : memref<128x128xf32, #tpu.memory_space<vmem>>)
        %mul3A_338 = arith.constant 128 : i32
        %mul3A_339 = arith.muli %add3A_312, %mul3A_338 : i32
        %add3A_340 = arith.addi %mul3A_97, %mul3A_339 : i32
        %dma_start3A_341 = arith.constant 2 : i32
        %dma_start3A_342 = arith.constant 0 : i32
        %dma_start3A_343 = arith.constant 0 : i32
        %dma_start3A_344 = tpu.memref_slice %arg7[%dma_start3A_341, %dma_start3A_342, %dma_start3A_343] : memref<4x128x128xf32, #tpu.memory_space<vmem>> -> memref<1x128x128xf32, #tpu.memory_space<vmem>>
        %dma_start3A_345 = tpu.memref_squeeze %dma_start3A_344 : memref<1x128x128xf32, #tpu.memory_space<vmem>> -> memref<128x128xf32, #tpu.memory_space<vmem>>
        %dma_start3A_346 = arith.constant 0 : i32
        %dma_start3A_347 = tpu.memref_slice %arg4[%add3A_340, %dma_start3A_346] : memref<3276800x128xf32, #tpu.memory_space<hbm>> -> memref<128x128xf32, #tpu.memory_space<hbm>>
        %dma_start3A_348 = arith.constant 0 : i32
        %dma_start3A_349 = tpu.memref_slice %arg4[%add3A_340, %dma_start3A_348] : memref<3276800x128xf32, #tpu.memory_space<hbm>> -> memref<128x128xf32, #tpu.memory_space<hbm>>
        %dma_start3A_350 = arith.constant 0 : i32
        %dma_start3A_351 = arith.constant 0 : i32
        %dma_start3A_352 = tpu.memref_slice %arg7[%dma_start3A_341, %dma_start3A_350, %dma_start3A_351] : memref<4x128x128xf32, #tpu.memory_space<vmem>> -> memref<1x128x128xf32, #tpu.memory_space<vmem>>
        %dma_start3A_353 = tpu.memref_squeeze %dma_start3A_352 : memref<1x128x128xf32, #tpu.memory_space<vmem>> -> memref<128x128xf32, #tpu.memory_space<vmem>>
        tpu.enqueue_dma source(%dma_start3A_353 : memref<128x128xf32, #tpu.memory_space<vmem>>) target(%dma_start3A_349 : memref<128x128xf32, #tpu.memory_space<hbm>>) target_semaphore(%arg16 : memref<!tpu.dma_semaphore, #tpu.memory_space<semaphore_mem>>)
        %mul3A_354 = arith.constant 4 : i32
        %mul3A_355 = arith.muli %scan3A_202, %mul3A_354 : i32
        %add3A_356 = arith.constant 3 : i32
        %add3A_357 = arith.addi %mul3A_355, %add3A_356 : i32
        %lt3A_358 = arith.constant 7 : i32
        %lt3A_359 = arith.cmpi slt, %scan3A_33, %lt3A_358 : i32
        %convert_element_type3A_360 = arith.extui %lt3A_359 : i1 to i32
        %cond3A_361 = arith.constant 0 : i32
        %cond3A_362 = arith.cmpi ne, %convert_element_type3A_360, %cond3A_361 : i32
        scf.if %cond3A_362 {
          %gt3A_400 = arith.constant 0 : i32
          %gt3A_401 = arith.cmpi sgt, %add3A_357, %gt3A_400 : i32
          %convert_element_type3A_402 = arith.extui %gt3A_401 : i1 to i32
          %cond3A_403 = arith.constant 0 : i32
          %cond3A_404 = arith.cmpi ne, %convert_element_type3A_402, %cond3A_403 : i32
          scf.if %cond3A_404 {
            %dma_wait3A_841 = arith.constant 0 : i32
            %dma_wait3A_842 = tpu.memref_slice %arg5[%dma_wait3A_841] : memref<25600xi32, #tpu.memory_space<vmem>> -> memref<64xi32, #tpu.memory_space<vmem>>
            %dma_wait3A_843 = arith.constant 0 : i32
            %dma_wait3A_844 = tpu.memref_slice %arg2[%dma_wait3A_843] : memref<6553600xi32, #tpu.memory_space<hbm>> -> memref<64xi32, #tpu.memory_space<hbm>>
            %dma_wait3A_845 = arith.constant 0 : i32
            %dma_wait3A_846 = tpu.memref_slice %arg5[%dma_wait3A_845] : memref<25600xi32, #tpu.memory_space<vmem>> -> memref<64xi32, #tpu.memory_space<vmem>>
            %dma_wait3A_847 = arith.constant 0 : i32
            %dma_wait3A_848 = tpu.memref_slice %arg2[%dma_wait3A_847] : memref<6553600xi32, #tpu.memory_space<hbm>> -> memref<64xi32, #tpu.memory_space<hbm>>
            tpu.wait_dma2 semaphore(%arg9 : memref<!tpu.dma_semaphore, #tpu.memory_space<semaphore_mem>>) src(%dma_wait3A_848 : memref<64xi32, #tpu.memory_space<hbm>>) dst(%dma_wait3A_846 : memref<64xi32, #tpu.memory_space<vmem>>)
            %dma_wait3A_849 = arith.constant 0 : i32
            %dma_wait3A_850 = tpu.memref_slice %arg5[%dma_wait3A_849] : memref<25600xi32, #tpu.memory_space<vmem>> -> memref<64xi32, #tpu.memory_space<vmem>>
            %dma_wait3A_851 = arith.constant 0 : i32
            %dma_wait3A_852 = tpu.memref_slice %arg2[%dma_wait3A_851] : memref<6553600xi32, #tpu.memory_space<hbm>> -> memref<64xi32, #tpu.memory_space<hbm>>
            %dma_wait3A_853 = arith.constant 0 : i32
            %dma_wait3A_854 = tpu.memref_slice %arg5[%dma_wait3A_853] : memref<25600xi32, #tpu.memory_space<vmem>> -> memref<64xi32, #tpu.memory_space<vmem>>
            %dma_wait3A_855 = arith.constant 0 : i32
            %dma_wait3A_856 = tpu.memref_slice %arg2[%dma_wait3A_855] : memref<6553600xi32, #tpu.memory_space<hbm>> -> memref<64xi32, #tpu.memory_space<hbm>>
            tpu.wait_dma2 semaphore(%arg9 : memref<!tpu.dma_semaphore, #tpu.memory_space<semaphore_mem>>) src(%dma_wait3A_856 : memref<64xi32, #tpu.memory_space<hbm>>) dst(%dma_wait3A_854 : memref<64xi32, #tpu.memory_space<vmem>>)
            %dma_wait3A_857 = arith.constant 0 : i32
            %dma_wait3A_858 = tpu.memref_slice %arg5[%dma_wait3A_857] : memref<25600xi32, #tpu.memory_space<vmem>> -> memref<64xi32, #tpu.memory_space<vmem>>
            %dma_wait3A_859 = arith.constant 0 : i32
            %dma_wait3A_860 = tpu.memref_slice %arg2[%dma_wait3A_859] : memref<6553600xi32, #tpu.memory_space<hbm>> -> memref<64xi32, #tpu.memory_space<hbm>>
            %dma_wait3A_861 = arith.constant 0 : i32
            %dma_wait3A_862 = tpu.memref_slice %arg5[%dma_wait3A_861] : memref<25600xi32, #tpu.memory_space<vmem>> -> memref<64xi32, #tpu.memory_space<vmem>>
            %dma_wait3A_863 = arith.constant 0 : i32
            %dma_wait3A_864 = tpu.memref_slice %arg2[%dma_wait3A_863] : memref<6553600xi32, #tpu.memory_space<hbm>> -> memref<64xi32, #tpu.memory_space<hbm>>
            tpu.wait_dma2 semaphore(%arg9 : memref<!tpu.dma_semaphore, #tpu.memory_space<semaphore_mem>>) src(%dma_wait3A_864 : memref<64xi32, #tpu.memory_space<hbm>>) dst(%dma_wait3A_862 : memref<64xi32, #tpu.memory_space<vmem>>)
            %dma_wait3A_865 = arith.constant 0 : i32
            %dma_wait3A_866 = tpu.memref_slice %arg5[%dma_wait3A_865] : memref<25600xi32, #tpu.memory_space<vmem>> -> memref<64xi32, #tpu.memory_space<vmem>>
            %dma_wait3A_867 = arith.constant 0 : i32
            %dma_wait3A_868 = tpu.memref_slice %arg2[%dma_wait3A_867] : memref<6553600xi32, #tpu.memory_space<hbm>> -> memref<64xi32, #tpu.memory_space<hbm>>
            %dma_wait3A_869 = arith.constant 0 : i32
            %dma_wait3A_870 = tpu.memref_slice %arg5[%dma_wait3A_869] : memref<25600xi32, #tpu.memory_space<vmem>> -> memref<64xi32, #tpu.memory_space<vmem>>
            %dma_wait3A_871 = arith.constant 0 : i32
            %dma_wait3A_872 = tpu.memref_slice %arg2[%dma_wait3A_871] : memref<6553600xi32, #tpu.memory_space<hbm>> -> memref<64xi32, #tpu.memory_space<hbm>>
            tpu.wait_dma2 semaphore(%arg9 : memref<!tpu.dma_semaphore, #tpu.memory_space<semaphore_mem>>) src(%dma_wait3A_872 : memref<64xi32, #tpu.memory_space<hbm>>) dst(%dma_wait3A_870 : memref<64xi32, #tpu.memory_space<vmem>>)
            %mul3A_873 = arith.constant 2 : i32
            %mul3A_874 = arith.muli %mul3A_873, %add3A_357 : i32
            %sub3A_875 = arith.constant 2 : i32
            %sub3A_876 = arith.subi %mul3A_874, %sub3A_875 : i32
            %mul3A_877 = arith.constant 128 : i32
            %mul3A_878 = arith.muli %sub3A_876, %mul3A_877 : i32
            %add3A_879 = arith.constant 0 : i32
            %add3A_880 = arith.addi %mul3A_878, %add3A_879 : i32
            %get3A = arith.index_cast %add3A_880 : i32 to index
            %get3A_881 = tpu.vector_load %arg5[%get3A] {strides = array<i32>} : memref<25600xi32, #tpu.memory_space<vmem>>, vector<16xi32>,
            %add3A_882 = arith.constant 64 : i32
            %add3A_883 = arith.addi %mul3A_878, %add3A_882 : i32
            %add3A_884 = arith.constant 0 : i32
            %add3A_885 = arith.addi %add3A_883, %add3A_884 : i32
            %get3A_886 = arith.index_cast %add3A_885 : i32 to index
            %get3A_887 = tpu.vector_load %arg5[%get3A_886] {strides = array<i32>} : memref<25600xi32, #tpu.memory_space<vmem>>, vector<16xi32>,
            %add3A_888 = arith.constant 0 : i32
            %add3A_889 = arith.addi %add3A_888, %sub3A_876 : i32
            %add3A_890 = vector.broadcast %add3A_889 : i32 to vector<16xi32>
            %add3A_891 = arith.addi %mul3A_3, %add3A_890 : vector<16xi32>
            %add3A_892 = vector.broadcast %mul3A_49 : i32 to vector<16xi32>
            %add3A_893 = arith.addi %add3A_891, %add3A_892 : vector<16xi32>
            %mul3A_894 = arith.constant 20 : i32
            %mul3A_895 = vector.broadcast %mul3A_894 : i32 to vector<16xi32>
            %mul3A_896 = arith.muli %get3A_881, %mul3A_895 : vector<16xi32>
            %add3A_897 = arith.addi %mul3A_896, %get3A_887 : vector<16xi32>
            tpu.vector_store_idx %arg6[%add3A_893], %add3A_897 : memref<25600xi32, #tpu.memory_space<vmem>>[vector<16xi32>], vector<16xi32>,
            %add3A_898 = arith.constant 16 : i32
            %add3A_899 = arith.addi %mul3A_878, %add3A_898 : i32
            %get3A_900 = arith.index_cast %add3A_899 : i32 to index
            %get3A_901 = tpu.vector_load %arg5[%get3A_900] {strides = array<i32>} : memref<25600xi32, #tpu.memory_space<vmem>>, vector<16xi32>,
            %add3A_902 = arith.constant 64 : i32
            %add3A_903 = arith.addi %mul3A_878, %add3A_902 : i32
            %add3A_904 = arith.constant 16 : i32
            %add3A_905 = arith.addi %add3A_903, %add3A_904 : i32
            %get3A_906 = arith.index_cast %add3A_905 : i32 to index
            %get3A_907 = tpu.vector_load %arg5[%get3A_906] {strides = array<i32>} : memref<25600xi32, #tpu.memory_space<vmem>>, vector<16xi32>,
            %add3A_908 = arith.constant 3200 : i32
            %add3A_909 = arith.addi %add3A_908, %sub3A_876 : i32
            %add3A_910 = vector.broadcast %add3A_909 : i32 to vector<16xi32>
            %add3A_911 = arith.addi %mul3A_3, %add3A_910 : vector<16xi32>
            %add3A_912 = vector.broadcast %mul3A_49 : i32 to vector<16xi32>
            %add3A_913 = arith.addi %add3A_911, %add3A_912 : vector<16xi32>
            %mul3A_914 = arith.constant 20 : i32
            %mul3A_915 = vector.broadcast %mul3A_914 : i32 to vector<16xi32>
            %mul3A_916 = arith.muli %get3A_901, %mul3A_915 : vector<16xi32>
            %add3A_917 = arith.addi %mul3A_916, %get3A_907 : vector<16xi32>
            tpu.vector_store_idx %arg6[%add3A_913], %add3A_917 : memref<25600xi32, #tpu.memory_space<vmem>>[vector<16xi32>], vector<16xi32>,
            %add3A_918 = arith.constant 32 : i32
            %add3A_919 = arith.addi %mul3A_878, %add3A_918 : i32
            %get3A_920 = arith.index_cast %add3A_919 : i32 to index
            %get3A_921 = tpu.vector_load %arg5[%get3A_920] {strides = array<i32>} : memref<25600xi32, #tpu.memory_space<vmem>>, vector<16xi32>,
            %add3A_922 = arith.constant 64 : i32
            %add3A_923 = arith.addi %mul3A_878, %add3A_922 : i32
            %add3A_924 = arith.constant 32 : i32
            %add3A_925 = arith.addi %add3A_923, %add3A_924 : i32
            %get3A_926 = arith.index_cast %add3A_925 : i32 to index
            %get3A_927 = tpu.vector_load %arg5[%get3A_926] {strides = array<i32>} : memref<25600xi32, #tpu.memory_space<vmem>>, vector<16xi32>,
            %add3A_928 = arith.constant 6400 : i32
            %add3A_929 = arith.addi %add3A_928, %sub3A_876 : i32
            %add3A_930 = vector.broadcast %add3A_929 : i32 to vector<16xi32>
            %add3A_931 = arith.addi %mul3A_3, %add3A_930 : vector<16xi32>
            %add3A_932 = vector.broadcast %mul3A_49 : i32 to vector<16xi32>
            %add3A_933 = arith.addi %add3A_931, %add3A_932 : vector<16xi32>
            %mul3A_934 = arith.constant 20 : i32
            %mul3A_935 = vector.broadcast %mul3A_934 : i32 to vector<16xi32>
            %mul3A_936 = arith.muli %get3A_921, %mul3A_935 : vector<16xi32>
            %add3A_937 = arith.addi %mul3A_936, %get3A_927 : vector<16xi32>
            tpu.vector_store_idx %arg6[%add3A_933], %add3A_937 : memref<25600xi32, #tpu.memory_space<vmem>>[vector<16xi32>], vector<16xi32>,
            %add3A_938 = arith.constant 48 : i32
            %add3A_939 = arith.addi %mul3A_878, %add3A_938 : i32
            %get3A_940 = arith.index_cast %add3A_939 : i32 to index
            %get3A_941 = tpu.vector_load %arg5[%get3A_940] {strides = array<i32>} : memref<25600xi32, #tpu.memory_space<vmem>>, vector<16xi32>,
            %add3A_942 = arith.constant 64 : i32
            %add3A_943 = arith.addi %mul3A_878, %add3A_942 : i32
            %add3A_944 = arith.constant 48 : i32
            %add3A_945 = arith.addi %add3A_943, %add3A_944 : i32
            %get3A_946 = arith.index_cast %add3A_945 : i32 to index
            %get3A_947 = tpu.vector_load %arg5[%get3A_946] {strides = array<i32>} : memref<25600xi32, #tpu.memory_space<vmem>>, vector<16xi32>,
            %add3A_948 = arith.constant 9600 : i32
            %add3A_949 = arith.addi %add3A_948, %sub3A_876 : i32
            %add3A_950 = vector.broadcast %add3A_949 : i32 to vector<16xi32>
            %add3A_951 = arith.addi %mul3A_3, %add3A_950 : vector<16xi32>
            %add3A_952 = vector.broadcast %mul3A_49 : i32 to vector<16xi32>
            %add3A_953 = arith.addi %add3A_951, %add3A_952 : vector<16xi32>
            %mul3A_954 = arith.constant 20 : i32
            %mul3A_955 = vector.broadcast %mul3A_954 : i32 to vector<16xi32>
            %mul3A_956 = arith.muli %get3A_941, %mul3A_955 : vector<16xi32>
            %add3A_957 = arith.addi %mul3A_956, %get3A_947 : vector<16xi32>
            tpu.vector_store_idx %arg6[%add3A_953], %add3A_957 : memref<25600xi32, #tpu.memory_space<vmem>>[vector<16xi32>], vector<16xi32>,
            %mul3A_958 = arith.constant 2 : i32
            %mul3A_959 = arith.muli %mul3A_958, %add3A_357 : i32
            %sub3A_960 = arith.constant 1 : i32
            %sub3A_961 = arith.subi %mul3A_959, %sub3A_960 : i32
            %mul3A_962 = arith.constant 128 : i32
            %mul3A_963 = arith.muli %sub3A_961, %mul3A_962 : i32
            %add3A_964 = arith.constant 0 : i32
            %add3A_965 = arith.addi %mul3A_963, %add3A_964 : i32
            %get3A_966 = arith.index_cast %add3A_965 : i32 to index
            %get3A_967 = tpu.vector_load %arg5[%get3A_966] {strides = array<i32>} : memref<25600xi32, #tpu.memory_space<vmem>>, vector<16xi32>,
            %add3A_968 = arith.constant 64 : i32
            %add3A_969 = arith.addi %mul3A_963, %add3A_968 : i32
            %add3A_970 = arith.constant 0 : i32
            %add3A_971 = arith.addi %add3A_969, %add3A_970 : i32
            %get3A_972 = arith.index_cast %add3A_971 : i32 to index
            %get3A_973 = tpu.vector_load %arg5[%get3A_972] {strides = array<i32>} : memref<25600xi32, #tpu.memory_space<vmem>>, vector<16xi32>,
            %add3A_974 = arith.constant 0 : i32
            %add3A_975 = arith.addi %add3A_974, %sub3A_961 : i32
            %add3A_976 = vector.broadcast %add3A_975 : i32 to vector<16xi32>
            %add3A_977 = arith.addi %mul3A_3, %add3A_976 : vector<16xi32>
            %add3A_978 = vector.broadcast %mul3A_49 : i32 to vector<16xi32>
            %add3A_979 = arith.addi %add3A_977, %add3A_978 : vector<16xi32>
            %mul3A_980 = arith.constant 20 : i32
            %mul3A_981 = vector.broadcast %mul3A_980 : i32 to vector<16xi32>
            %mul3A_982 = arith.muli %get3A_967, %mul3A_981 : vector<16xi32>
            %add3A_983 = arith.addi %mul3A_982, %get3A_973 : vector<16xi32>
            tpu.vector_store_idx %arg6[%add3A_979], %add3A_983 : memref<25600xi32, #tpu.memory_space<vmem>>[vector<16xi32>], vector<16xi32>,
            %add3A_984 = arith.constant 16 : i32
            %add3A_985 = arith.addi %mul3A_963, %add3A_984 : i32
            %get3A_986 = arith.index_cast %add3A_985 : i32 to index
            %get3A_987 = tpu.vector_load %arg5[%get3A_986] {strides = array<i32>} : memref<25600xi32, #tpu.memory_space<vmem>>, vector<16xi32>,
            %add3A_988 = arith.constant 64 : i32
            %add3A_989 = arith.addi %mul3A_963, %add3A_988 : i32
            %add3A_990 = arith.constant 16 : i32
            %add3A_991 = arith.addi %add3A_989, %add3A_990 : i32
            %get3A_992 = arith.index_cast %add3A_991 : i32 to index
            %get3A_993 = tpu.vector_load %arg5[%get3A_992] {strides = array<i32>} : memref<25600xi32, #tpu.memory_space<vmem>>, vector<16xi32>,
            %add3A_994 = arith.constant 3200 : i32
            %add3A_995 = arith.addi %add3A_994, %sub3A_961 : i32
            %add3A_996 = vector.broadcast %add3A_995 : i32 to vector<16xi32>
            %add3A_997 = arith.addi %mul3A_3, %add3A_996 : vector<16xi32>
            %add3A_998 = vector.broadcast %mul3A_49 : i32 to vector<16xi32>
            %add3A_999 = arith.addi %add3A_997, %add3A_998 : vector<16xi32>
            %mul3A_1000 = arith.constant 20 : i32
            %mul3A_1001 = vector.broadcast %mul3A_1000 : i32 to vector<16xi32>
            %mul3A_1002 = arith.muli %get3A_987, %mul3A_1001 : vector<16xi32>
            %add3A_1003 = arith.addi %mul3A_1002, %get3A_993 : vector<16xi32>
            tpu.vector_store_idx %arg6[%add3A_999], %add3A_1003 : memref<25600xi32, #tpu.memory_space<vmem>>[vector<16xi32>], vector<16xi32>,
            %add3A_1004 = arith.constant 32 : i32
            %add3A_1005 = arith.addi %mul3A_963, %add3A_1004 : i32
            %get3A_1006 = arith.index_cast %add3A_1005 : i32 to index
            %get3A_1007 = tpu.vector_load %arg5[%get3A_1006] {strides = array<i32>} : memref<25600xi32, #tpu.memory_space<vmem>>, vector<16xi32>,
            %add3A_1008 = arith.constant 64 : i32
            %add3A_1009 = arith.addi %mul3A_963, %add3A_1008 : i32
            %add3A_1010 = arith.constant 32 : i32
            %add3A_1011 = arith.addi %add3A_1009, %add3A_1010 : i32
            %get3A_1012 = arith.index_cast %add3A_1011 : i32 to index
            %get3A_1013 = tpu.vector_load %arg5[%get3A_1012] {strides = array<i32>} : memref<25600xi32, #tpu.memory_space<vmem>>, vector<16xi32>,
            %add3A_1014 = arith.constant 6400 : i32
            %add3A_1015 = arith.addi %add3A_1014, %sub3A_961 : i32
            %add3A_1016 = vector.broadcast %add3A_1015 : i32 to vector<16xi32>
            %add3A_1017 = arith.addi %mul3A_3, %add3A_1016 : vector<16xi32>
            %add3A_1018 = vector.broadcast %mul3A_49 : i32 to vector<16xi32>
            %add3A_1019 = arith.addi %add3A_1017, %add3A_1018 : vector<16xi32>
            %mul3A_1020 = arith.constant 20 : i32
            %mul3A_1021 = vector.broadcast %mul3A_1020 : i32 to vector<16xi32>
            %mul3A_1022 = arith.muli %get3A_1007, %mul3A_1021 : vector<16xi32>
            %add3A_1023 = arith.addi %mul3A_1022, %get3A_1013 : vector<16xi32>
            tpu.vector_store_idx %arg6[%add3A_1019], %add3A_1023 : memref<25600xi32, #tpu.memory_space<vmem>>[vector<16xi32>], vector<16xi32>,
            %add3A_1024 = arith.constant 48 : i32
            %add3A_1025 = arith.addi %mul3A_963, %add3A_1024 : i32
            %get3A_1026 = arith.index_cast %add3A_1025 : i32 to index
            %get3A_1027 = tpu.vector_load %arg5[%get3A_1026] {strides = array<i32>} : memref<25600xi32, #tpu.memory_space<vmem>>, vector<16xi32>,
            %add3A_1028 = arith.constant 64 : i32
            %add3A_1029 = arith.addi %mul3A_963, %add3A_1028 : i32
            %add3A_1030 = arith.constant 48 : i32
            %add3A_1031 = arith.addi %add3A_1029, %add3A_1030 : i32
            %get3A_1032 = arith.index_cast %add3A_1031 : i32 to index
            %get3A_1033 = tpu.vector_load %arg5[%get3A_1032] {strides = array<i32>} : memref<25600xi32, #tpu.memory_space<vmem>>, vector<16xi32>,
            %add3A_1034 = arith.constant 9600 : i32
            %add3A_1035 = arith.addi %add3A_1034, %sub3A_961 : i32
            %add3A_1036 = vector.broadcast %add3A_1035 : i32 to vector<16xi32>
            %add3A_1037 = arith.addi %mul3A_3, %add3A_1036 : vector<16xi32>
            %add3A_1038 = vector.broadcast %mul3A_49 : i32 to vector<16xi32>
            %add3A_1039 = arith.addi %add3A_1037, %add3A_1038 : vector<16xi32>
            %mul3A_1040 = arith.constant 20 : i32
            %mul3A_1041 = vector.broadcast %mul3A_1040 : i32 to vector<16xi32>
            %mul3A_1042 = arith.muli %get3A_1027, %mul3A_1041 : vector<16xi32>
            %add3A_1043 = arith.addi %mul3A_1042, %get3A_1033 : vector<16xi32>
            tpu.vector_store_idx %arg6[%add3A_1039], %add3A_1043 : memref<25600xi32, #tpu.memory_space<vmem>>[vector<16xi32>], vector<16xi32>,
          } else {
          }
          %add3A_405 = arith.constant 1 : i32
          %add3A_406 = arith.addi %scan3A_33, %add3A_405 : i32
          %mul3A_407 = arith.constant 4 : i32
          %mul3A_408 = arith.muli %add3A_357, %mul3A_407 : i32
          %add3A_409 = arith.constant 0 : i32
          %add3A_410 = arith.addi %mul3A_408, %add3A_409 : i32
          %mul3A_411 = arith.constant 4 : i32
          %mul3A_412 = arith.muli %add3A, %mul3A_411 : i32
          %jit3A_413 = arith.constant 2 : i32
          %div3A_414 = arith.divsi %add3A_406, %jit3A_413 : i32
          %sign3A_415 = arith.constant 0 : i32
          %sign3A_416 = arith.cmpi sgt, %add3A_406, %sign3A_415 : i32
          %sign3A_417 = arith.extui %sign3A_416 : i1 to i32
          %sign3A_418 = arith.constant 0 : i32
          %sign3A_419 = arith.cmpi slt, %add3A_406, %sign3A_418 : i32
          %sign3A_420 = arith.extui %sign3A_419 : i1 to i32
          %sign3A_421 = arith.subi %sign3A_417, %sign3A_420 : i32
          %sign3A_422 = arith.constant 0 : i32
          %sign3A_423 = arith.cmpi sgt, %jit3A_413, %sign3A_422 : i32
          %sign3A_424 = arith.extui %sign3A_423 : i1 to i32
          %sign3A_425 = arith.constant 0 : i32
          %sign3A_426 = arith.cmpi slt, %jit3A_413, %sign3A_425 : i32
          %sign3A_427 = arith.extui %sign3A_426 : i1 to i32
          %sign3A_428 = arith.subi %sign3A_424, %sign3A_427 : i32
          %ne3A_429 = arith.cmpi ne, %sign3A_421, %sign3A_428 : i32
          %rem3A_430 = arith.remsi %add3A_406, %jit3A_413 : i32
          %ne3A_431 = arith.constant 0 : i32
          %ne3A_432 = arith.cmpi ne, %rem3A_430, %ne3A_431 : i32
          %and3A_433 = arith.andi %ne3A_429, %ne3A_432 : i1
          %sub3A_434 = arith.constant 1 : i32
          %sub3A_435 = arith.subi %div3A_414, %sub3A_434 : i32
          %select_n3A_436 = arith.select %and3A_433, %sub3A_435, %div3A_414 : i32
          %add3A_437 = arith.addi %mul3A_412, %select_n3A_436 : i32
          %jit3A_438 = arith.constant 2 : i32
          %eq3A_439 = arith.constant 0 : i32
          %eq3A_440 = arith.cmpi eq, %jit3A_438, %eq3A_439 : i32
          %jit3A_441 = arith.constant 1 : i32
          %select_n3A_442 = arith.select %eq3A_440, %jit3A_441, %jit3A_438 : i32
          %rem3A_443 = arith.remsi %add3A_406, %select_n3A_442 : i32
          %ne3A_444 = arith.constant 0 : i32
          %ne3A_445 = arith.cmpi ne, %rem3A_443, %ne3A_444 : i32
          %lt3A_446 = arith.constant 0 : i32
          %lt3A_447 = arith.cmpi slt, %rem3A_443, %lt3A_446 : i32
          %lt3A_448 = arith.constant 0 : i32
          %lt3A_449 = arith.cmpi slt, %select_n3A_442, %lt3A_448 : i32
          %ne3A_450 = arith.xori %lt3A_447, %lt3A_449 : i1
          %and3A_451 = arith.andi %ne3A_450, %ne3A_445 : i1
          %add3A_452 = arith.addi %rem3A_443, %select_n3A_442 : i32
          %select_n3A_453 = arith.select %and3A_451, %add3A_452, %rem3A_443 : i32
          %mul3A_454 = arith.constant 64 : i32
          %mul3A_455 = arith.muli %select_n3A_453, %mul3A_454 : i32
          %jit3A_456 = arith.constant 2 : i32
          %div3A_457 = arith.divsi %add3A_410, %jit3A_456 : i32
          %sign3A_458 = arith.constant 0 : i32
          %sign3A_459 = arith.cmpi sgt, %add3A_410, %sign3A_458 : i32
          %sign3A_460 = arith.extui %sign3A_459 : i1 to i32
          %sign3A_461 = arith.constant 0 : i32
          %sign3A_462 = arith.cmpi slt, %add3A_410, %sign3A_461 : i32
          %sign3A_463 = arith.extui %sign3A_462 : i1 to i32
          %sign3A_464 = arith.subi %sign3A_460, %sign3A_463 : i32
          %sign3A_465 = arith.constant 0 : i32
          %sign3A_466 = arith.cmpi sgt, %jit3A_456, %sign3A_465 : i32
          %sign3A_467 = arith.extui %sign3A_466 : i1 to i32
          %sign3A_468 = arith.constant 0 : i32
          %sign3A_469 = arith.cmpi slt, %jit3A_456, %sign3A_468 : i32
          %sign3A_470 = arith.extui %sign3A_469 : i1 to i32
          %sign3A_471 = arith.subi %sign3A_467, %sign3A_470 : i32
          %ne3A_472 = arith.cmpi ne, %sign3A_464, %sign3A_471 : i32
          %rem3A_473 = arith.remsi %add3A_410, %jit3A_456 : i32
          %ne3A_474 = arith.constant 0 : i32
          %ne3A_475 = arith.cmpi ne, %rem3A_473, %ne3A_474 : i32
          %and3A_476 = arith.andi %ne3A_472, %ne3A_475 : i1
          %sub3A_477 = arith.constant 1 : i32
          %sub3A_478 = arith.subi %div3A_457, %sub3A_477 : i32
          %select_n3A_479 = arith.select %and3A_476, %sub3A_478, %div3A_457 : i32
          %jit3A_480 = arith.constant 2 : i32
          %eq3A_481 = arith.constant 0 : i32
          %eq3A_482 = arith.cmpi eq, %jit3A_480, %eq3A_481 : i32
          %jit3A_483 = arith.constant 1 : i32
          %select_n3A_484 = arith.select %eq3A_482, %jit3A_483, %jit3A_480 : i32
          %rem3A_485 = arith.remsi %add3A_410, %select_n3A_484 : i32
          %ne3A_486 = arith.constant 0 : i32
          %ne3A_487 = arith.cmpi ne, %rem3A_485, %ne3A_486 : i32
          %lt3A_488 = arith.constant 0 : i32
          %lt3A_489 = arith.cmpi slt, %rem3A_485, %lt3A_488 : i32
          %lt3A_490 = arith.constant 0 : i32
          %lt3A_491 = arith.cmpi slt, %select_n3A_484, %lt3A_490 : i32
          %ne3A_492 = arith.xori %lt3A_489, %lt3A_491 : i1
          %and3A_493 = arith.andi %ne3A_492, %ne3A_487 : i1
          %add3A_494 = arith.addi %rem3A_485, %select_n3A_484 : i32
          %select_n3A_495 = arith.select %and3A_493, %add3A_494, %rem3A_485 : i32
          %mul3A_496 = arith.constant 32768 : i32
          %mul3A_497 = arith.muli %select_n3A_479, %mul3A_496 : i32
          %mul3A_498 = arith.constant 256 : i32
          %mul3A_499 = arith.muli %add3A_437, %mul3A_498 : i32
          %add3A_500 = arith.addi %mul3A_497, %mul3A_499 : i32
          %mul3A_501 = arith.constant 128 : i32
          %mul3A_502 = arith.muli %select_n3A_495, %mul3A_501 : i32
          %add3A_503 = arith.addi %add3A_500, %mul3A_502 : i32
          %add3A_504 = arith.addi %add3A_503, %mul3A_455 : i32
          %mul3A_505 = arith.constant 128 : i32
          %mul3A_506 = arith.muli %select_n3A_479, %mul3A_505 : i32
          %mul3A_507 = arith.constant 64 : i32
          %mul3A_508 = arith.muli %select_n3A_495, %mul3A_507 : i32
          %add3A_509 = arith.addi %mul3A_506, %mul3A_508 : i32
          %dma_start3A_510 = tpu.memref_slice %arg5[%add3A_509] : memref<25600xi32, #tpu.memory_space<vmem>> -> memref<64xi32, #tpu.memory_space<vmem>>
          %dma_start3A_511 = tpu.memref_slice %arg2[%add3A_504] : memref<6553600xi32, #tpu.memory_space<hbm>> -> memref<64xi32, #tpu.memory_space<hbm>>
          %dma_start3A_512 = tpu.memref_slice %arg5[%add3A_509] : memref<25600xi32, #tpu.memory_space<vmem>> -> memref<64xi32, #tpu.memory_space<vmem>>
          %dma_start3A_513 = tpu.memref_slice %arg2[%add3A_504] : memref<6553600xi32, #tpu.memory_space<hbm>> -> memref<64xi32, #tpu.memory_space<hbm>>
          tpu.enqueue_dma source(%dma_start3A_513 : memref<64xi32, #tpu.memory_space<hbm>>) target(%dma_start3A_512 : memref<64xi32, #tpu.memory_space<vmem>>) target_semaphore(%arg9 : memref<!tpu.dma_semaphore, #tpu.memory_space<semaphore_mem>>)
          %add3A_514 = arith.constant 1 : i32
          %add3A_515 = arith.addi %scan3A_33, %add3A_514 : i32
          %mul3A_516 = arith.constant 4 : i32
          %mul3A_517 = arith.muli %add3A_357, %mul3A_516 : i32
          %add3A_518 = arith.constant 1 : i32
          %add3A_519 = arith.addi %mul3A_517, %add3A_518 : i32
          %mul3A_520 = arith.constant 4 : i32
          %mul3A_521 = arith.muli %add3A, %mul3A_520 : i32
          %jit3A_522 = arith.constant 2 : i32
          %div3A_523 = arith.divsi %add3A_515, %jit3A_522 : i32
          %sign3A_524 = arith.constant 0 : i32
          %sign3A_525 = arith.cmpi sgt, %add3A_515, %sign3A_524 : i32
          %sign3A_526 = arith.extui %sign3A_525 : i1 to i32
          %sign3A_527 = arith.constant 0 : i32
          %sign3A_528 = arith.cmpi slt, %add3A_515, %sign3A_527 : i32
          %sign3A_529 = arith.extui %sign3A_528 : i1 to i32
          %sign3A_530 = arith.subi %sign3A_526, %sign3A_529 : i32
          %sign3A_531 = arith.constant 0 : i32
          %sign3A_532 = arith.cmpi sgt, %jit3A_522, %sign3A_531 : i32
          %sign3A_533 = arith.extui %sign3A_532 : i1 to i32
          %sign3A_534 = arith.constant 0 : i32
          %sign3A_535 = arith.cmpi slt, %jit3A_522, %sign3A_534 : i32
          %sign3A_536 = arith.extui %sign3A_535 : i1 to i32
          %sign3A_537 = arith.subi %sign3A_533, %sign3A_536 : i32
          %ne3A_538 = arith.cmpi ne, %sign3A_530, %sign3A_537 : i32
          %rem3A_539 = arith.remsi %add3A_515, %jit3A_522 : i32
          %ne3A_540 = arith.constant 0 : i32
          %ne3A_541 = arith.cmpi ne, %rem3A_539, %ne3A_540 : i32
          %and3A_542 = arith.andi %ne3A_538, %ne3A_541 : i1
          %sub3A_543 = arith.constant 1 : i32
          %sub3A_544 = arith.subi %div3A_523, %sub3A_543 : i32
          %select_n3A_545 = arith.select %and3A_542, %sub3A_544, %div3A_523 : i32
          %add3A_546 = arith.addi %mul3A_521, %select_n3A_545 : i32
          %jit3A_547 = arith.constant 2 : i32
          %eq3A_548 = arith.constant 0 : i32
          %eq3A_549 = arith.cmpi eq, %jit3A_547, %eq3A_548 : i32
          %jit3A_550 = arith.constant 1 : i32
          %select_n3A_551 = arith.select %eq3A_549, %jit3A_550, %jit3A_547 : i32
          %rem3A_552 = arith.remsi %add3A_515, %select_n3A_551 : i32
          %ne3A_553 = arith.constant 0 : i32
          %ne3A_554 = arith.cmpi ne, %rem3A_552, %ne3A_553 : i32
          %lt3A_555 = arith.constant 0 : i32
          %lt3A_556 = arith.cmpi slt, %rem3A_552, %lt3A_555 : i32
          %lt3A_557 = arith.constant 0 : i32
          %lt3A_558 = arith.cmpi slt, %select_n3A_551, %lt3A_557 : i32
          %ne3A_559 = arith.xori %lt3A_556, %lt3A_558 : i1
          %and3A_560 = arith.andi %ne3A_559, %ne3A_554 : i1
          %add3A_561 = arith.addi %rem3A_552, %select_n3A_551 : i32
          %select_n3A_562 = arith.select %and3A_560, %add3A_561, %rem3A_552 : i32
          %mul3A_563 = arith.constant 64 : i32
          %mul3A_564 = arith.muli %select_n3A_562, %mul3A_563 : i32
          %jit3A_565 = arith.constant 2 : i32
          %div3A_566 = arith.divsi %add3A_519, %jit3A_565 : i32
          %sign3A_567 = arith.constant 0 : i32
          %sign3A_568 = arith.cmpi sgt, %add3A_519, %sign3A_567 : i32
          %sign3A_569 = arith.extui %sign3A_568 : i1 to i32
          %sign3A_570 = arith.constant 0 : i32
          %sign3A_571 = arith.cmpi slt, %add3A_519, %sign3A_570 : i32
          %sign3A_572 = arith.extui %sign3A_571 : i1 to i32
          %sign3A_573 = arith.subi %sign3A_569, %sign3A_572 : i32
          %sign3A_574 = arith.constant 0 : i32
          %sign3A_575 = arith.cmpi sgt, %jit3A_565, %sign3A_574 : i32
          %sign3A_576 = arith.extui %sign3A_575 : i1 to i32
          %sign3A_577 = arith.constant 0 : i32
          %sign3A_578 = arith.cmpi slt, %jit3A_565, %sign3A_577 : i32
          %sign3A_579 = arith.extui %sign3A_578 : i1 to i32
          %sign3A_580 = arith.subi %sign3A_576, %sign3A_579 : i32
          %ne3A_581 = arith.cmpi ne, %sign3A_573, %sign3A_580 : i32
          %rem3A_582 = arith.remsi %add3A_519, %jit3A_565 : i32
          %ne3A_583 = arith.constant 0 : i32
          %ne3A_584 = arith.cmpi ne, %rem3A_582, %ne3A_583 : i32
          %and3A_585 = arith.andi %ne3A_581, %ne3A_584 : i1
          %sub3A_586 = arith.constant 1 : i32
          %sub3A_587 = arith.subi %div3A_566, %sub3A_586 : i32
          %select_n3A_588 = arith.select %and3A_585, %sub3A_587, %div3A_566 : i32
          %jit3A_589 = arith.constant 2 : i32
          %eq3A_590 = arith.constant 0 : i32
          %eq3A_591 = arith.cmpi eq, %jit3A_589, %eq3A_590 : i32
          %jit3A_592 = arith.constant 1 : i32
          %select_n3A_593 = arith.select %eq3A_591, %jit3A_592, %jit3A_589 : i32
          %rem3A_594 = arith.remsi %add3A_519, %select_n3A_593 : i32
          %ne3A_595 = arith.constant 0 : i32
          %ne3A_596 = arith.cmpi ne, %rem3A_594, %ne3A_595 : i32
          %lt3A_597 = arith.constant 0 : i32
          %lt3A_598 = arith.cmpi slt, %rem3A_594, %lt3A_597 : i32
          %lt3A_599 = arith.constant 0 : i32
          %lt3A_600 = arith.cmpi slt, %select_n3A_593, %lt3A_599 : i32
          %ne3A_601 = arith.xori %lt3A_598, %lt3A_600 : i1
          %and3A_602 = arith.andi %ne3A_601, %ne3A_596 : i1
          %add3A_603 = arith.addi %rem3A_594, %select_n3A_593 : i32
          %select_n3A_604 = arith.select %and3A_602, %add3A_603, %rem3A_594 : i32
          %mul3A_605 = arith.constant 32768 : i32
          %mul3A_606 = arith.muli %select_n3A_588, %mul3A_605 : i32
          %mul3A_607 = arith.constant 256 : i32
          %mul3A_608 = arith.muli %add3A_546, %mul3A_607 : i32
          %add3A_609 = arith.addi %mul3A_606, %mul3A_608 : i32
          %mul3A_610 = arith.constant 128 : i32
          %mul3A_611 = arith.muli %select_n3A_604, %mul3A_610 : i32
          %add3A_612 = arith.addi %add3A_609, %mul3A_611 : i32
          %add3A_613 = arith.addi %add3A_612, %mul3A_564 : i32
          %mul3A_614 = arith.constant 128 : i32
          %mul3A_615 = arith.muli %select_n3A_588, %mul3A_614 : i32
          %mul3A_616 = arith.constant 64 : i32
          %mul3A_617 = arith.muli %select_n3A_604, %mul3A_616 : i32
          %add3A_618 = arith.addi %mul3A_615, %mul3A_617 : i32
          %dma_start3A_619 = tpu.memref_slice %arg5[%add3A_618] : memref<25600xi32, #tpu.memory_space<vmem>> -> memref<64xi32, #tpu.memory_space<vmem>>
          %dma_start3A_620 = tpu.memref_slice %arg2[%add3A_613] : memref<6553600xi32, #tpu.memory_space<hbm>> -> memref<64xi32, #tpu.memory_space<hbm>>
          %dma_start3A_621 = tpu.memref_slice %arg5[%add3A_618] : memref<25600xi32, #tpu.memory_space<vmem>> -> memref<64xi32, #tpu.memory_space<vmem>>
          %dma_start3A_622 = tpu.memref_slice %arg2[%add3A_613] : memref<6553600xi32, #tpu.memory_space<hbm>> -> memref<64xi32, #tpu.memory_space<hbm>>
          tpu.enqueue_dma source(%dma_start3A_622 : memref<64xi32, #tpu.memory_space<hbm>>) target(%dma_start3A_621 : memref<64xi32, #tpu.memory_space<vmem>>) target_semaphore(%arg9 : memref<!tpu.dma_semaphore, #tpu.memory_space<semaphore_mem>>)
          %add3A_623 = arith.constant 1 : i32
          %add3A_624 = arith.addi %scan3A_33, %add3A_623 : i32
          %mul3A_625 = arith.constant 4 : i32
          %mul3A_626 = arith.muli %add3A_357, %mul3A_625 : i32
          %add3A_627 = arith.constant 2 : i32
          %add3A_628 = arith.addi %mul3A_626, %add3A_627 : i32
          %mul3A_629 = arith.constant 4 : i32
          %mul3A_630 = arith.muli %add3A, %mul3A_629 : i32
          %jit3A_631 = arith.constant 2 : i32
          %div3A_632 = arith.divsi %add3A_624, %jit3A_631 : i32
          %sign3A_633 = arith.constant 0 : i32
          %sign3A_634 = arith.cmpi sgt, %add3A_624, %sign3A_633 : i32
          %sign3A_635 = arith.extui %sign3A_634 : i1 to i32
          %sign3A_636 = arith.constant 0 : i32
          %sign3A_637 = arith.cmpi slt, %add3A_624, %sign3A_636 : i32
          %sign3A_638 = arith.extui %sign3A_637 : i1 to i32
          %sign3A_639 = arith.subi %sign3A_635, %sign3A_638 : i32
          %sign3A_640 = arith.constant 0 : i32
          %sign3A_641 = arith.cmpi sgt, %jit3A_631, %sign3A_640 : i32
          %sign3A_642 = arith.extui %sign3A_641 : i1 to i32
          %sign3A_643 = arith.constant 0 : i32
          %sign3A_644 = arith.cmpi slt, %jit3A_631, %sign3A_643 : i32
          %sign3A_645 = arith.extui %sign3A_644 : i1 to i32
          %sign3A_646 = arith.subi %sign3A_642, %sign3A_645 : i32
          %ne3A_647 = arith.cmpi ne, %sign3A_639, %sign3A_646 : i32
          %rem3A_648 = arith.remsi %add3A_624, %jit3A_631 : i32
          %ne3A_649 = arith.constant 0 : i32
          %ne3A_650 = arith.cmpi ne, %rem3A_648, %ne3A_649 : i32
          %and3A_651 = arith.andi %ne3A_647, %ne3A_650 : i1
          %sub3A_652 = arith.constant 1 : i32
          %sub3A_653 = arith.subi %div3A_632, %sub3A_652 : i32
          %select_n3A_654 = arith.select %and3A_651, %sub3A_653, %div3A_632 : i32
          %add3A_655 = arith.addi %mul3A_630, %select_n3A_654 : i32
          %jit3A_656 = arith.constant 2 : i32
          %eq3A_657 = arith.constant 0 : i32
          %eq3A_658 = arith.cmpi eq, %jit3A_656, %eq3A_657 : i32
          %jit3A_659 = arith.constant 1 : i32
          %select_n3A_660 = arith.select %eq3A_658, %jit3A_659, %jit3A_656 : i32
          %rem3A_661 = arith.remsi %add3A_624, %select_n3A_660 : i32
          %ne3A_662 = arith.constant 0 : i32
          %ne3A_663 = arith.cmpi ne, %rem3A_661, %ne3A_662 : i32
          %lt3A_664 = arith.constant 0 : i32
          %lt3A_665 = arith.cmpi slt, %rem3A_661, %lt3A_664 : i32
          %lt3A_666 = arith.constant 0 : i32
          %lt3A_667 = arith.cmpi slt, %select_n3A_660, %lt3A_666 : i32
          %ne3A_668 = arith.xori %lt3A_665, %lt3A_667 : i1
          %and3A_669 = arith.andi %ne3A_668, %ne3A_663 : i1
          %add3A_670 = arith.addi %rem3A_661, %select_n3A_660 : i32
          %select_n3A_671 = arith.select %and3A_669, %add3A_670, %rem3A_661 : i32
          %mul3A_672 = arith.constant 64 : i32
          %mul3A_673 = arith.muli %select_n3A_671, %mul3A_672 : i32
          %jit3A_674 = arith.constant 2 : i32
          %div3A_675 = arith.divsi %add3A_628, %jit3A_674 : i32
          %sign3A_676 = arith.constant 0 : i32
          %sign3A_677 = arith.cmpi sgt, %add3A_628, %sign3A_676 : i32
          %sign3A_678 = arith.extui %sign3A_677 : i1 to i32
          %sign3A_679 = arith.constant 0 : i32
          %sign3A_680 = arith.cmpi slt, %add3A_628, %sign3A_679 : i32
          %sign3A_681 = arith.extui %sign3A_680 : i1 to i32
          %sign3A_682 = arith.subi %sign3A_678, %sign3A_681 : i32
          %sign3A_683 = arith.constant 0 : i32
          %sign3A_684 = arith.cmpi sgt, %jit3A_674, %sign3A_683 : i32
          %sign3A_685 = arith.extui %sign3A_684 : i1 to i32
          %sign3A_686 = arith.constant 0 : i32
          %sign3A_687 = arith.cmpi slt, %jit3A_674, %sign3A_686 : i32
          %sign3A_688 = arith.extui %sign3A_687 : i1 to i32
          %sign3A_689 = arith.subi %sign3A_685, %sign3A_688 : i32
          %ne3A_690 = arith.cmpi ne, %sign3A_682, %sign3A_689 : i32
          %rem3A_691 = arith.remsi %add3A_628, %jit3A_674 : i32
          %ne3A_692 = arith.constant 0 : i32
          %ne3A_693 = arith.cmpi ne, %rem3A_691, %ne3A_692 : i32
          %and3A_694 = arith.andi %ne3A_690, %ne3A_693 : i1
          %sub3A_695 = arith.constant 1 : i32
          %sub3A_696 = arith.subi %div3A_675, %sub3A_695 : i32
          %select_n3A_697 = arith.select %and3A_694, %sub3A_696, %div3A_675 : i32
          %jit3A_698 = arith.constant 2 : i32
          %eq3A_699 = arith.constant 0 : i32
          %eq3A_700 = arith.cmpi eq, %jit3A_698, %eq3A_699 : i32
          %jit3A_701 = arith.constant 1 : i32
          %select_n3A_702 = arith.select %eq3A_700, %jit3A_701, %jit3A_698 : i32
          %rem3A_703 = arith.remsi %add3A_628, %select_n3A_702 : i32
          %ne3A_704 = arith.constant 0 : i32
          %ne3A_705 = arith.cmpi ne, %rem3A_703, %ne3A_704 : i32
          %lt3A_706 = arith.constant 0 : i32
          %lt3A_707 = arith.cmpi slt, %rem3A_703, %lt3A_706 : i32
          %lt3A_708 = arith.constant 0 : i32
          %lt3A_709 = arith.cmpi slt, %select_n3A_702, %lt3A_708 : i32
          %ne3A_710 = arith.xori %lt3A_707, %lt3A_709 : i1
          %and3A_711 = arith.andi %ne3A_710, %ne3A_705 : i1
          %add3A_712 = arith.addi %rem3A_703, %select_n3A_702 : i32
          %select_n3A_713 = arith.select %and3A_711, %add3A_712, %rem3A_703 : i32
          %mul3A_714 = arith.constant 32768 : i32
          %mul3A_715 = arith.muli %select_n3A_697, %mul3A_714 : i32
          %mul3A_716 = arith.constant 256 : i32
          %mul3A_717 = arith.muli %add3A_655, %mul3A_716 : i32
          %add3A_718 = arith.addi %mul3A_715, %mul3A_717 : i32
          %mul3A_719 = arith.constant 128 : i32
          %mul3A_720 = arith.muli %select_n3A_713, %mul3A_719 : i32
          %add3A_721 = arith.addi %add3A_718, %mul3A_720 : i32
          %add3A_722 = arith.addi %add3A_721, %mul3A_673 : i32
          %mul3A_723 = arith.constant 128 : i32
          %mul3A_724 = arith.muli %select_n3A_697, %mul3A_723 : i32
          %mul3A_725 = arith.constant 64 : i32
          %mul3A_726 = arith.muli %select_n3A_713, %mul3A_725 : i32
          %add3A_727 = arith.addi %mul3A_724, %mul3A_726 : i32
          %dma_start3A_728 = tpu.memref_slice %arg5[%add3A_727] : memref<25600xi32, #tpu.memory_space<vmem>> -> memref<64xi32, #tpu.memory_space<vmem>>
          %dma_start3A_729 = tpu.memref_slice %arg2[%add3A_722] : memref<6553600xi32, #tpu.memory_space<hbm>> -> memref<64xi32, #tpu.memory_space<hbm>>
          %dma_start3A_730 = tpu.memref_slice %arg5[%add3A_727] : memref<25600xi32, #tpu.memory_space<vmem>> -> memref<64xi32, #tpu.memory_space<vmem>>
          %dma_start3A_731 = tpu.memref_slice %arg2[%add3A_722] : memref<6553600xi32, #tpu.memory_space<hbm>> -> memref<64xi32, #tpu.memory_space<hbm>>
          tpu.enqueue_dma source(%dma_start3A_731 : memref<64xi32, #tpu.memory_space<hbm>>) target(%dma_start3A_730 : memref<64xi32, #tpu.memory_space<vmem>>) target_semaphore(%arg9 : memref<!tpu.dma_semaphore, #tpu.memory_space<semaphore_mem>>)
          %add3A_732 = arith.constant 1 : i32
          %add3A_733 = arith.addi %scan3A_33, %add3A_732 : i32
          %mul3A_734 = arith.constant 4 : i32
          %mul3A_735 = arith.muli %add3A_357, %mul3A_734 : i32
          %add3A_736 = arith.constant 3 : i32
          %add3A_737 = arith.addi %mul3A_735, %add3A_736 : i32
          %mul3A_738 = arith.constant 4 : i32
          %mul3A_739 = arith.muli %add3A, %mul3A_738 : i32
          %jit3A_740 = arith.constant 2 : i32
          %div3A_741 = arith.divsi %add3A_733, %jit3A_740 : i32
          %sign3A_742 = arith.constant 0 : i32
          %sign3A_743 = arith.cmpi sgt, %add3A_733, %sign3A_742 : i32
          %sign3A_744 = arith.extui %sign3A_743 : i1 to i32
          %sign3A_745 = arith.constant 0 : i32
          %sign3A_746 = arith.cmpi slt, %add3A_733, %sign3A_745 : i32
          %sign3A_747 = arith.extui %sign3A_746 : i1 to i32
          %sign3A_748 = arith.subi %sign3A_744, %sign3A_747 : i32
          %sign3A_749 = arith.constant 0 : i32
          %sign3A_750 = arith.cmpi sgt, %jit3A_740, %sign3A_749 : i32
          %sign3A_751 = arith.extui %sign3A_750 : i1 to i32
          %sign3A_752 = arith.constant 0 : i32
          %sign3A_753 = arith.cmpi slt, %jit3A_740, %sign3A_752 : i32
          %sign3A_754 = arith.extui %sign3A_753 : i1 to i32
          %sign3A_755 = arith.subi %sign3A_751, %sign3A_754 : i32
          %ne3A_756 = arith.cmpi ne, %sign3A_748, %sign3A_755 : i32
          %rem3A_757 = arith.remsi %add3A_733, %jit3A_740 : i32
          %ne3A_758 = arith.constant 0 : i32
          %ne3A_759 = arith.cmpi ne, %rem3A_757, %ne3A_758 : i32
          %and3A_760 = arith.andi %ne3A_756, %ne3A_759 : i1
          %sub3A_761 = arith.constant 1 : i32
          %sub3A_762 = arith.subi %div3A_741, %sub3A_761 : i32
          %select_n3A_763 = arith.select %and3A_760, %sub3A_762, %div3A_741 : i32
          %add3A_764 = arith.addi %mul3A_739, %select_n3A_763 : i32
          %jit3A_765 = arith.constant 2 : i32
          %eq3A_766 = arith.constant 0 : i32
          %eq3A_767 = arith.cmpi eq, %jit3A_765, %eq3A_766 : i32
          %jit3A_768 = arith.constant 1 : i32
          %select_n3A_769 = arith.select %eq3A_767, %jit3A_768, %jit3A_765 : i32
          %rem3A_770 = arith.remsi %add3A_733, %select_n3A_769 : i32
          %ne3A_771 = arith.constant 0 : i32
          %ne3A_772 = arith.cmpi ne, %rem3A_770, %ne3A_771 : i32
          %lt3A_773 = arith.constant 0 : i32
          %lt3A_774 = arith.cmpi slt, %rem3A_770, %lt3A_773 : i32
          %lt3A_775 = arith.constant 0 : i32
          %lt3A_776 = arith.cmpi slt, %select_n3A_769, %lt3A_775 : i32
          %ne3A_777 = arith.xori %lt3A_774, %lt3A_776 : i1
          %and3A_778 = arith.andi %ne3A_777, %ne3A_772 : i1
          %add3A_779 = arith.addi %rem3A_770, %select_n3A_769 : i32
          %select_n3A_780 = arith.select %and3A_778, %add3A_779, %rem3A_770 : i32
          %mul3A_781 = arith.constant 64 : i32
          %mul3A_782 = arith.muli %select_n3A_780, %mul3A_781 : i32
          %jit3A_783 = arith.constant 2 : i32
          %div3A_784 = arith.divsi %add3A_737, %jit3A_783 : i32
          %sign3A_785 = arith.constant 0 : i32
          %sign3A_786 = arith.cmpi sgt, %add3A_737, %sign3A_785 : i32
          %sign3A_787 = arith.extui %sign3A_786 : i1 to i32
          %sign3A_788 = arith.constant 0 : i32
          %sign3A_789 = arith.cmpi slt, %add3A_737, %sign3A_788 : i32
          %sign3A_790 = arith.extui %sign3A_789 : i1 to i32
          %sign3A_791 = arith.subi %sign3A_787, %sign3A_790 : i32
          %sign3A_792 = arith.constant 0 : i32
          %sign3A_793 = arith.cmpi sgt, %jit3A_783, %sign3A_792 : i32
          %sign3A_794 = arith.extui %sign3A_793 : i1 to i32
          %sign3A_795 = arith.constant 0 : i32
          %sign3A_796 = arith.cmpi slt, %jit3A_783, %sign3A_795 : i32
          %sign3A_797 = arith.extui %sign3A_796 : i1 to i32
          %sign3A_798 = arith.subi %sign3A_794, %sign3A_797 : i32
          %ne3A_799 = arith.cmpi ne, %sign3A_791, %sign3A_798 : i32
          %rem3A_800 = arith.remsi %add3A_737, %jit3A_783 : i32
          %ne3A_801 = arith.constant 0 : i32
          %ne3A_802 = arith.cmpi ne, %rem3A_800, %ne3A_801 : i32
          %and3A_803 = arith.andi %ne3A_799, %ne3A_802 : i1
          %sub3A_804 = arith.constant 1 : i32
          %sub3A_805 = arith.subi %div3A_784, %sub3A_804 : i32
          %select_n3A_806 = arith.select %and3A_803, %sub3A_805, %div3A_784 : i32
          %jit3A_807 = arith.constant 2 : i32
          %eq3A_808 = arith.constant 0 : i32
          %eq3A_809 = arith.cmpi eq, %jit3A_807, %eq3A_808 : i32
          %jit3A_810 = arith.constant 1 : i32
          %select_n3A_811 = arith.select %eq3A_809, %jit3A_810, %jit3A_807 : i32
          %rem3A_812 = arith.remsi %add3A_737, %select_n3A_811 : i32
          %ne3A_813 = arith.constant 0 : i32
          %ne3A_814 = arith.cmpi ne, %rem3A_812, %ne3A_813 : i32
          %lt3A_815 = arith.constant 0 : i32
          %lt3A_816 = arith.cmpi slt, %rem3A_812, %lt3A_815 : i32
          %lt3A_817 = arith.constant 0 : i32
          %lt3A_818 = arith.cmpi slt, %select_n3A_811, %lt3A_817 : i32
          %ne3A_819 = arith.xori %lt3A_816, %lt3A_818 : i1
          %and3A_820 = arith.andi %ne3A_819, %ne3A_814 : i1
          %add3A_821 = arith.addi %rem3A_812, %select_n3A_811 : i32
          %select_n3A_822 = arith.select %and3A_820, %add3A_821, %rem3A_812 : i32
          %mul3A_823 = arith.constant 32768 : i32
          %mul3A_824 = arith.muli %select_n3A_806, %mul3A_823 : i32
          %mul3A_825 = arith.constant 256 : i32
          %mul3A_826 = arith.muli %add3A_764, %mul3A_825 : i32
          %add3A_827 = arith.addi %mul3A_824, %mul3A_826 : i32
          %mul3A_828 = arith.constant 128 : i32
          %mul3A_829 = arith.muli %select_n3A_822, %mul3A_828 : i32
          %add3A_830 = arith.addi %add3A_827, %mul3A_829 : i32
          %add3A_831 = arith.addi %add3A_830, %mul3A_782 : i32
          %mul3A_832 = arith.constant 128 : i32
          %mul3A_833 = arith.muli %select_n3A_806, %mul3A_832 : i32
          %mul3A_834 = arith.constant 64 : i32
          %mul3A_835 = arith.muli %select_n3A_822, %mul3A_834 : i32
          %add3A_836 = arith.addi %mul3A_833, %mul3A_835 : i32
          %dma_start3A_837 = tpu.memref_slice %arg5[%add3A_836] : memref<25600xi32, #tpu.memory_space<vmem>> -> memref<64xi32, #tpu.memory_space<vmem>>
          %dma_start3A_838 = tpu.memref_slice %arg2[%add3A_831] : memref<6553600xi32, #tpu.memory_space<hbm>> -> memref<64xi32, #tpu.memory_space<hbm>>
          %dma_start3A_839 = tpu.memref_slice %arg5[%add3A_836] : memref<25600xi32, #tpu.memory_space<vmem>> -> memref<64xi32, #tpu.memory_space<vmem>>
          %dma_start3A_840 = tpu.memref_slice %arg2[%add3A_831] : memref<6553600xi32, #tpu.memory_space<hbm>> -> memref<64xi32, #tpu.memory_space<hbm>>
          tpu.enqueue_dma source(%dma_start3A_840 : memref<64xi32, #tpu.memory_space<hbm>>) target(%dma_start3A_839 : memref<64xi32, #tpu.memory_space<vmem>>) target_semaphore(%arg9 : memref<!tpu.dma_semaphore, #tpu.memory_space<semaphore_mem>>)
        } else {
        }
        %lt3A_363 = arith.constant 24 : i32
        %lt3A_364 = arith.cmpi slt, %scan3A_202, %lt3A_363 : i32
        %convert_element_type3A_365 = arith.extui %lt3A_364 : i1 to i32
        %cond3A_366 = arith.constant 0 : i32
        %cond3A_367 = arith.cmpi ne, %convert_element_type3A_365, %cond3A_366 : i32
        scf.if %cond3A_367 {
          %dma_wait3A_400 = arith.constant 2 : i32
          %dma_wait3A_401 = arith.constant 0 : i32
          %dma_wait3A_402 = arith.constant 0 : i32
          %dma_wait3A_403 = tpu.memref_slice %arg7[%dma_wait3A_400, %dma_wait3A_401, %dma_wait3A_402] : memref<4x128x128xf32, #tpu.memory_space<vmem>> -> memref<1x128x128xf32, #tpu.memory_space<vmem>>
          %dma_wait3A_404 = tpu.memref_squeeze %dma_wait3A_403 : memref<1x128x128xf32, #tpu.memory_space<vmem>> -> memref<128x128xf32, #tpu.memory_space<vmem>>
          %dma_wait3A_405 = arith.constant 0 : i32
          %dma_wait3A_406 = arith.constant 0 : i32
          %dma_wait3A_407 = tpu.memref_slice %arg4[%dma_wait3A_405, %dma_wait3A_406] : memref<3276800x128xf32, #tpu.memory_space<hbm>> -> memref<128x128xf32, #tpu.memory_space<hbm>>
          %dma_wait3A_408 = arith.constant 0 : i32
          %dma_wait3A_409 = arith.constant 0 : i32
          %dma_wait3A_410 = tpu.memref_slice %arg4[%dma_wait3A_408, %dma_wait3A_409] : memref<3276800x128xf32, #tpu.memory_space<hbm>> -> memref<128x128xf32, #tpu.memory_space<hbm>>
          %dma_wait3A_411 = arith.constant 0 : i32
          %dma_wait3A_412 = arith.constant 0 : i32
          %dma_wait3A_413 = tpu.memref_slice %arg7[%dma_wait3A_400, %dma_wait3A_411, %dma_wait3A_412] : memref<4x128x128xf32, #tpu.memory_space<vmem>> -> memref<1x128x128xf32, #tpu.memory_space<vmem>>
          %dma_wait3A_414 = tpu.memref_squeeze %dma_wait3A_413 : memref<1x128x128xf32, #tpu.memory_space<vmem>> -> memref<128x128xf32, #tpu.memory_space<vmem>>
          tpu.wait_dma2 semaphore(%arg16 : memref<!tpu.dma_semaphore, #tpu.memory_space<semaphore_mem>>) src(%dma_wait3A_414 : memref<128x128xf32, #tpu.memory_space<vmem>>) dst(%dma_wait3A_410 : memref<128x128xf32, #tpu.memory_space<hbm>>)
          %add3A_415 = arith.constant 4 : i32
          %add3A_416 = arith.addi %add3A_357, %add3A_415 : i32
          %sub3A_417 = arith.constant 1 : i32
          %sub3A_418 = arith.subi %add3A_416, %sub3A_417 : i32
          %mul3A_419 = arith.constant 128 : i32
          %mul3A_420 = arith.muli %sub3A_418, %mul3A_419 : i32
          %add3A_421 = arith.addi %mul3A_46, %mul3A_420 : i32
          %dma_start3A_422 = arith.constant 2 : i32
          %dma_start3A_423 = arith.constant 0 : i32
          %dma_start3A_424 = arith.constant 0 : i32
          %dma_start3A_425 = tpu.memref_slice %arg7[%dma_start3A_422, %dma_start3A_423, %dma_start3A_424] : memref<4x128x128xf32, #tpu.memory_space<vmem>> -> memref<1x128x128xf32, #tpu.memory_space<vmem>>
          %dma_start3A_426 = tpu.memref_squeeze %dma_start3A_425 : memref<1x128x128xf32, #tpu.memory_space<vmem>> -> memref<128x128xf32, #tpu.memory_space<vmem>>
          %dma_start3A_427 = tpu.memref_slice %arg6[%add3A_421] : memref<25600xi32, #tpu.memory_space<vmem>> -> memref<128xi32, #tpu.memory_space<vmem>>
          %dma_start3A_428 = arith.constant 0 : i32
          %dma_start3A_429 = arith.constant 0 : i32
          %dma_start3A_430 = tpu.memref_slice %arg8[%dma_start3A_428, %dma_start3A_429] : memref<400x128xf32, #tpu.memory_space<vmem_shared>> -> memref<400x128xf32, #tpu.memory_space<vmem_shared>>
          tpu.enqueue_indirect_dma source(%dma_start3A_430 : memref<400x128xf32, #tpu.memory_space<vmem_shared>>) target(%dma_start3A_426 : memref<128x128xf32, #tpu.memory_space<vmem>>) offsets(%dma_start3A_427 : memref<128xi32, #tpu.memory_space<vmem>>) semaphore(%arg12 : memref<!tpu.dma_semaphore, #tpu.memory_space<semaphore_mem>>)
        } else {
        }
        %dma_wait3A_368 = arith.constant 3 : i32
        %dma_wait3A_369 = arith.constant 0 : i32
        %dma_wait3A_370 = arith.constant 0 : i32
        %dma_wait3A_371 = tpu.memref_slice %arg7[%dma_wait3A_368, %dma_wait3A_369, %dma_wait3A_370] : memref<4x128x128xf32, #tpu.memory_space<vmem>> -> memref<1x128x128xf32, #tpu.memory_space<vmem>>
        %dma_wait3A_372 = tpu.memref_squeeze %dma_wait3A_371 : memref<1x128x128xf32, #tpu.memory_space<vmem>> -> memref<128x128xf32, #tpu.memory_space<vmem>>
        %dma_wait3A_373 = arith.constant 0 : i32
        %dma_wait3A_374 = arith.constant 0 : i32
        %dma_wait3A_375 = tpu.memref_slice %arg3[%dma_wait3A_373, %dma_wait3A_374] : memref<400x128xf32, #tpu.memory_space<hbm>> -> memref<128x128xf32, #tpu.memory_space<hbm>>
        %dma_wait3A_376 = arith.constant 0 : i32
        %dma_wait3A_377 = arith.constant 0 : i32
        %dma_wait3A_378 = tpu.memref_slice %arg7[%dma_wait3A_368, %dma_wait3A_376, %dma_wait3A_377] : memref<4x128x128xf32, #tpu.memory_space<vmem>> -> memref<1x128x128xf32, #tpu.memory_space<vmem>>
        %dma_wait3A_379 = tpu.memref_squeeze %dma_wait3A_378 : memref<1x128x128xf32, #tpu.memory_space<vmem>> -> memref<128x128xf32, #tpu.memory_space<vmem>>
        %dma_wait3A_380 = arith.constant 0 : i32
        %dma_wait3A_381 = arith.constant 0 : i32
        %dma_wait3A_382 = tpu.memref_slice %arg3[%dma_wait3A_380, %dma_wait3A_381] : memref<400x128xf32, #tpu.memory_space<hbm>> -> memref<128x128xf32, #tpu.memory_space<hbm>>
        tpu.wait_dma2 semaphore(%arg13 : memref<!tpu.dma_semaphore, #tpu.memory_space<semaphore_mem>>) src(%dma_wait3A_382 : memref<128x128xf32, #tpu.memory_space<hbm>>) dst(%dma_wait3A_379 : memref<128x128xf32, #tpu.memory_space<vmem>>)
        %mul3A_383 = arith.constant 128 : i32
        %mul3A_384 = arith.muli %add3A_357, %mul3A_383 : i32
        %add3A_385 = arith.addi %mul3A_97, %mul3A_384 : i32
        %dma_start3A_386 = arith.constant 3 : i32
        %dma_start3A_387 = arith.constant 0 : i32
        %dma_start3A_388 = arith.constant 0 : i32
        %dma_start3A_389 = tpu.memref_slice %arg7[%dma_start3A_386, %dma_start3A_387, %dma_start3A_388] : memref<4x128x128xf32, #tpu.memory_space<vmem>> -> memref<1x128x128xf32, #tpu.memory_space<vmem>>
        %dma_start3A_390 = tpu.memref_squeeze %dma_start3A_389 : memref<1x128x128xf32, #tpu.memory_space<vmem>> -> memref<128x128xf32, #tpu.memory_space<vmem>>
        %dma_start3A_391 = arith.constant 0 : i32
        %dma_start3A_392 = tpu.memref_slice %arg4[%add3A_385, %dma_start3A_391] : memref<3276800x128xf32, #tpu.memory_space<hbm>> -> memref<128x128xf32, #tpu.memory_space<hbm>>
        %dma_start3A_393 = arith.constant 0 : i32
        %dma_start3A_394 = tpu.memref_slice %arg4[%add3A_385, %dma_start3A_393] : memref<3276800x128xf32, #tpu.memory_space<hbm>> -> memref<128x128xf32, #tpu.memory_space<hbm>>
        %dma_start3A_395 = arith.constant 0 : i32
        %dma_start3A_396 = arith.constant 0 : i32
        %dma_start3A_397 = tpu.memref_slice %arg7[%dma_start3A_386, %dma_start3A_395, %dma_start3A_396] : memref<4x128x128xf32, #tpu.memory_space<vmem>> -> memref<1x128x128xf32, #tpu.memory_space<vmem>>
        %dma_start3A_398 = tpu.memref_squeeze %dma_start3A_397 : memref<1x128x128xf32, #tpu.memory_space<vmem>> -> memref<128x128xf32, #tpu.memory_space<vmem>>
        tpu.enqueue_dma source(%dma_start3A_398 : memref<128x128xf32, #tpu.memory_space<vmem>>) target(%dma_start3A_394 : memref<128x128xf32, #tpu.memory_space<hbm>>) target_semaphore(%arg17 : memref<!tpu.dma_semaphore, #tpu.memory_space<semaphore_mem>>)
        %scan3A_399 = arith.constant 0 : i32
        scf.yield %scan3A_399 : i32
      }
      %scan3A_136 = arith.constant 25 : i32
      %dma_wait3A = arith.constant 0 : i32
      %dma_wait3A_137 = arith.constant 0 : i32
      %dma_wait3A_138 = arith.constant 0 : i32
      %dma_wait3A_139 = tpu.memref_slice %arg7[%dma_wait3A, %dma_wait3A_137, %dma_wait3A_138] : memref<4x128x128xf32, #tpu.memory_space<vmem>> -> memref<1x128x128xf32, #tpu.memory_space<vmem>>
      %dma_wait3A_140 = tpu.memref_squeeze %dma_wait3A_139 : memref<1x128x128xf32, #tpu.memory_space<vmem>> -> memref<128x128xf32, #tpu.memory_space<vmem>>
      %dma_wait3A_141 = arith.constant 0 : i32
      %dma_wait3A_142 = arith.constant 0 : i32
      %dma_wait3A_143 = tpu.memref_slice %arg4[%dma_wait3A_141, %dma_wait3A_142] : memref<3276800x128xf32, #tpu.memory_space<hbm>> -> memref<128x128xf32, #tpu.memory_space<hbm>>
      %dma_wait3A_144 = arith.constant 0 : i32
      %dma_wait3A_145 = arith.constant 0 : i32
      %dma_wait3A_146 = tpu.memref_slice %arg4[%dma_wait3A_144, %dma_wait3A_145] : memref<3276800x128xf32, #tpu.memory_space<hbm>> -> memref<128x128xf32, #tpu.memory_space<hbm>>
      %dma_wait3A_147 = arith.constant 0 : i32
      %dma_wait3A_148 = arith.constant 0 : i32
      %dma_wait3A_149 = tpu.memref_slice %arg7[%dma_wait3A, %dma_wait3A_147, %dma_wait3A_148] : memref<4x128x128xf32, #tpu.memory_space<vmem>> -> memref<1x128x128xf32, #tpu.memory_space<vmem>>
      %dma_wait3A_150 = tpu.memref_squeeze %dma_wait3A_149 : memref<1x128x128xf32, #tpu.memory_space<vmem>> -> memref<128x128xf32, #tpu.memory_space<vmem>>
      tpu.wait_dma2 semaphore(%arg14 : memref<!tpu.dma_semaphore, #tpu.memory_space<semaphore_mem>>) src(%dma_wait3A_150 : memref<128x128xf32, #tpu.memory_space<vmem>>) dst(%dma_wait3A_146 : memref<128x128xf32, #tpu.memory_space<hbm>>)
      %dma_wait3A_151 = arith.constant 1 : i32
      %dma_wait3A_152 = arith.constant 0 : i32
      %dma_wait3A_153 = arith.constant 0 : i32
      %dma_wait3A_154 = tpu.memref_slice %arg7[%dma_wait3A_151, %dma_wait3A_152, %dma_wait3A_153] : memref<4x128x128xf32, #tpu.memory_space<vmem>> -> memref<1x128x128xf32, #tpu.memory_space<vmem>>
      %dma_wait3A_155 = tpu.memref_squeeze %dma_wait3A_154 : memref<1x128x128xf32, #tpu.memory_space<vmem>> -> memref<128x128xf32, #tpu.memory_space<vmem>>
      %dma_wait3A_156 = arith.constant 0 : i32
      %dma_wait3A_157 = arith.constant 0 : i32
      %dma_wait3A_158 = tpu.memref_slice %arg4[%dma_wait3A_156, %dma_wait3A_157] : memref<3276800x128xf32, #tpu.memory_space<hbm>> -> memref<128x128xf32, #tpu.memory_space<hbm>>
      %dma_wait3A_159 = arith.constant 0 : i32
      %dma_wait3A_160 = arith.constant 0 : i32
      %dma_wait3A_161 = tpu.memref_slice %arg4[%dma_wait3A_159, %dma_wait3A_160] : memref<3276800x128xf32, #tpu.memory_space<hbm>> -> memref<128x128xf32, #tpu.memory_space<hbm>>
      %dma_wait3A_162 = arith.constant 0 : i32
      %dma_wait3A_163 = arith.constant 0 : i32
      %dma_wait3A_164 = tpu.memref_slice %arg7[%dma_wait3A_151, %dma_wait3A_162, %dma_wait3A_163] : memref<4x128x128xf32, #tpu.memory_space<vmem>> -> memref<1x128x128xf32, #tpu.memory_space<vmem>>
      %dma_wait3A_165 = tpu.memref_squeeze %dma_wait3A_164 : memref<1x128x128xf32, #tpu.memory_space<vmem>> -> memref<128x128xf32, #tpu.memory_space<vmem>>
      tpu.wait_dma2 semaphore(%arg15 : memref<!tpu.dma_semaphore, #tpu.memory_space<semaphore_mem>>) src(%dma_wait3A_165 : memref<128x128xf32, #tpu.memory_space<vmem>>) dst(%dma_wait3A_161 : memref<128x128xf32, #tpu.memory_space<hbm>>)
      %dma_wait3A_166 = arith.constant 2 : i32
      %dma_wait3A_167 = arith.constant 0 : i32
      %dma_wait3A_168 = arith.constant 0 : i32
      %dma_wait3A_169 = tpu.memref_slice %arg7[%dma_wait3A_166, %dma_wait3A_167, %dma_wait3A_168] : memref<4x128x128xf32, #tpu.memory_space<vmem>> -> memref<1x128x128xf32, #tpu.memory_space<vmem>>
      %dma_wait3A_170 = tpu.memref_squeeze %dma_wait3A_169 : memref<1x128x128xf32, #tpu.memory_space<vmem>> -> memref<128x128xf32, #tpu.memory_space<vmem>>
      %dma_wait3A_171 = arith.constant 0 : i32
      %dma_wait3A_172 = arith.constant 0 : i32
      %dma_wait3A_173 = tpu.memref_slice %arg4[%dma_wait3A_171, %dma_wait3A_172] : memref<3276800x128xf32, #tpu.memory_space<hbm>> -> memref<128x128xf32, #tpu.memory_space<hbm>>
      %dma_wait3A_174 = arith.constant 0 : i32
      %dma_wait3A_175 = arith.constant 0 : i32
      %dma_wait3A_176 = tpu.memref_slice %arg4[%dma_wait3A_174, %dma_wait3A_175] : memref<3276800x128xf32, #tpu.memory_space<hbm>> -> memref<128x128xf32, #tpu.memory_space<hbm>>
      %dma_wait3A_177 = arith.constant 0 : i32
      %dma_wait3A_178 = arith.constant 0 : i32
      %dma_wait3A_179 = tpu.memref_slice %arg7[%dma_wait3A_166, %dma_wait3A_177, %dma_wait3A_178] : memref<4x128x128xf32, #tpu.memory_space<vmem>> -> memref<1x128x128xf32, #tpu.memory_space<vmem>>
      %dma_wait3A_180 = tpu.memref_squeeze %dma_wait3A_179 : memref<1x128x128xf32, #tpu.memory_space<vmem>> -> memref<128x128xf32, #tpu.memory_space<vmem>>
      tpu.wait_dma2 semaphore(%arg16 : memref<!tpu.dma_semaphore, #tpu.memory_space<semaphore_mem>>) src(%dma_wait3A_180 : memref<128x128xf32, #tpu.memory_space<vmem>>) dst(%dma_wait3A_176 : memref<128x128xf32, #tpu.memory_space<hbm>>)
      %dma_wait3A_181 = arith.constant 3 : i32
      %dma_wait3A_182 = arith.constant 0 : i32
      %dma_wait3A_183 = arith.constant 0 : i32
      %dma_wait3A_184 = tpu.memref_slice %arg7[%dma_wait3A_181, %dma_wait3A_182, %dma_wait3A_183] : memref<4x128x128xf32, #tpu.memory_space<vmem>> -> memref<1x128x128xf32, #tpu.memory_space<vmem>>
      %dma_wait3A_185 = tpu.memref_squeeze %dma_wait3A_184 : memref<1x128x128xf32, #tpu.memory_space<vmem>> -> memref<128x128xf32, #tpu.memory_space<vmem>>
      %dma_wait3A_186 = arith.constant 0 : i32
      %dma_wait3A_187 = arith.constant 0 : i32
      %dma_wait3A_188 = tpu.memref_slice %arg4[%dma_wait3A_186, %dma_wait3A_187] : memref<3276800x128xf32, #tpu.memory_space<hbm>> -> memref<128x128xf32, #tpu.memory_space<hbm>>
      %dma_wait3A_189 = arith.constant 0 : i32
      %dma_wait3A_190 = arith.constant 0 : i32
      %dma_wait3A_191 = tpu.memref_slice %arg4[%dma_wait3A_189, %dma_wait3A_190] : memref<3276800x128xf32, #tpu.memory_space<hbm>> -> memref<128x128xf32, #tpu.memory_space<hbm>>
      %dma_wait3A_192 = arith.constant 0 : i32
      %dma_wait3A_193 = arith.constant 0 : i32
      %dma_wait3A_194 = tpu.memref_slice %arg7[%dma_wait3A_181, %dma_wait3A_192, %dma_wait3A_193] : memref<4x128x128xf32, #tpu.memory_space<vmem>> -> memref<1x128x128xf32, #tpu.memory_space<vmem>>
      %dma_wait3A_195 = tpu.memref_squeeze %dma_wait3A_194 : memref<1x128x128xf32, #tpu.memory_space<vmem>> -> memref<128x128xf32, #tpu.memory_space<vmem>>
      tpu.wait_dma2 semaphore(%arg17 : memref<!tpu.dma_semaphore, #tpu.memory_space<semaphore_mem>>) src(%dma_wait3A_195 : memref<128x128xf32, #tpu.memory_space<vmem>>) dst(%dma_wait3A_191 : memref<128x128xf32, #tpu.memory_space<hbm>>)
      %lt3A_196 = arith.constant 7 : i32
      %lt3A_197 = arith.cmpi slt, %scan3A_33, %lt3A_196 : i32
      %convert_element_type3A_198 = arith.extui %lt3A_197 : i1 to i32
      %cond3A_199 = arith.constant 0 : i32
      %cond3A_200 = arith.cmpi ne, %convert_element_type3A_198, %cond3A_199 : i32
      scf.if %cond3A_200 {
        %dma_wait3A_202 = arith.constant 0 : i32
        %dma_wait3A_203 = tpu.memref_slice %arg5[%dma_wait3A_202] : memref<25600xi32, #tpu.memory_space<vmem>> -> memref<64xi32, #tpu.memory_space<vmem>>
        %dma_wait3A_204 = arith.constant 0 : i32
        %dma_wait3A_205 = tpu.memref_slice %arg2[%dma_wait3A_204] : memref<6553600xi32, #tpu.memory_space<hbm>> -> memref<64xi32, #tpu.memory_space<hbm>>
        %dma_wait3A_206 = arith.constant 0 : i32
        %dma_wait3A_207 = tpu.memref_slice %arg5[%dma_wait3A_206] : memref<25600xi32, #tpu.memory_space<vmem>> -> memref<64xi32, #tpu.memory_space<vmem>>
        %dma_wait3A_208 = arith.constant 0 : i32
        %dma_wait3A_209 = tpu.memref_slice %arg2[%dma_wait3A_208] : memref<6553600xi32, #tpu.memory_space<hbm>> -> memref<64xi32, #tpu.memory_space<hbm>>
        tpu.wait_dma2 semaphore(%arg9 : memref<!tpu.dma_semaphore, #tpu.memory_space<semaphore_mem>>) src(%dma_wait3A_209 : memref<64xi32, #tpu.memory_space<hbm>>) dst(%dma_wait3A_207 : memref<64xi32, #tpu.memory_space<vmem>>)
        %dma_wait3A_210 = arith.constant 0 : i32
        %dma_wait3A_211 = tpu.memref_slice %arg5[%dma_wait3A_210] : memref<25600xi32, #tpu.memory_space<vmem>> -> memref<64xi32, #tpu.memory_space<vmem>>
        %dma_wait3A_212 = arith.constant 0 : i32
        %dma_wait3A_213 = tpu.memref_slice %arg2[%dma_wait3A_212] : memref<6553600xi32, #tpu.memory_space<hbm>> -> memref<64xi32, #tpu.memory_space<hbm>>
        %dma_wait3A_214 = arith.constant 0 : i32
        %dma_wait3A_215 = tpu.memref_slice %arg5[%dma_wait3A_214] : memref<25600xi32, #tpu.memory_space<vmem>> -> memref<64xi32, #tpu.memory_space<vmem>>
        %dma_wait3A_216 = arith.constant 0 : i32
        %dma_wait3A_217 = tpu.memref_slice %arg2[%dma_wait3A_216] : memref<6553600xi32, #tpu.memory_space<hbm>> -> memref<64xi32, #tpu.memory_space<hbm>>
        tpu.wait_dma2 semaphore(%arg9 : memref<!tpu.dma_semaphore, #tpu.memory_space<semaphore_mem>>) src(%dma_wait3A_217 : memref<64xi32, #tpu.memory_space<hbm>>) dst(%dma_wait3A_215 : memref<64xi32, #tpu.memory_space<vmem>>)
        %dma_wait3A_218 = arith.constant 0 : i32
        %dma_wait3A_219 = tpu.memref_slice %arg5[%dma_wait3A_218] : memref<25600xi32, #tpu.memory_space<vmem>> -> memref<64xi32, #tpu.memory_space<vmem>>
        %dma_wait3A_220 = arith.constant 0 : i32
        %dma_wait3A_221 = tpu.memref_slice %arg2[%dma_wait3A_220] : memref<6553600xi32, #tpu.memory_space<hbm>> -> memref<64xi32, #tpu.memory_space<hbm>>
        %dma_wait3A_222 = arith.constant 0 : i32
        %dma_wait3A_223 = tpu.memref_slice %arg5[%dma_wait3A_222] : memref<25600xi32, #tpu.memory_space<vmem>> -> memref<64xi32, #tpu.memory_space<vmem>>
        %dma_wait3A_224 = arith.constant 0 : i32
        %dma_wait3A_225 = tpu.memref_slice %arg2[%dma_wait3A_224] : memref<6553600xi32, #tpu.memory_space<hbm>> -> memref<64xi32, #tpu.memory_space<hbm>>
        tpu.wait_dma2 semaphore(%arg9 : memref<!tpu.dma_semaphore, #tpu.memory_space<semaphore_mem>>) src(%dma_wait3A_225 : memref<64xi32, #tpu.memory_space<hbm>>) dst(%dma_wait3A_223 : memref<64xi32, #tpu.memory_space<vmem>>)
        %dma_wait3A_226 = arith.constant 0 : i32
        %dma_wait3A_227 = tpu.memref_slice %arg5[%dma_wait3A_226] : memref<25600xi32, #tpu.memory_space<vmem>> -> memref<64xi32, #tpu.memory_space<vmem>>
        %dma_wait3A_228 = arith.constant 0 : i32
        %dma_wait3A_229 = tpu.memref_slice %arg2[%dma_wait3A_228] : memref<6553600xi32, #tpu.memory_space<hbm>> -> memref<64xi32, #tpu.memory_space<hbm>>
        %dma_wait3A_230 = arith.constant 0 : i32
        %dma_wait3A_231 = tpu.memref_slice %arg5[%dma_wait3A_230] : memref<25600xi32, #tpu.memory_space<vmem>> -> memref<64xi32, #tpu.memory_space<vmem>>
        %dma_wait3A_232 = arith.constant 0 : i32
        %dma_wait3A_233 = tpu.memref_slice %arg2[%dma_wait3A_232] : memref<6553600xi32, #tpu.memory_space<hbm>> -> memref<64xi32, #tpu.memory_space<hbm>>
        tpu.wait_dma2 semaphore(%arg9 : memref<!tpu.dma_semaphore, #tpu.memory_space<semaphore_mem>>) src(%dma_wait3A_233 : memref<64xi32, #tpu.memory_space<hbm>>) dst(%dma_wait3A_231 : memref<64xi32, #tpu.memory_space<vmem>>)
        %get3A = arith.constant 25344 : index
        %get3A_234 = tpu.vector_load %arg5[%get3A] {strides = array<i32>} : memref<25600xi32, #tpu.memory_space<vmem>>, vector<16xi32>,
        %get3A_235 = arith.constant 25408 : index
        %get3A_236 = tpu.vector_load %arg5[%get3A_235] {strides = array<i32>} : memref<25600xi32, #tpu.memory_space<vmem>>, vector<16xi32>,
        %add3A_237 = arith.constant 198 : i32
        %add3A_238 = vector.broadcast %add3A_237 : i32 to vector<16xi32>
        %add3A_239 = arith.addi %mul3A_3, %add3A_238 : vector<16xi32>
        %add3A_240 = vector.broadcast %mul3A_49 : i32 to vector<16xi32>
        %add3A_241 = arith.addi %add3A_239, %add3A_240 : vector<16xi32>
        %mul3A_242 = arith.constant 20 : i32
        %mul3A_243 = vector.broadcast %mul3A_242 : i32 to vector<16xi32>
        %mul3A_244 = arith.muli %get3A_234, %mul3A_243 : vector<16xi32>
        %add3A_245 = arith.addi %mul3A_244, %get3A_236 : vector<16xi32>
        tpu.vector_store_idx %arg6[%add3A_241], %add3A_245 : memref<25600xi32, #tpu.memory_space<vmem>>[vector<16xi32>], vector<16xi32>,
        %get3A_246 = arith.constant 25360 : index
        %get3A_247 = tpu.vector_load %arg5[%get3A_246] {strides = array<i32>} : memref<25600xi32, #tpu.memory_space<vmem>>, vector<16xi32>,
        %get3A_248 = arith.constant 25424 : index
        %get3A_249 = tpu.vector_load %arg5[%get3A_248] {strides = array<i32>} : memref<25600xi32, #tpu.memory_space<vmem>>, vector<16xi32>,
        %add3A_250 = arith.constant 3398 : i32
        %add3A_251 = vector.broadcast %add3A_250 : i32 to vector<16xi32>
        %add3A_252 = arith.addi %mul3A_3, %add3A_251 : vector<16xi32>
        %add3A_253 = vector.broadcast %mul3A_49 : i32 to vector<16xi32>
        %add3A_254 = arith.addi %add3A_252, %add3A_253 : vector<16xi32>
        %mul3A_255 = arith.constant 20 : i32
        %mul3A_256 = vector.broadcast %mul3A_255 : i32 to vector<16xi32>
        %mul3A_257 = arith.muli %get3A_247, %mul3A_256 : vector<16xi32>
        %add3A_258 = arith.addi %mul3A_257, %get3A_249 : vector<16xi32>
        tpu.vector_store_idx %arg6[%add3A_254], %add3A_258 : memref<25600xi32, #tpu.memory_space<vmem>>[vector<16xi32>], vector<16xi32>,
        %get3A_259 = arith.constant 25376 : index
        %get3A_260 = tpu.vector_load %arg5[%get3A_259] {strides = array<i32>} : memref<25600xi32, #tpu.memory_space<vmem>>, vector<16xi32>,
        %get3A_261 = arith.constant 25440 : index
        %get3A_262 = tpu.vector_load %arg5[%get3A_261] {strides = array<i32>} : memref<25600xi32, #tpu.memory_space<vmem>>, vector<16xi32>,
        %add3A_263 = arith.constant 6598 : i32
        %add3A_264 = vector.broadcast %add3A_263 : i32 to vector<16xi32>
        %add3A_265 = arith.addi %mul3A_3, %add3A_264 : vector<16xi32>
        %add3A_266 = vector.broadcast %mul3A_49 : i32 to vector<16xi32>
        %add3A_267 = arith.addi %add3A_265, %add3A_266 : vector<16xi32>
        %mul3A_268 = arith.constant 20 : i32
        %mul3A_269 = vector.broadcast %mul3A_268 : i32 to vector<16xi32>
        %mul3A_270 = arith.muli %get3A_260, %mul3A_269 : vector<16xi32>
        %add3A_271 = arith.addi %mul3A_270, %get3A_262 : vector<16xi32>
        tpu.vector_store_idx %arg6[%add3A_267], %add3A_271 : memref<25600xi32, #tpu.memory_space<vmem>>[vector<16xi32>], vector<16xi32>,
        %get3A_272 = arith.constant 25392 : index
        %get3A_273 = tpu.vector_load %arg5[%get3A_272] {strides = array<i32>} : memref<25600xi32, #tpu.memory_space<vmem>>, vector<16xi32>,
        %get3A_274 = arith.constant 25456 : index
        %get3A_275 = tpu.vector_load %arg5[%get3A_274] {strides = array<i32>} : memref<25600xi32, #tpu.memory_space<vmem>>, vector<16xi32>,
        %add3A_276 = arith.constant 9798 : i32
        %add3A_277 = vector.broadcast %add3A_276 : i32 to vector<16xi32>
        %add3A_278 = arith.addi %mul3A_3, %add3A_277 : vector<16xi32>
        %add3A_279 = vector.broadcast %mul3A_49 : i32 to vector<16xi32>
        %add3A_280 = arith.addi %add3A_278, %add3A_279 : vector<16xi32>
        %mul3A_281 = arith.constant 20 : i32
        %mul3A_282 = vector.broadcast %mul3A_281 : i32 to vector<16xi32>
        %mul3A_283 = arith.muli %get3A_273, %mul3A_282 : vector<16xi32>
        %add3A_284 = arith.addi %mul3A_283, %get3A_275 : vector<16xi32>
        tpu.vector_store_idx %arg6[%add3A_280], %add3A_284 : memref<25600xi32, #tpu.memory_space<vmem>>[vector<16xi32>], vector<16xi32>,
        %get3A_285 = arith.constant 25472 : index
        %get3A_286 = tpu.vector_load %arg5[%get3A_285] {strides = array<i32>} : memref<25600xi32, #tpu.memory_space<vmem>>, vector<16xi32>,
        %get3A_287 = arith.constant 25536 : index
        %get3A_288 = tpu.vector_load %arg5[%get3A_287] {strides = array<i32>} : memref<25600xi32, #tpu.memory_space<vmem>>, vector<16xi32>,
        %add3A_289 = arith.constant 199 : i32
        %add3A_290 = vector.broadcast %add3A_289 : i32 to vector<16xi32>
        %add3A_291 = arith.addi %mul3A_3, %add3A_290 : vector<16xi32>
        %add3A_292 = vector.broadcast %mul3A_49 : i32 to vector<16xi32>
        %add3A_293 = arith.addi %add3A_291, %add3A_292 : vector<16xi32>
        %mul3A_294 = arith.constant 20 : i32
        %mul3A_295 = vector.broadcast %mul3A_294 : i32 to vector<16xi32>
        %mul3A_296 = arith.muli %get3A_286, %mul3A_295 : vector<16xi32>
        %add3A_297 = arith.addi %mul3A_296, %get3A_288 : vector<16xi32>
        tpu.vector_store_idx %arg6[%add3A_293], %add3A_297 : memref<25600xi32, #tpu.memory_space<vmem>>[vector<16xi32>], vector<16xi32>,
        %get3A_298 = arith.constant 25488 : index
        %get3A_299 = tpu.vector_load %arg5[%get3A_298] {strides = array<i32>} : memref<25600xi32, #tpu.memory_space<vmem>>, vector<16xi32>,
        %get3A_300 = arith.constant 25552 : index
        %get3A_301 = tpu.vector_load %arg5[%get3A_300] {strides = array<i32>} : memref<25600xi32, #tpu.memory_space<vmem>>, vector<16xi32>,
        %add3A_302 = arith.constant 3399 : i32
        %add3A_303 = vector.broadcast %add3A_302 : i32 to vector<16xi32>
        %add3A_304 = arith.addi %mul3A_3, %add3A_303 : vector<16xi32>
        %add3A_305 = vector.broadcast %mul3A_49 : i32 to vector<16xi32>
        %add3A_306 = arith.addi %add3A_304, %add3A_305 : vector<16xi32>
        %mul3A_307 = arith.constant 20 : i32
        %mul3A_308 = vector.broadcast %mul3A_307 : i32 to vector<16xi32>
        %mul3A_309 = arith.muli %get3A_299, %mul3A_308 : vector<16xi32>
        %add3A_310 = arith.addi %mul3A_309, %get3A_301 : vector<16xi32>
        tpu.vector_store_idx %arg6[%add3A_306], %add3A_310 : memref<25600xi32, #tpu.memory_space<vmem>>[vector<16xi32>], vector<16xi32>,
        %get3A_311 = arith.constant 25504 : index
        %get3A_312 = tpu.vector_load %arg5[%get3A_311] {strides = array<i32>} : memref<25600xi32, #tpu.memory_space<vmem>>, vector<16xi32>,
        %get3A_313 = arith.constant 25568 : index
        %get3A_314 = tpu.vector_load %arg5[%get3A_313] {strides = array<i32>} : memref<25600xi32, #tpu.memory_space<vmem>>, vector<16xi32>,
        %add3A_315 = arith.constant 6599 : i32
        %add3A_316 = vector.broadcast %add3A_315 : i32 to vector<16xi32>
        %add3A_317 = arith.addi %mul3A_3, %add3A_316 : vector<16xi32>
        %add3A_318 = vector.broadcast %mul3A_49 : i32 to vector<16xi32>
        %add3A_319 = arith.addi %add3A_317, %add3A_318 : vector<16xi32>
        %mul3A_320 = arith.constant 20 : i32
        %mul3A_321 = vector.broadcast %mul3A_320 : i32 to vector<16xi32>
        %mul3A_322 = arith.muli %get3A_312, %mul3A_321 : vector<16xi32>
        %add3A_323 = arith.addi %mul3A_322, %get3A_314 : vector<16xi32>
        tpu.vector_store_idx %arg6[%add3A_319], %add3A_323 : memref<25600xi32, #tpu.memory_space<vmem>>[vector<16xi32>], vector<16xi32>,
        %get3A_324 = arith.constant 25520 : index
        %get3A_325 = tpu.vector_load %arg5[%get3A_324] {strides = array<i32>} : memref<25600xi32, #tpu.memory_space<vmem>>, vector<16xi32>,
        %get3A_326 = arith.constant 25584 : index
        %get3A_327 = tpu.vector_load %arg5[%get3A_326] {strides = array<i32>} : memref<25600xi32, #tpu.memory_space<vmem>>, vector<16xi32>,
        %add3A_328 = arith.constant 9799 : i32
        %add3A_329 = vector.broadcast %add3A_328 : i32 to vector<16xi32>
        %add3A_330 = arith.addi %mul3A_3, %add3A_329 : vector<16xi32>
        %add3A_331 = vector.broadcast %mul3A_49 : i32 to vector<16xi32>
        %add3A_332 = arith.addi %add3A_330, %add3A_331 : vector<16xi32>
        %mul3A_333 = arith.constant 20 : i32
        %mul3A_334 = vector.broadcast %mul3A_333 : i32 to vector<16xi32>
        %mul3A_335 = arith.muli %get3A_325, %mul3A_334 : vector<16xi32>
        %add3A_336 = arith.addi %mul3A_335, %get3A_327 : vector<16xi32>
        tpu.vector_store_idx %arg6[%add3A_332], %add3A_336 : memref<25600xi32, #tpu.memory_space<vmem>>[vector<16xi32>], vector<16xi32>,
      } else {
      }
      %scan3A_201 = arith.constant 0 : i32
      scf.yield %scan3A_201 : i32
    }
    %scan3A_32 = arith.constant 8 : i32
    return
  }
}

</mosaic_0001>

<sc_bundles>
// kernel: kernel.3.cloned.1.call-start
scs
__scs_entry_jumppad:
0x0: {  	(pc) =	sbr.rel $0x88, $3  }
0x1: {  	(tag) =	ssettag $0x0;
	lr =	simm.s32 $0x1  }
0x2: {  	[smem:$0x3F9F] =	sst lr;
	_ =	strace $0xD0000000  }
0x3: {  	_ = 	snop  }
0x4: {  	_ = 	snop  }
0x5: {  	_ = 	snop  }
0x6: {  	_ = 	snop  }
0x7: {  	_ = 	snop  }
__scs_overlays_trampoline_lowered:
0x8: {  	[smem:$0x3FAE] =	sst s0  }
0x9: {  	[smem:$0x3FAF] =	sst s1  }
0xa: {  	[smem:$0x3FB0] =	sst s2  }
0xb: {  	[smem:$0x3FB1] =	sst s3  }
0xc: {  	[smem:$0x3FB2] =	sst s4  }
0xd: {  	[smem:$0x3FB3] =	sst s5  }
0xe: {  	[smem:$0x3FB4] =	sst s6  }
0xf: {  	[smem:$0x3FB5] =	sst s7  }
0x10: {  	[smem:$0x3FB6] =	sst s8  }
0x11: {  	[smem:$0x3FB7] =	sst s9;
	s0 =	simm.s32 @!p0 $0x0  }
0x12: {  	s1 =	sld [smem:$0x3F9D];
	s0 =	simm.s32 @p0 $0x1  }
0x13: {  	[smem:$0x3FB8] =	sst s0;
	s0 =	simm.s32 @!p1 $0x0  }
0x14: {  	s2 =	sld [smem:$0x3F9C];
	s0 =	simm.s32 @p1 $0x1  }
0x15: {  	[smem:$0x3FB9] =	sst s0;
	s0 =	simm.s32 @!p2 $0x0  }
0x16: {  	s3 =	sld [smem:$0x3FDB];
	s0 =	simm.s32 @p2 $0x1  }
0x17: {  	s4 =	simm.s32 $0x1BF5;
	[smem:$0x3FBB] =	sst s0  }
0x18: {  	s0 =	sld [smem:$0x3F9E];
	_ =	swait.ge [sflag:s4], $0x0  }
0x19: {  	s7 =	sld [smem:$0x3F9F]  }
0x1a: {  	s8 =	sadd.s32 $0xFFFFE003, lr  }
0x1b: {  	s9 =	sadd.s32 $0xFFFFFEF7, lr;
	s5 =	simm.s32 $0xFFFFFFFF;
	p2 =	slt.u32 s8, $0xFFFFF086  }
0x1c: {  	p1 =	slt.u32 s9, $0xF7A;
	s5 =	simm.s32 @!p2 $0x0  }
0x1d: {  	s5 =	simm.s32 @p1 $0x1;
	p0 =	seq.s32 s7, s2  }
0x1e: {  	s7 =	smul.u32 @!p0 $0xF7A, s2;
	p2 =	seq.s32 @!p0 s5, $0x0  }
0x1f: {  	s9 =	smul.u32 $0xF7A, s1;
	s8 =	simm.s32 @!p0 $0x1BF5;
	p2 =	por !p2, p0  }
0x20: {  	[sflag:s8] =	ssyncset.s32 @!p0 $0xFFFFF086;
	s6 =	sadd.s32 @!p0 s3, s7;
	s7 =	simm.s32 @!p0 $0x108  }
0x21: {  	s3 =	sadd.s32 s3, s9;
	s6 =	sadd.s32 @!p0 $0x88, s6;
	s7 =	simm.s32 @p2 $0x1082  }
0x22: {  	[simem:s7], [sflag:s8] =	dma.local @!p0 [hbm:s6], $0xF7A  }
0x23: {  	s9 =	sor.u32 $0xD0000000, s2;
	s6 =	simm.s32 $0x108;
	_ =	swait.ge @!p0 [sflag:s8], $0x0  }
0x24: {  	s3 =	sadd.s32 $0x88, s3;
	s6 =	simm.s32 @!p1 $0x1082;
	[sflag:s4] =	ssyncset.s32 $0xFFFFF086  }
0x25: {  	[simem:s6], [sflag:s4] =	dma.local [hbm:s3], $0xF7A  }
0x26: {  	[smem:$0x3F9F] =	sst s1;
	(tag) =	ssettag s2;
	_ =	strace s9  }
0x27: {  	s1 =	sld [smem:$0x3FAF]  }
0x28: {  	s2 =	sld [smem:$0x3FB0]  }
0x29: {  	s4 =	sld [smem:$0x3FB2]  }
0x2a: {  	p0 =	seq.s32 s5, $0x0;
	s5 =	sld [smem:$0x3FB3]  }
0x2b: {  	s6 =	sld [smem:$0x3FB4]  }
0x2c: {  	s7 =	sld [smem:$0x3FB5]  }
0x2d: {  	s3 =	simm.s32 $0x108;
	s8 =	sld [smem:$0x3FB6]  }
0x2e: {  	s3 =	simm.s32 @!p0 $0x1082;
	s9 =	sld [smem:$0x3FB7]  }
0x2f: {  	lr =	sadd.s32 s0, s3;
	s0 =	sld [smem:$0x3FAE]  }
0x30: {  	s3 =	sld [smem:$0x3FB1]  }
0x31: {  	[smem:$0x3FBA] =	sst s10  }
0x32: {  	s10 =	sld [smem:$0x3FB8];
	_ =	sdelay $0x3  }
0x33: {  	p0 =	seq.s32 s10, $0x1;
	s10 =	sld [smem:$0x3FBA];
	_ =	sdelay $0x3  }
0x34: {  	[smem:$0x3FBA] =	sst s10  }
0x35: {  	s10 =	sld [smem:$0x3FB9];
	_ =	sdelay $0x3  }
0x36: {  	p1 =	seq.s32 s10, $0x1;
	s10 =	sld [smem:$0x3FBA];
	_ =	sdelay $0x3  }
0x37: {  	[smem:$0x3FBA] =	sst s10  }
0x38: {  	s10 =	sld [smem:$0x3FBB]  }
0x39: {  	_ = 	snop;
	(pc) =	sbr.ind lr, $3  }
0x3a: {  	_ = 	snop  }
0x3b: {  	_ = 	snop  }
0x3c: {  	p2 =	seq.s32 s10, $0x1;
	s10 =	sld [smem:$0x3FBA]  }
0x3d: {  	_ =	shalt  }
0x3e: {  	_ =	shalt  }
0x3f: {  	_ =	shalt  }
0x40: {  	_ =	shalt  }
0x41: {  	_ =	shalt  }
0x42: {  	_ =	shalt  }
0x43: {  	_ =	shalt  }
0x44: {  	_ =	shalt  }
0x45: {  	_ =	shalt  }
0x46: {  	_ =	shalt  }
0x47: {  	_ =	shalt  }
0x48: {  	_ =	shalt  }
0x49: {  	_ =	shalt  }
0x4a: {  	_ =	shalt  }
0x4b: {  	_ =	shalt  }
0x4c: {  	_ =	shalt  }
0x4d: {  	_ =	shalt  }
0x4e: {  	_ =	shalt  }
0x4f: {  	_ =	shalt  }
0x50: {  	_ =	shalt  }
0x51: {  	_ =	shalt  }
0x52: {  	_ =	shalt  }
0x53: {  	_ =	shalt  }
0x54: {  	_ =	shalt  }
0x55: {  	_ =	shalt  }
0x56: {  	_ =	shalt  }
0x57: {  	_ =	shalt  }
0x58: {  	_ =	shalt  }
0x59: {  	_ =	shalt  }
0x5a: {  	_ =	shalt  }
0x5b: {  	_ =	shalt  }
0x5c: {  	_ =	shalt  }
0x5d: {  	_ =	shalt  }
0x5e: {  	_ =	shalt  }
0x5f: {  	_ =	shalt  }
0x60: {  	_ =	shalt  }
0x61: {  	_ =	shalt  }
0x62: {  	_ =	shalt  }
0x63: {  	_ =	shalt  }
0x64: {  	_ =	shalt  }
0x65: {  	_ =	shalt  }
0x66: {  	_ =	shalt  }
0x67: {  	_ =	shalt  }
0x68: {  	_ =	shalt  }
0x69: {  	_ =	shalt  }
0x6a: {  	_ =	shalt  }
0x6b: {  	_ =	shalt  }
0x6c: {  	_ =	shalt  }
0x6d: {  	_ =	shalt  }
0x6e: {  	_ =	shalt  }
0x6f: {  	_ =	shalt  }
0x70: {  	_ =	shalt  }
0x71: {  	_ =	shalt  }
0x72: {  	_ =	shalt  }
0x73: {  	_ =	shalt  }
0x74: {  	_ =	shalt  }
0x75: {  	_ =	shalt  }
0x76: {  	_ =	shalt  }
0x77: {  	_ =	shalt  }
0x78: {  	_ =	shalt  }
0x79: {  	_ =	shalt  }
0x7a: {  	_ =	shalt  }
0x7b: {  	_ =	shalt  }
0x7c: {  	_ =	shalt  }
0x7d: {  	_ =	shalt  }
0x7e: {  	_ =	shalt  }
0x7f: {  	_ =	shalt  }
0x80: {  	_ =	shalt  }
0x81: {  	_ =	shalt  }
0x82: {  	_ =	shalt  }
0x83: {  	_ =	shalt  }
0x84: {  	_ =	shalt  }
0x85: {  	_ =	shalt  }
0x86: {  	_ =	shalt  }
0x87: {  	_ =	shalt  }
.Lfunc_end0:
.L_simem_size_0:
called_computation_lowered:
.L_overlay_start_0:
0x88: {  	s2 =	sld [smem:$0x3FD9]  }
0x89: {  	s3 =	sld [smem:$0x3FFE];
	_ =	sdelay $0x1  }
0x8a: {  	s1 =	srdreg.scid  }
0x8b: {  	s0 =	sand.u32 $0x1, s1  }
0x8c: {  	s18 =	sshll.u32 s0, $0xA;
	s2 =	sadd.s32 s3, s2  }
0x8d: {  	s2 =	sadd.s32 s2, s18  }
0x8e: {  	[smem:$0x3FC6] =	sst s2  }
0x8f: {  	_ = 	snop  }
0x90: {  	s2 =	sld [smem:$0x3FC9]  }
0x91: {  	s19 =	sld [smem:$0x3FC8]  }
0x92: {  	s4 =	sld [smem:$0x3FD0];
	(tm) =	ssettm $0x1  }
0x93: {  	s5 =	sld [smem:$0x3FFB];
	_ =	sdelay $0x3  }
0x94: {  	_ =	strace s5  }
0x95: {  	s5 =	sld [smem:$0x3FFC];
	_ =	sdelay $0x3  }
0x96: {  	_ =	strace s5  }
0x97: {  	s5 =	sld [smem:$0x3FFD];
	_ =	sdelay $0x3  }
0x98: {  	_ =	strace s5  }
0x99: {  	_ =	strace $0x8FFFFFFF  }
0x9a: {  	s20 =	sld [smem:$0x3FDB];
	_ =	sdelay $0x1  }
0x9b: {  	s6 =	simm.s32 $_scs_section_size  }
0x9c: {  	s7 =	simm.s32 $_size__tile_overlayer_lowered;
	s8 =	simm.s32 $_tile_overlayer_lowered  }
0x9d: {  	s23 =	simm.s32 $0x1BFF;
	s22 =	sshll.u32 s8, $0x1;
	s5 =	sadd.s32 s6, s20  }
0x9e: {  	s9 =	simm.s32 $0x0;
	s21 =	sshll.u32 s7, $0x1;
	s7 =	sadd.s32 s22, s5  }
0x9f: {  	[timem:s9], [sflag:s23] =	dma.local [hbm:s7], s21  }
0xa0: {  	_ =	swait.ge [sflag:s23], s21  }
0xa1: {  	s6 =	ssub.s32 $0x0, s21;
	[sflag:s23] =	ssyncset.done $0x0  }
0xa2: {  	[sflag:s23] =	ssyncadd.s32 s6;
	_ =	sdelay $0x1  }
0xa3: {  	s24 =	simm.s32 $0x1B8B  }
0xa4: {  	_ =	swait.ge [sflag:s24], $0x1  }
0xa5: {  	[sflag:s24] =	ssyncset.done $0x0  }
0xa6: {  	s25 =	simm.s32 $0x1B8E;
	[sflag:s24] =	ssyncadd.s32 $0xFFFFFFFF  }
0xa7: {  	s26 =	simm.s32 $execute0_lowered;
	[smem:$0x3FD2] =	sst s25  }
0xa8: {  	s6 =	sshll.u32 s26, $0x1;
	_ =	strace $0x80000046;
	[dreg:$0x1] =	wrdreg $0xFFFFFFFF  }
0xa9: {  	s28 =	simm.s32 $_size_execute0_lowered;
	s5 =	sadd.s32 s5, s6;
	[dreg:$0x0] =	wrdreg $0x0  }
0xaa: {  	s6 =	sshll.u32 s28, $0x1;
	[dreg:$0x2] =	wrdreg s5  }
0xab: {  	[dreg:$0x3] =	wrdreg s6  }
0xac: {  	[dreg:$0x4] =	wrdreg $0xC0  }
0xad: {  	_ =	task [dreg:s9], $0x5FFFF  }
0xae: {  	[dreg:$0x1] =	wrdreg $0xFFFFFFFF  }
0xaf: {  	[dreg:$0x0] =	wrdreg $0x60  }
0xb0: {  	[dreg:$0x2] =	wrdreg s2  }
0xb1: {  	[dreg:$0x3] =	wrdreg s19  }
0xb2: {  	[dreg:$0x4] =	wrdreg s4  }
0xb3: {  	[dreg:$0x5] =	wrdreg $0x1C8000  }
0xb4: {  	[dreg:$0x6] =	wrdreg $0x9  }
0xb5: {  	_ =	task.clear_ibuf [dreg:s9], $0x7FFFF;
	_ =	strace $0x90000046  }
0xb6: {  	s29 =	simm.s32 $0x9;
	_ =	strace $0x80000048  }
0xb7: {  	_ =	swait.ge [sflag:s29], $0x1  }
0xb8: {  	[sflag:s29] =	ssyncadd.s32 $0xFFFFFFFF  }
0xb9: {  	_ =	strace $0x90000048  }
0xba: {  	_ =	sfence  }
0xbb: {  	s30 =	sld [smem:$0x0];
	_ =	sdelay $0x2  }
0xbc: {  	s31 =	sshll.u32 s1, $0xD;
	s1 =	sshrl.u32 s1, $0x2  }
0xbd: {  	s3 =	sand.u32 $0x4000, s31;
	s1 =	sadd.s32 s1, s30  }
0xbe: {  	s0 =	sor.u32 s3, s0;
	s1 =	sshll.u32 s1, $0x11  }
0xbf: {  	s0 =	sor.u32 s1, s0  }
0xc0: {  	s0 =	sadd.s32 $0x8F2B, s0  }
0xc1: {  	[sflag:s0] =	ssyncadd.remote.s32 $0x1  }
0xc2: {  	_ =	sfence.sel $0xFFFF  }
0xc3: {  	[dreg:$0x0] =	wrdreg $0xFFFFFFFF;
	(pc) =	sbr.abs _section_cstart, $3  }
0xc4: {  	[dreg:$0x1] =	wrdreg $0xFFFFFFFF  }
0xc5: {  	_ =	task.clear_ibuf [dreg:s9], $0x2FFFF;
	_ =	strace $0x9FFFFFFF  }
0xc6: {  	(tm) =	ssettm $0x7FFFFFFF  }
0xc7: {  	_ =	shalt  }
tec
execute0_lowered:
.L_overlay_start_1:
0x0: {  	(tag) =	ssettag $0x1  }
0x1: {  	s10 =	rddreg [dreg:$0x0]  }
0x2: {  	s9 =	rddreg [dreg:$0x2]  }
0x3: {  	s4 =	rddreg [dreg:$0x3]  }
0x4: {  	s5 =	simm.s32 $0x0;
	s0 =	srdreg.scid;
	s1 =	stileid.u32  }
0x5: {  	s13 =	simm.s32 $0x1;
	s14 =	simm.s32 $0x6400;
	s15 =	simm.s32 $0x80  }
0x6: {  	s19 =	simm.s32 $0x18800;
	s20 =	simm.s32 $0x2;
	s21 =	simm.s32 $0x3  }
0x7: {  	v0 =	vimm.s32 $0x5E164E06;
	v1 =	vlaneseq.u32;
	v3 =	vimm.s32 $0x1E560E46;
	s22 =	simm.s32 $0x4;
	[smem:$0x7FF] =	sst s5;
	s0 =	sand.u32 $0x1, s0  }
0x8: {  	v4 =	vimm.s32 $0x3E762E66;
	v6 =	vimm.s32 $0x3F772F67;
	s3 =	sshll.u32 s1, $0x1;
	s6 =	smul.u32 $0x320000, s1;
	v2 =	vunpack.c.0.s8.s32 v0;
	s29 =	sadd.s32 $0x10, s10  }
0x9: {  	v0 =	vimm.s32 $0x7E366E26;
	v3 =	vunpack.c.0.s8.s32 v3;
	v4 =	vunpack.c.0.s8.s32 v4;
	s31 =	sshll.u32 s1, $0x3;
	p0 =	sne.s32 s1, $0x0;
	_ =	strace $0x80000047  }
0xa: {  	vm0 =	vcmask $0x1F10;
	v6 =	vunpack.c.0.s8.s32 v6;
	s2 =	ssub.s32 $0x2, s0;
	s3 =	sor.u32 s0, s3;
	s8 =	smul.u32 $0x190000, s0;
	v5 =	vunpack.c.0.s8.s32 v0  }
0xb: {  	[dreg:$0x6] =	wrdreg s29;
	v0 =	vmul.u32 $0xC8, v1;
	v1 =	vimm.s32 $0x5F174F07;
	s0 =	sshll.u32 s0, $0x2;
	s7 =	sshrl.u32 s2, $0x1;
	v3 =	vsel vm0, v4, v3  }
0xc: {  	s26 =	sshll.u32 s3, $0x7;
	s9 =	sadd.s32 s6, s9;
	s3 =	sshll.u32 s3, $0x2;
	v4 =	vimm.s32 $0x1F570F47;
	v2 =	vsel vm0, v5, v2;
	v5 =	vunpack.c.0.s8.s32 v1  }
.Ltmp0:
0xd: {  	s0 =	sor.u32 s0, s31;
	[dreg:$0x5] =	wrdreg s3;
	v1 =	vimm.s32 $0x7F376F27;
	v8 =	vunpack.c.0.s8.s32 v4;
	v4 =	vadd.s32 $0x19C6, v0;
	(pc) =	sbr.rel .LBB2_1-.Ltmp0, $4  }
0xe: {  	s2 =	ssub.s32 s2, s7;
	[dreg:$0x9] =	wrdreg s0;
	s0 =	sshrl.u32 @!p0 s4, $0x3;
	v9 =	vadd.s32 $0x19C7, v0;
	v10 =	vadd.s32 $0x2647, v0;
	v7 =	vunpack.c.0.s8.s32 v1  }
0xf: {  	s28 =	sadd.s32 s8, s9;
	s2 =	smax.u32 s2, $0x1;
	[dreg:$0xa] =	wrdreg s0;
	v1 =	vadd.s32 $0xC6, v0;
	v2 =	vcombine.low v3, v2;
	v3 =	vadd.s32 $0xD46, v0  }
0x10: {  	s23 =	simm.s32 $0x5;
	s30 =	sadd.s32 $0x1800, s28;
	[dreg:$0x7] =	wrdreg s2;
	v8 =	vsel vm0, v6, v8;
	v6 =	vadd.s32 $0xC7, v0;
	v7 =	vsel vm0, v7, v5  }
0x11: {  	s1 =	simm.s32 $0x0;
	s6 =	sadd.s32 s10, s26;
	[dreg:$0x8] =	wrdreg s30;
	v5 =	vadd.s32 $0x2646, v0;
	v7 =	vcombine.low v8, v7;
	v8 =	vadd.s32 $0xD47, v0  }
.LBB2_20:
0x12: {  	s1 =	rddreg [dreg:$0xb]  }
0x13: {  	s0 =	rddreg [dreg:$0x7];
	s1 =	sadd.s32 $0x1, s1  }
0x14: {  	p1 =	sne.s32 s1, s0  }
.Ltmp1:
0x15: {  	_ = 	snop;
	(pc) =	sbr.rel @!p1 .LBB2_21-.Ltmp1, $1  }
0x16: {  	_ =	sdelay $0x3  }
.LBB2_1:
0x17: {  	[dreg:$0xb] =	wrdreg s1  }
0x18: {  	s1 =	rddreg [dreg:$0x1]  }
0x19: {  	s0 =	simm.s32 @!p0 $0x1C0A;
	s2 =	rddreg [dreg:$0xa]  }
0x1a: {  	[spmem:s2], [sflag:s0] =	dma.local @!p0 [hbm:s1], $0x1900  }
0x1b: {  	s29 =	simm.s32 $0x0;
	s30 =	simm.s32 $0x0;
	s0 =	simm.s32 @!p0 $0xA  }
0x1c: {  	s31 =	sand.u32 $0x1, s5;
	s1 =	sand.u32 $0xFFFFF000, s30;
	_ =	swait.ge @!p0 [sflag:s0], $0x1900  }
0x1d: {  	s3 =	sshll.u32 s31, $0x6;
	s2 =	sshll.u32 s31, $0x4;
	[sflag:s0] =	ssyncset.done @!p0 $0x0  }
0x1e: {  	s1 =	sadd.s32 s1, s6;
	[sflag:s0] =	ssyncadd.s32 @!p0 $0xFFFFE700;
	s0 =	sand.u32 $0x3FFFFF80, s29  }
0x1f: {  	s1 =	sadd.s32 s2, s1;
	[bflag:$0x0] =	sbarrier.arrive $0xFFFF;
	s0 =	sor.u32 s3, s0  }
0x20: {  	[tilespmem:s0], [sflag:$0x1] =	stream.linear.gather [hbm4b:s1+s5], $0x40, $0x38;
	[tilespmem:$0x1D480] =	vst v63  }
0x21: {  	p1 =	por $0x1, $0x1;
	s0 =	simm.s32 $0x1  }
.LBB2_2:
0x22: {  	s1 =	simm.s32 @!p1 $0x1  }
0x23: {  	p2 =	por p1, p1;
	p1 =	slt.u32 s0, $0x10;
	s2 =	sshll.u32 s0, $0x6  }
0x24: {  	s3 =	sand.u32 $0x1, s0;
	s7 =	sshll.u32 s0, $0xB;
	_ =	swait.ge @!p2 [sflag:s1], $0x40  }
0x25: {  	s0 =	sadd.s32 $0x1, s0;
	s2 =	sand.u32 $0x3FFFFF80, s2;
	[sflag:s1] =	ssyncset.done @!p2 $0x0  }
0x26: {  	[sflag:s1] =	ssyncadd.s32 @!p2 $0xFFFFFFC0;
	p2 =	sne.s32 s0, $0x190  }
.Ltmp2:
0x27: {  	_ = 	snop;
	(pc) =	sbr.rel @p2 .LBB2_2-.Ltmp2, $4  }
0x28: {  	s8 =	sshll.u32 s3, $0x6;
	s7 =	sand.u32 $0xFFFFF000, s7  }
0x29: {  	s1 =	sshll.u32 s3, $0x4;
	s3 =	sadd.s32 s7, s6  }
0x2a: {  	s2 =	sor.u32 s8, s2;
	s1 =	sadd.s32 s1, s3  }
0x2b: {  	[tilespmem:s2], [sflag:$0x1] =	stream.linear.gather [hbm4b:s1+s5], $0x40, $0x38;
	[tilespmem:$0x1D480] =	vst v63  }
0x2c: {  	s0 =	simm.s32 @!p1 $0x1;
	p1 =	por p1, p1  }
0x2d: {  	_ =	swait.ge @!p1 [sflag:s0], $0x40  }
0x2e: {  	[sflag:s0] =	ssyncset.done @!p1 $0x0  }
0x2f: {  	[sflag:s0] =	ssyncadd.s32 @!p1 $0xFFFFFFC0  }
0x30: {  	_ =	swait.ge [sflag:s13], $0x40  }
0x31: {  	[sflag:s13] =	ssyncset.done $0x0  }
0x32: {  	[sflag:s13] =	ssyncadd.s32 $0xFFFFFFC0  }
0x33: {  	_ =	swait.ge [sflag:s13], $0x40  }
0x34: {  	[sflag:s13] =	ssyncset.done $0x0  }
0x35: {  	[sflag:s13] =	ssyncadd.s32 $0xFFFFFFC0  }
0x36: {  	_ =	swait.ge [sflag:s13], $0x40  }
0x37: {  	[sflag:s13] =	ssyncset.done $0x0  }
0x38: {  	[sflag:s13] =	ssyncadd.s32 $0xFFFFFFC0  }
0x39: {  	_ =	swait.ge [sflag:s13], $0x40  }
0x3a: {  	[sflag:s13] =	ssyncset.done $0x0  }
0x3b: {  	[sflag:s13] =	ssyncadd.s32 $0xFFFFFFC0  }
0x3c: {  	_ =	swait.ge [sflag:s13], $0x40  }
0x3d: {  	[sflag:s13] =	ssyncset.done $0x0  }
0x3e: {  	[sflag:s13] =	ssyncadd.s32 $0xFFFFFFC0  }
0x3f: {  	_ =	swait.ge [sflag:s13], $0x40  }
0x40: {  	[sflag:s13] =	ssyncset.done $0x0  }
0x41: {  	[sflag:s13] =	ssyncadd.s32 $0xFFFFFFC0  }
0x42: {  	_ =	swait.ge [sflag:s13], $0x40  }
0x43: {  	[sflag:s13] =	ssyncset.done $0x0  }
0x44: {  	[sflag:s13] =	ssyncadd.s32 $0xFFFFFFC0  }
0x45: {  	_ =	swait.ge [sflag:s13], $0x40  }
0x46: {  	[sflag:s13] =	ssyncset.done $0x0  }
0x47: {  	[sflag:s13] =	ssyncadd.s32 $0xFFFFFFC0  }
0x48: {  	_ =	swait.ge [sflag:s13], $0x40  }
0x49: {  	[sflag:s13] =	ssyncset.done $0x0  }
0x4a: {  	[sflag:s13] =	ssyncadd.s32 $0xFFFFFFC0  }
0x4b: {  	_ =	swait.ge [sflag:s13], $0x40  }
0x4c: {  	[sflag:s13] =	ssyncset.done $0x0  }
0x4d: {  	[sflag:s13] =	ssyncadd.s32 $0xFFFFFFC0  }
0x4e: {  	_ =	swait.ge [sflag:s13], $0x40  }
0x4f: {  	[sflag:s13] =	ssyncset.done $0x0  }
0x50: {  	[sflag:s13] =	ssyncadd.s32 $0xFFFFFFC0  }
0x51: {  	_ =	swait.ge [sflag:s13], $0x40  }
0x52: {  	[sflag:s13] =	ssyncset.done $0x0  }
0x53: {  	[sflag:s13] =	ssyncadd.s32 $0xFFFFFFC0  }
0x54: {  	_ =	swait.ge [sflag:s13], $0x40  }
0x55: {  	[sflag:s13] =	ssyncset.done $0x0  }
0x56: {  	[sflag:s13] =	ssyncadd.s32 $0xFFFFFFC0  }
0x57: {  	_ =	swait.ge [sflag:s13], $0x40  }
0x58: {  	[sflag:s13] =	ssyncset.done $0x0  }
0x59: {  	[sflag:s13] =	ssyncadd.s32 $0xFFFFFFC0  }
0x5a: {  	_ =	swait.ge [sflag:s13], $0x40  }
0x5b: {  	[sflag:s13] =	ssyncset.done $0x0  }
0x5c: {  	[sflag:s13] =	ssyncadd.s32 $0xFFFFFFC0  }
0x5d: {  	_ =	swait.ge [sflag:s13], $0x40  }
0x5e: {  	[sflag:s13] =	ssyncset.done $0x0  }
0x5f: {  	s0 =	simm.s32 $0x40;
	[sflag:s13] =	ssyncadd.s32 $0xFFFFFFC0  }
0x60: {  	v11 =	vld [tilespmem:s0+$0xFFFFFFC0];
	_ =	sdelay $0x1  }
0x61: {  	s8 =	simm.s32 $0x0;
	v12 =	vld [tilespmem:s0+$0x0]  }
0x62: {  	v13 =	vadd.s32 s8, v0;
	_ =	sdelay $0x1  }
0x63: {  	v11 =	vmul.u32 $0x14, v11;
	_ =	sdelay $0x1  }
0x64: {  	v11 =	vadd.s32 v12, v11  }
0x65: {  	[tilespmem:v13+s14+$0x0] =	vst.idx.msk $0xffff, v11  }
0x66: {  	v11 =	vld [tilespmem:s0+$0xFFFFFFD0];
	_ =	sdelay $0x1  }
0x67: {  	s1 =	simm.s32 $0xC80;
	v12 =	vld [tilespmem:s0+$0x10]  }
0x68: {  	v13 =	vadd.s32 s1, v0;
	_ =	sdelay $0x1  }
0x69: {  	v11 =	vmul.u32 $0x14, v11;
	_ =	sdelay $0x1  }
0x6a: {  	v11 =	vadd.s32 v12, v11  }
0x6b: {  	[tilespmem:v13+s14+$0x0] =	vst.idx.msk $0xffff, v11  }
0x6c: {  	v11 =	vld [tilespmem:s0+$0xFFFFFFE0];
	_ =	sdelay $0x1  }
0x6d: {  	s31 =	simm.s32 $0x1900;
	v12 =	vld [tilespmem:s0+$0x20]  }
0x6e: {  	v13 =	vadd.s32 s31, v0;
	_ =	sdelay $0x1  }
0x6f: {  	v11 =	vmul.u32 $0x14, v11;
	_ =	sdelay $0x1  }
0x70: {  	v11 =	vadd.s32 v12, v11  }
0x71: {  	[tilespmem:v13+s14+$0x0] =	vst.idx.msk $0xffff, v11  }
0x72: {  	v11 =	vld [tilespmem:s0+$0xFFFFFFF0];
	_ =	sdelay $0x2  }
0x73: {  	v12 =	vld [tilespmem:s0+$0x30]  }
0x74: {  	s2 =	simm.s32 $0x2580  }
0x75: {  	v13 =	vmul.u32 $0x14, v11;
	v11 =	vadd.s32 s2, v0;
	_ =	sdelay $0x2  }
0x76: {  	s1 =	simm.s32 $0x1;
	v12 =	vadd.s32 v12, v13  }
.LBB2_4:
0x77: {  	p1 =	sne.s32 s1, $0xC7  }
0x78: {  	[tilespmem:v11+s14+$0x0] =	vst.idx.msk $0xffff, v12;
	s0 =	sadd.s32 $0x80, s0;
	s2 =	smov.u32 s1;
	s1 =	sadd.s32 $0x1, s1  }
0x79: {  	v11 =	vld [tilespmem:s0+$0xFFFFFFC0];
	_ =	sdelay $0x1  }
0x7a: {  	v12 =	vld [tilespmem:s0+$0x0]  }
0x7b: {  	v13 =	vadd.s32 s2, v0;
	_ =	sdelay $0x1  }
0x7c: {  	v11 =	vmul.u32 $0x14, v11;
	_ =	sdelay $0x1  }
0x7d: {  	v11 =	vadd.s32 v12, v11  }
0x7e: {  	[tilespmem:v13+s14+$0x0] =	vst.idx.msk $0xffff, v11  }
0x7f: {  	v11 =	vld [tilespmem:s0+$0xFFFFFFD0];
	_ =	sdelay $0x1  }
0x80: {  	s3 =	sadd.s32 $0xC80, s2;
	v12 =	vld [tilespmem:s0+$0x10]  }
0x81: {  	v13 =	vadd.s32 s3, v0;
	_ =	sdelay $0x1  }
0x82: {  	v11 =	vmul.u32 $0x14, v11;
	_ =	sdelay $0x1  }
0x83: {  	v11 =	vadd.s32 v12, v11  }
0x84: {  	[tilespmem:v13+s14+$0x0] =	vst.idx.msk $0xffff, v11  }
0x85: {  	v11 =	vld [tilespmem:s0+$0xFFFFFFE0];
	_ =	sdelay $0x1  }
0x86: {  	s3 =	sadd.s32 $0x1900, s2;
	v12 =	vld [tilespmem:s0+$0x20]  }
0x87: {  	v13 =	vadd.s32 s3, v0;
	_ =	sdelay $0x1  }
0x88: {  	v11 =	vmul.u32 $0x14, v11;
	_ =	sdelay $0x1  }
0x89: {  	v11 =	vadd.s32 v12, v11  }
0x8a: {  	[tilespmem:v13+s14+$0x0] =	vst.idx.msk $0xffff, v11  }
0x8b: {  	v12 =	vld [tilespmem:s0+$0xFFFFFFF0]  }
0x8c: {  	v13 =	vld [tilespmem:s0+$0x30]  }
0x8d: {  	s2 =	sadd.s32 $0x2580, s2  }
.Ltmp3:
0x8e: {  	v11 =	vadd.s32 s2, v0;
	(pc) =	sbr.rel @p1 .LBB2_4-.Ltmp3, $3  }
0x8f: {  	_ = 	snop  }
0x90: {  	v12 =	vmul.u32 $0x14, v12;
	_ =	sdelay $0x1  }
0x91: {  	v12 =	vadd.s32 v13, v12  }
0x92: {  	_ =	sdelay $0x3  }
0x93: {  	[tilespmem:v11+s14+$0x0] =	vst.idx.msk $0xffff, v12;
	p1 =	por $0x0, $0x0;
	s9 =	simm.s32 $0x1;
	p2 =	por $0x1, $0x1  }
.LBB2_6:
0x94: {  	s0 =	simm.s32 $0x1;
	[dreg:$0xd] =	wrdreg s9  }
0x95: {  	s2 =	sshrl.u32 s8, $0x1;
	s25 =	sshrl.u32 s9, $0x1;
	s11 =	rddreg [dreg:$0x9]  }
0x96: {  	s10 =	simm.s32 $0x1;
	s26 =	rddreg [dreg:$0x8];
	s30 =	sadd.s32 $0x1, s8  }
0x97: {  	p3 =	seq.s32 s8, $0x7;
	s0 =	simm.s32 @!p1 $0x0;
	s3 =	smul.u32 $0x64000, s2  }
0x98: {  	s9 =	sadd.s32 s25, s11;
	s10 =	simm.s32 @!p2 $0x0;
	s1 =	smul.u32 $0xC800, s0  }
0x99: {  	s2 =	sadd.s32 s2, s11;
	[dreg:$0xc] =	wrdreg s30;
	s7 =	smul.u32 $0x32000, s0  }
0x9a: {  	s9 =	sshll.u32 s9, $0x8;
	s10 =	sshll.u32 s10, $0x6;
	s11 =	smul.u32 $0x320000, s2  }
0x9b: {  	s2 =	sadd.s32 s3, s26;
	s16 =	sor.u32 s10, s9;
	s10 =	smul.u32 $0x190000, s0  }
0x9c: {  	s1 =	sshrl.u32 s1, $0x2;
	s2 =	sadd.s32 s7, s2;
	s12 =	sadd.s32 $0x38000, s16  }
0x9d: {  	s17 =	sadd.s32 $0x30000, s16;
	s7 =	sshrl.u32 s16, $0x3;
	s26 =	sadd.s32 $0x20000, s16  }
0x9e: {  	s0 =	sadd.s32 $0x6700, s1;
	s9 =	sshrl.u32 s12, $0x3;
	s1 =	sadd.s32 s10, s11  }
0x9f: {  	s11 =	sand.u32 $0x1, s8;
	s12 =	sshrl.u32 s17, $0x3;
	s17 =	rddreg [dreg:$0x2]  }
0xa0: {  	s8 =	rddreg [dreg:$0x0];
	s18 =	sshrl.u32 s1, $0x3;
	s24 =	smul.u32 $0xC800, s11  }
0xa1: {  	s25 =	sor.u32 $0x8000, s1;
	s1 =	sor.u32 $0x4000, s1;
	s11 =	sxor.u32 $0x1, s11  }
0xa2: {  	s29 =	sadd.s32 s18, s17;
	s3 =	sshrl.u32 s25, $0x3;
	s18 =	simm.s32 $0xC800  }
0xa3: {  	s1 =	sshrl.u32 s1, $0x3;
	s25 =	sshrl.u32 s24, $0x2;
	s10 =	sadd.s32 s3, s17  }
0xa4: {  	s3 =	sshrl.u32 s26, $0x3;
	s24 =	sadd.s32 $0x6400, s25;
	s26 =	sadd.s32 $0x6480, s25  }
0xa5: {  	[tilespmem:s18], [sflag:$0x2] =	stream.indirect.gather [spmem:s4], $0x80, s24, s15, $0xb8;
	[tilespmem:$0x1D480] =	vst v63  }
0xa6: {  	s25 =	sadd.s32 $0x6500, s25;
	s24 =	sadd.s32 $0x28000, s16;
	s18 =	simm.s32 $0x10800  }
0xa7: {  	[tilespmem:s18], [sflag:$0x3] =	stream.indirect.gather [spmem:s4], $0x80, s26, s15, $0xb8;
	[tilespmem:$0x1D480] =	vst v63  }
0xa8: {  	s24 =	sshrl.u32 s24, $0x3;
	s26 =	sadd.s32 $0x18000, s16;
	s18 =	simm.s32 $0x14800  }
0xa9: {  	[tilespmem:s18], [sflag:$0x4] =	stream.indirect.gather [spmem:s4], $0x80, s25, s15, $0xb8;
	[tilespmem:$0x1D480] =	vst v63  }
.Ltmp4:
0xaa: {  	s16 =	sadd.s32 $0x10000, s16;
	s25 =	sshrl.u32 s26, $0x3;
	(pc) =	sbr.rel .LBB2_7-.Ltmp4, $4  }
0xab: {  	s26 =	sshrl.u32 s30, $0x1;
	s18 =	rddreg [dreg:$0x5];
	s30 =	sshll.u32 s30, $0x6  }
0xac: {  	s28 =	sadd.s32 s18, s26;
	s26 =	smul.u32 $0x3200, s11;
	s30 =	sand.u32 $0x40, s30  }
0xad: {  	s11 =	sadd.s32 s1, s17;
	s1 =	simm.s32 $0xFFFFFF00;
	s31 =	sshll.u32 s28, $0x8  }
0xae: {  	s28 =	sshrl.u32 s16, $0x3;
	s31 =	sor.u32 s30, s31;
	v11 =	vmov s26;
	v12 =	vadd.s32 s26, v0;
	s30 =	simm.s32 $0x18FE  }
.LBB2_17:
0xaf: {  	s16 =	simm.s32 @!p4 $0x8  }
0xb0: {  	_ =	swait.ge @!p4 [sflag:s16], $0x4000  }
0xb1: {  	s17 =	simm.s32 @!p4 $0x14800;
	[sflag:s16] =	ssyncset.done @!p4 $0x0  }
0xb2: {  	s30 =	sadd.s32 $0x8, s30;
	[sflag:s16] =	ssyncadd.s32 @!p4 $0xFFFFC000;
	s16 =	simm.s32 @!p4 $0x80  }
0xb3: {  	[tilespmem:s17], [sflag:$0x4] =	stream.indirect.gather @!p4 [spmem:s4], $0x80, s0, s16, $0xb8;
	[tilespmem:$0x1D480] =	vst v63  }
0xb4: {  	p4 =	sne.s32 s30, $0x19C6  }
.Ltmp5:
0xb5: {  	_ =	swait.ge [sflag:s23], $0x4000;
	(pc) =	sbr.rel @!p4 .LBB2_18-.Ltmp5, $4  }
0xb6: {  	s1 =	sadd.s32 $0x400, s1;
	s8 =	sadd.s32 $0x8000, s8;
	[sflag:s23] =	ssyncset.done $0x0  }
0xb7: {  	s29 =	sadd.s32 $0x2000, s29;
	s10 =	sadd.s32 $0x2000, s10;
	[sflag:s23] =	ssyncadd.s32 $0xFFFFC000  }
0xb8: {  	[hbm4b:s2+s5] =	stream.linear.scatter [tilespmem:s19], [sflag:$0x9], $0x4000, $0x38;
	[tilespmem:$0x1D480] =	vst v63  }
0xb9: {  	s11 =	sadd.s32 $0x2000, s11;
	s0 =	sadd.s32 $0x200, s0;
	s2 =	sadd.s32 $0x2000, s2  }
.LBB2_7:
.Ltmp6:
0xba: {  	(pc) =	sbr.rel @p3 .LBB2_11-.Ltmp6, $1  }
0xbb: {  	_ =	sdelay $0x3  }
0xbc: {  	p4 =	seq.s32 s30, $0x18FE  }
.Ltmp7:
0xbd: {  	_ = 	snop;
	(pc) =	sbr.rel @p4 .LBB2_10-.Ltmp7, $2  }
0xbe: {  	_ =	sdelay $0x2  }
0xbf: {  	s16 =	simm.s32 $0x1  }
0xc0: {  	_ =	swait.ge [sflag:s13], $0x40  }
0xc1: {  	[sflag:s13] =	ssyncset.done $0x0  }
0xc2: {  	[sflag:s13] =	ssyncadd.s32 $0xFFFFFFC0  }
0xc3: {  	_ =	swait.ge [sflag:s13], $0x40  }
0xc4: {  	[sflag:s13] =	ssyncset.done $0x0  }
0xc5: {  	[sflag:s13] =	ssyncadd.s32 $0xFFFFFFC0  }
0xc6: {  	_ =	swait.ge [sflag:s13], $0x40  }
0xc7: {  	[sflag:s13] =	ssyncset.done $0x0  }
0xc8: {  	[sflag:s13] =	ssyncadd.s32 $0xFFFFFFC0  }
0xc9: {  	_ =	swait.ge [sflag:s13], $0x40  }
0xca: {  	[sflag:s13] =	ssyncset.done $0x0  }
0xcb: {  	[sflag:s13] =	ssyncadd.s32 $0xFFFFFFC0  }
0xcc: {  	s16 =	sadd.s32 $0xFFFFE700, s30;
	v13 =	vld [tilespmem:s1+$0x0]  }
0xcd: {  	v14 =	vadd.s32 s16, v0;
	v15 =	vadd.s32 s16, v12  }
0xce: {  	v15 =	vand.u32 $0xFFFFFF80, v15;
	v14 =	vand.u32 $0x7E, v14;
	v16 =	vld [tilespmem:s1+$0x40]  }
0xcf: {  	v14 =	vor.u32 v14, v15;
	_ =	sdelay $0x1  }
0xd0: {  	v13 =	vmul.u32 $0x14, v13;
	_ =	sdelay $0x1  }
0xd1: {  	v13 =	vadd.s32 v16, v13  }
0xd2: {  	[tilespmem:v14+s14+$0x0] =	vst.idx.msk $0xffff, v13  }
0xd3: {  	s18 =	sadd.s32 $0xFFFFF380, s30;
	v13 =	vld [tilespmem:s1+$0x10]  }
0xd4: {  	v15 =	vadd.s32 s18, v12;
	v14 =	vadd.s32 s18, v0  }
0xd5: {  	v15 =	vand.u32 $0x7FFFFF80, v15;
	v61 =	vld [tilespmem:s1+$0x50];
	v14 =	vand.u32 $0x7E, v14  }
0xd6: {  	v14 =	vor.u32 v14, v15;
	_ =	sdelay $0x1  }
0xd7: {  	v13 =	vmul.u32 $0x14, v13;
	_ =	sdelay $0x1  }
0xd8: {  	v13 =	vadd.s32 v61, v13  }
0xd9: {  	[tilespmem:v14+s14+$0x0] =	vst.idx.msk $0xffff, v13  }
0xda: {  	v13 =	vld [tilespmem:s1+$0x20]  }
0xdb: {  	v15 =	vadd.s32 s30, v12;
	v14 =	vadd.s32 s30, v0  }
0xdc: {  	v15 =	vand.u32 $0x7FFFFF80, v15;
	v62 =	vld [tilespmem:s1+$0x60];
	v14 =	vand.u32 $0x7E, v14  }
0xdd: {  	v14 =	vor.u32 v14, v15;
	_ =	sdelay $0x1  }
0xde: {  	v13 =	vmul.u32 $0x14, v13;
	_ =	sdelay $0x1  }
0xdf: {  	v13 =	vadd.s32 v62, v13  }
0xe0: {  	[tilespmem:v14+s14+$0x0] =	vst.idx.msk $0xffff, v13  }
0xe1: {  	s17 =	sadd.s32 $0xC80, s30;
	v13 =	vld [tilespmem:s1+$0x30]  }
0xe2: {  	v15 =	vadd.s32 s17, v12;
	v14 =	vadd.s32 s17, v0  }
0xe3: {  	v15 =	vand.u32 $0x7FFFFF80, v15;
	v63 =	vld [tilespmem:s1+$0x70];
	v14 =	vand.u32 $0x7E, v14  }
0xe4: {  	v14 =	vor.u32 v14, v15;
	_ =	sdelay $0x1  }
0xe5: {  	v13 =	vmul.u32 $0x14, v13;
	_ =	sdelay $0x1  }
0xe6: {  	v13 =	vadd.s32 v63, v13  }
0xe7: {  	[tilespmem:v14+s14+$0x0] =	vst.idx.msk $0xffff, v13  }
0xe8: {  	v13 =	vld [tilespmem:s1+$0x80]  }
0xe9: {  	s16 =	sadd.s32 s26, s30  }
0xea: {  	s17 =	sadd.s32 $0xFFFFE701, s16;
	v14 =	vld [tilespmem:s1+$0xC0]  }
0xeb: {  	v15 =	vadd.s32 s17, v0;
	_ =	sdelay $0x1  }
0xec: {  	v13 =	vmul.u32 $0x14, v13;
	_ =	sdelay $0x1  }
0xed: {  	v13 =	vadd.s32 v14, v13  }
0xee: {  	[tilespmem:v15+s14+$0x0] =	vst.idx.msk $0xffff, v13  }
0xef: {  	v13 =	vld [tilespmem:s1+$0x90];
	_ =	sdelay $0x1  }
0xf0: {  	s18 =	sadd.s32 $0xFFFFF381, s16;
	v14 =	vld [tilespmem:s1+$0xD0]  }
0xf1: {  	v15 =	vadd.s32 s18, v0;
	_ =	sdelay $0x1  }
0xf2: {  	v13 =	vmul.u32 $0x14, v13;
	_ =	sdelay $0x1  }
0xf3: {  	v13 =	vadd.s32 v14, v13  }
0xf4: {  	[tilespmem:v15+s14+$0x0] =	vst.idx.msk $0xffff, v13  }
0xf5: {  	v13 =	vld [tilespmem:s1+$0xA0];
	_ =	sdelay $0x1  }
0xf6: {  	s18 =	sadd.s32 $0x1, s16;
	v14 =	vld [tilespmem:s1+$0xE0]  }
0xf7: {  	v15 =	vadd.s32 s18, v0;
	_ =	sdelay $0x1  }
0xf8: {  	v13 =	vmul.u32 $0x14, v13;
	_ =	sdelay $0x1  }
0xf9: {  	v13 =	vadd.s32 v14, v13  }
0xfa: {  	[tilespmem:v15+s14+$0x0] =	vst.idx.msk $0xffff, v13  }
0xfb: {  	v13 =	vld [tilespmem:s1+$0xB0];
	_ =	sdelay $0x1  }
0xfc: {  	s16 =	sadd.s32 $0xC81, s16;
	v14 =	vld [tilespmem:s1+$0xF0]  }
0xfd: {  	v15 =	vadd.s32 s16, v0;
	_ =	sdelay $0x1  }
0xfe: {  	v13 =	vmul.u32 $0x14, v13;
	_ =	sdelay $0x1  }
0xff: {  	v13 =	vadd.s32 v14, v13  }
0x100: {  	s16 =	sadd.s32 $0xFFFFE703, s30;
	[tilespmem:v15+s14+$0x0] =	vst.idx.msk $0xffff, v13  }
.LBB2_10:
0x101: {  	s17 =	sadd.s32 $0x100, s1;
	s18 =	sadd.s32 s8, s7  }
0x102: {  	[tilespmem:s17], [sflag:$0x1] =	stream.linear.gather [hbm4b:s18+s5], $0x40, $0x38;
	[tilespmem:$0x1D480] =	vst v63  }
0x103: {  	s17 =	sadd.s32 $0x140, s1;
	s18 =	sadd.s32 $0x10, s18  }
0x104: {  	[tilespmem:s17], [sflag:$0x1] =	stream.linear.gather [hbm4b:s18+s5], $0x40, $0x38;
	[tilespmem:$0x1D480] =	vst v63  }
0x105: {  	s18 =	sshll.u32 s16, $0xF  }
0x106: {  	s17 =	sadd.s32 s31, s18;
	s18 =	sshll.u32 s16, $0x7  }
0x107: {  	s17 =	sshrl.u32 s17, $0x3;
	s16 =	sand.u32 $0x3FFFFF80, s18;
	s18 =	rddreg [dreg:$0x0]  }
0x108: {  	s18 =	sadd.s32 s18, s17  }
0x109: {  	[tilespmem:s16], [sflag:$0x1] =	stream.linear.gather [hbm4b:s18+s5], $0x40, $0x38;
	[tilespmem:$0x1D480] =	vst v63  }
0x10a: {  	s18 =	rddreg [dreg:$0x6]  }
0x10b: {  	s16 =	sor.u32 $0x40, s16;
	s17 =	sadd.s32 s17, s18  }
0x10c: {  	[tilespmem:s16], [sflag:$0x1] =	stream.linear.gather [hbm4b:s17+s5], $0x40, $0x38;
	[tilespmem:$0x1D480] =	vst v63  }
.LBB2_11:
0x10d: {  	p4 =	seq.s32 s30, $0x18FE  }
0x10e: {  	s16 =	simm.s32 @!p4 $0x9  }
0x10f: {  	_ =	swait.ge @!p4 [sflag:s16], $0x4000  }
0x110: {  	[sflag:s16] =	ssyncset.done @!p4 $0x0  }
0x111: {  	s17 =	sadd.s32 $0xFFFFFE80, s0;
	[sflag:s16] =	ssyncadd.s32 @!p4 $0xFFFFC000  }
0x112: {  	[tilespmem:s19], [sflag:$0x5] =	stream.indirect.gather [spmem:s4], $0x80, s17, s15, $0xb8;
	[tilespmem:$0x1D480] =	vst v63  }
.Ltmp8:
0x113: {  	_ = 	snop;
	(pc) =	sbr.rel @p3 .LBB2_13-.Ltmp8, $4  }
0x114: {  	_ =	swait.ge [sflag:s20], $0x4000  }
0x115: {  	[sflag:s20] =	ssyncset.done $0x0  }
0x116: {  	s18 =	simm.s32 $0xC800;
	[sflag:s20] =	ssyncadd.s32 $0xFFFFC000  }
0x117: {  	[hbm4b:s29+s5] =	stream.linear.scatter [tilespmem:s18], [sflag:$0x6], $0x4000, $0x38;
	[tilespmem:$0x1D480] =	vst v63  }
0x118: {  	_ =	swait.ge [sflag:s13], $0x40  }
0x119: {  	[sflag:s13] =	ssyncset.done $0x0  }
0x11a: {  	[sflag:s13] =	ssyncadd.s32 $0xFFFFFFC0  }
0x11b: {  	_ =	swait.ge [sflag:s13], $0x40  }
0x11c: {  	[sflag:s13] =	ssyncset.done $0x0  }
0x11d: {  	[sflag:s13] =	ssyncadd.s32 $0xFFFFFFC0  }
0x11e: {  	_ =	swait.ge [sflag:s13], $0x40  }
0x11f: {  	[sflag:s13] =	ssyncset.done $0x0  }
0x120: {  	[sflag:s13] =	ssyncadd.s32 $0xFFFFFFC0  }
0x121: {  	_ =	swait.ge [sflag:s13], $0x40  }
0x122: {  	[sflag:s13] =	ssyncset.done $0x0  }
0x123: {  	[sflag:s13] =	ssyncadd.s32 $0xFFFFFFC0  }
0x124: {  	s16 =	sadd.s32 $0xFFFFE702, s30;
	v13 =	vld [tilespmem:s1+$0x100]  }
0x125: {  	v14 =	vadd.s32 s16, v0;
	v15 =	vadd.s32 s16, v12  }
0x126: {  	v15 =	vand.u32 $0xFFFFFF80, v15;
	v14 =	vand.u32 $0x7C, v14;
	v16 =	vld [tilespmem:s1+$0x140]  }
0x127: {  	v14 =	vor.u32 v14, v15;
	_ =	sdelay $0x1  }
0x128: {  	v13 =	vmul.u32 $0x14, v13;
	_ =	sdelay $0x1  }
0x129: {  	v13 =	vadd.s32 v16, v13  }
0x12a: {  	[tilespmem:v14+s14+$0x0] =	vst.idx.msk $0xffff, v13  }
0x12b: {  	s17 =	sadd.s32 $0xFFFFF382, s30;
	v13 =	vld [tilespmem:s1+$0x110]  }
0x12c: {  	v15 =	vadd.s32 s17, v12;
	v14 =	vadd.s32 s17, v0  }
0x12d: {  	v15 =	vand.u32 $0xFFFFFF80, v15;
	v57 =	vld [tilespmem:s1+$0x150];
	v14 =	vand.u32 $0x7C, v14  }
0x12e: {  	v14 =	vor.u32 v14, v15;
	_ =	sdelay $0x1  }
0x12f: {  	v13 =	vmul.u32 $0x14, v13;
	_ =	sdelay $0x1  }
0x130: {  	v13 =	vadd.s32 v57, v13  }
0x131: {  	[tilespmem:v14+s14+$0x0] =	vst.idx.msk $0xffff, v13  }
0x132: {  	s18 =	sadd.s32 $0x2, s30;
	v13 =	vld [tilespmem:s1+$0x120]  }
0x133: {  	v15 =	vadd.s32 s18, v12;
	v14 =	vadd.s32 s18, v0  }
0x134: {  	v15 =	vand.u32 $0xFFFFFF80, v15;
	v58 =	vld [tilespmem:s1+$0x160];
	v14 =	vand.u32 $0x7C, v14  }
0x135: {  	v14 =	vor.u32 v14, v15;
	_ =	sdelay $0x1  }
0x136: {  	v13 =	vmul.u32 $0x14, v13;
	_ =	sdelay $0x1  }
0x137: {  	v13 =	vadd.s32 v58, v13  }
0x138: {  	[tilespmem:v14+s14+$0x0] =	vst.idx.msk $0xffff, v13  }
0x139: {  	s17 =	sadd.s32 $0xC82, s30;
	v13 =	vld [tilespmem:s1+$0x130]  }
0x13a: {  	v15 =	vadd.s32 s17, v12;
	v14 =	vadd.s32 s17, v0  }
0x13b: {  	v15 =	vand.u32 $0xFFFFFF80, v15;
	v59 =	vld [tilespmem:s1+$0x170];
	v14 =	vand.u32 $0x7C, v14  }
0x13c: {  	v14 =	vor.u32 v14, v15;
	_ =	sdelay $0x1  }
0x13d: {  	v13 =	vmul.u32 $0x14, v13;
	_ =	sdelay $0x1  }
0x13e: {  	v13 =	vadd.s32 v59, v13  }
0x13f: {  	[tilespmem:v14+s14+$0x0] =	vst.idx.msk $0xffff, v13  }
0x140: {  	s18 =	sadd.s32 $0xFFFFE703, s30;
	v13 =	vld [tilespmem:s1+$0x180]  }
0x141: {  	v15 =	vadd.s32 s18, v12;
	v14 =	vadd.s32 s18, v0  }
0x142: {  	v15 =	vand.u32 $0xFFFFFF80, v15;
	v60 =	vld [tilespmem:s1+$0x1C0];
	v14 =	vand.u32 $0x7D, v14  }
0x143: {  	v14 =	vor.u32 v14, v15;
	_ =	sdelay $0x1  }
0x144: {  	v13 =	vmul.u32 $0x14, v13;
	_ =	sdelay $0x1  }
0x145: {  	v13 =	vadd.s32 v60, v13  }
0x146: {  	[tilespmem:v14+s14+$0x0] =	vst.idx.msk $0xffff, v13  }
0x147: {  	s17 =	sadd.s32 $0xFFFFF383, s30;
	v13 =	vld [tilespmem:s1+$0x190]  }
0x148: {  	v15 =	vadd.s32 s17, v12;
	v14 =	vadd.s32 s17, v0  }
0x149: {  	v15 =	vand.u32 $0xFFFFFF80, v15;
	v61 =	vld [tilespmem:s1+$0x1D0];
	v14 =	vand.u32 $0x7D, v14  }
0x14a: {  	v14 =	vor.u32 v14, v15;
	_ =	sdelay $0x1  }
0x14b: {  	v13 =	vmul.u32 $0x14, v13;
	_ =	sdelay $0x1  }
0x14c: {  	v13 =	vadd.s32 v61, v13  }
0x14d: {  	[tilespmem:v14+s14+$0x0] =	vst.idx.msk $0xffff, v13  }
0x14e: {  	s18 =	sadd.s32 $0x3, s30;
	v13 =	vld [tilespmem:s1+$0x1A0]  }
0x14f: {  	v15 =	vadd.s32 s18, v12;
	v14 =	vadd.s32 s18, v0  }
0x150: {  	v15 =	vand.u32 $0xFFFFFF80, v15;
	v62 =	vld [tilespmem:s1+$0x1E0];
	v14 =	vand.u32 $0x7D, v14  }
0x151: {  	v14 =	vor.u32 v14, v15;
	_ =	sdelay $0x1  }
0x152: {  	v13 =	vmul.u32 $0x14, v13;
	_ =	sdelay $0x1  }
0x153: {  	v13 =	vadd.s32 v62, v13  }
0x154: {  	[tilespmem:v14+s14+$0x0] =	vst.idx.msk $0xffff, v13  }
0x155: {  	s17 =	sadd.s32 $0xC83, s30;
	v13 =	vld [tilespmem:s1+$0x1B0]  }
0x156: {  	v15 =	vadd.s32 s17, v12;
	v14 =	vadd.s32 s17, v0  }
0x157: {  	v15 =	vand.u32 $0xFFFFFF80, v15;
	v63 =	vld [tilespmem:s1+$0x1F0];
	v14 =	vand.u32 $0x7D, v14  }
0x158: {  	v14 =	vor.u32 v14, v15;
	_ =	sdelay $0x1  }
0x159: {  	v13 =	vmul.u32 $0x14, v13;
	_ =	sdelay $0x1  }
0x15a: {  	v13 =	vadd.s32 v63, v13  }
0x15b: {  	s18 =	sadd.s32 $0x200, s1;
	s17 =	sadd.s32 s8, s28;
	[tilespmem:v14+s14+$0x0] =	vst.idx.msk $0xffff, v13  }
0x15c: {  	[tilespmem:s18], [sflag:$0x1] =	stream.linear.gather [hbm4b:s17+s5], $0x40, $0x38;
	[tilespmem:$0x1D480] =	vst v63  }
0x15d: {  	s18 =	sadd.s32 $0x240, s1;
	s17 =	sadd.s32 $0x10, s17  }
0x15e: {  	[tilespmem:s18], [sflag:$0x1] =	stream.linear.gather [hbm4b:s17+s5], $0x40, $0x38;
	[tilespmem:$0x1D480] =	vst v63  }
0x15f: {  	s18 =	sadd.s32 $0x280, s1;
	s17 =	sadd.s32 s8, s25  }
0x160: {  	[tilespmem:s18], [sflag:$0x1] =	stream.linear.gather [hbm4b:s17+s5], $0x40, $0x38;
	[tilespmem:$0x1D480] =	vst v63  }
0x161: {  	s18 =	sadd.s32 $0x2C0, s1;
	s17 =	sadd.s32 $0x10, s17  }
0x162: {  	[tilespmem:s18], [sflag:$0x1] =	stream.linear.gather [hbm4b:s17+s5], $0x40, $0x38;
	[tilespmem:$0x1D480] =	vst v63  }
.LBB2_13:
0x163: {  	p4 =	seq.s32 s30, $0x19BE  }
0x164: {  	s16 =	simm.s32 @!p4 $0x6  }
0x165: {  	_ =	swait.ge @!p4 [sflag:s16], $0x4000  }
0x166: {  	s17 =	sadd.s32 @!p4 $0xFFFFFF00, s0;
	[sflag:s16] =	ssyncset.done @!p4 $0x0  }
0x167: {  	s18 =	simm.s32 @!p4 $0xC800;
	[sflag:s16] =	ssyncadd.s32 @!p4 $0xFFFFC000;
	s16 =	simm.s32 @!p4 $0x80  }
0x168: {  	[tilespmem:s18], [sflag:$0x2] =	stream.indirect.gather @!p4 [spmem:s4], $0x80, s17, s16, $0xb8;
	[tilespmem:$0x1D480] =	vst v63  }
.Ltmp9:
0x169: {  	_ = 	snop;
	(pc) =	sbr.rel @p3 .LBB2_15-.Ltmp9, $4  }
0x16a: {  	_ =	swait.ge [sflag:s21], $0x4000  }
0x16b: {  	[sflag:s21] =	ssyncset.done $0x0  }
0x16c: {  	s18 =	simm.s32 $0x10800;
	[sflag:s21] =	ssyncadd.s32 $0xFFFFC000  }
0x16d: {  	[hbm4b:s11+s5] =	stream.linear.scatter [tilespmem:s18], [sflag:$0x7], $0x4000, $0x38;
	[tilespmem:$0x1D480] =	vst v63  }
0x16e: {  	_ =	swait.ge [sflag:s13], $0x40  }
0x16f: {  	[sflag:s13] =	ssyncset.done $0x0  }
0x170: {  	[sflag:s13] =	ssyncadd.s32 $0xFFFFFFC0  }
0x171: {  	_ =	swait.ge [sflag:s13], $0x40  }
0x172: {  	[sflag:s13] =	ssyncset.done $0x0  }
0x173: {  	[sflag:s13] =	ssyncadd.s32 $0xFFFFFFC0  }
0x174: {  	_ =	swait.ge [sflag:s13], $0x40  }
0x175: {  	[sflag:s13] =	ssyncset.done $0x0  }
0x176: {  	[sflag:s13] =	ssyncadd.s32 $0xFFFFFFC0  }
0x177: {  	_ =	swait.ge [sflag:s13], $0x40  }
0x178: {  	[sflag:s13] =	ssyncset.done $0x0  }
0x179: {  	[sflag:s13] =	ssyncadd.s32 $0xFFFFFFC0  }
0x17a: {  	s17 =	sadd.s32 $0xFFFFE704, s30;
	v13 =	vld [tilespmem:s1+$0x200]  }
0x17b: {  	v14 =	vadd.s32 s17, v0;
	v15 =	vadd.s32 s17, v12  }
0x17c: {  	v15 =	vand.u32 $0xFFFFFF80, v15;
	v14 =	vand.u32 $0x7E, v14;
	v16 =	vld [tilespmem:s1+$0x240]  }
0x17d: {  	v14 =	vor.u32 v14, v15;
	_ =	sdelay $0x1  }
0x17e: {  	v13 =	vmul.u32 $0x14, v13;
	_ =	sdelay $0x1  }
0x17f: {  	v13 =	vadd.s32 v16, v13  }
0x180: {  	[tilespmem:v14+s14+$0x0] =	vst.idx.msk $0xffff, v13  }
0x181: {  	s18 =	sadd.s32 $0xFFFFF384, s30;
	v13 =	vld [tilespmem:s1+$0x210]  }
0x182: {  	v15 =	vadd.s32 s18, v12;
	v14 =	vadd.s32 s18, v0  }
0x183: {  	v15 =	vand.u32 $0xFFFFFF80, v15;
	v61 =	vld [tilespmem:s1+$0x250];
	v14 =	vand.u32 $0x7E, v14  }
0x184: {  	v14 =	vor.u32 v14, v15;
	_ =	sdelay $0x1  }
0x185: {  	v13 =	vmul.u32 $0x14, v13;
	_ =	sdelay $0x1  }
0x186: {  	v13 =	vadd.s32 v61, v13  }
0x187: {  	[tilespmem:v14+s14+$0x0] =	vst.idx.msk $0xffff, v13  }
0x188: {  	s18 =	sadd.s32 $0x4, s30;
	v13 =	vld [tilespmem:s1+$0x220]  }
0x189: {  	v15 =	vadd.s32 s18, v12;
	v14 =	vadd.s32 s18, v0  }
0x18a: {  	v15 =	vand.u32 $0xFFFFFF80, v15;
	v62 =	vld [tilespmem:s1+$0x260];
	v14 =	vand.u32 $0x7E, v14  }
0x18b: {  	v14 =	vor.u32 v14, v15;
	_ =	sdelay $0x1  }
0x18c: {  	v13 =	vmul.u32 $0x14, v13;
	_ =	sdelay $0x1  }
0x18d: {  	v13 =	vadd.s32 v62, v13  }
0x18e: {  	[tilespmem:v14+s14+$0x0] =	vst.idx.msk $0xffff, v13  }
0x18f: {  	s18 =	sadd.s32 $0xC84, s30;
	v13 =	vld [tilespmem:s1+$0x230]  }
0x190: {  	v15 =	vadd.s32 s18, v12;
	v14 =	vadd.s32 s18, v0  }
0x191: {  	v15 =	vand.u32 $0xFFFFFF80, v15;
	v63 =	vld [tilespmem:s1+$0x270];
	v14 =	vand.u32 $0x7E, v14  }
0x192: {  	v14 =	vor.u32 v14, v15;
	_ =	sdelay $0x1  }
0x193: {  	v13 =	vmul.u32 $0x14, v13;
	_ =	sdelay $0x1  }
0x194: {  	v13 =	vadd.s32 v63, v13  }
0x195: {  	[tilespmem:v14+s14+$0x0] =	vst.idx.msk $0xffff, v13  }
0x196: {  	v13 =	vld [tilespmem:s1+$0x280]  }
0x197: {  	s17 =	sadd.s32 s26, s30  }
0x198: {  	s18 =	sadd.s32 $0xFFFFE705, s17;
	v14 =	vld [tilespmem:s1+$0x2C0]  }
0x199: {  	v15 =	vadd.s32 s18, v0;
	_ =	sdelay $0x1  }
0x19a: {  	v13 =	vmul.u32 $0x14, v13;
	_ =	sdelay $0x1  }
0x19b: {  	v13 =	vadd.s32 v14, v13  }
0x19c: {  	[tilespmem:v15+s14+$0x0] =	vst.idx.msk $0xffff, v13  }
0x19d: {  	v13 =	vld [tilespmem:s1+$0x290];
	_ =	sdelay $0x1  }
0x19e: {  	s18 =	sadd.s32 $0xFFFFF385, s17;
	v14 =	vld [tilespmem:s1+$0x2D0]  }
0x19f: {  	v15 =	vadd.s32 s18, v0;
	_ =	sdelay $0x1  }
0x1a0: {  	v13 =	vmul.u32 $0x14, v13;
	_ =	sdelay $0x1  }
0x1a1: {  	v13 =	vadd.s32 v14, v13  }
0x1a2: {  	[tilespmem:v15+s14+$0x0] =	vst.idx.msk $0xffff, v13  }
0x1a3: {  	v13 =	vld [tilespmem:s1+$0x2A0];
	_ =	sdelay $0x1  }
0x1a4: {  	s18 =	sadd.s32 $0x5, s17;
	v14 =	vld [tilespmem:s1+$0x2E0]  }
0x1a5: {  	v15 =	vadd.s32 s18, v0;
	_ =	sdelay $0x1  }
0x1a6: {  	v13 =	vmul.u32 $0x14, v13;
	_ =	sdelay $0x1  }
0x1a7: {  	v13 =	vadd.s32 v14, v13  }
0x1a8: {  	[tilespmem:v15+s14+$0x0] =	vst.idx.msk $0xffff, v13  }
0x1a9: {  	v13 =	vld [tilespmem:s1+$0x2B0];
	_ =	sdelay $0x1  }
0x1aa: {  	s17 =	sadd.s32 $0xC85, s17;
	v14 =	vld [tilespmem:s1+$0x2F0]  }
0x1ab: {  	v15 =	vadd.s32 s17, v0;
	_ =	sdelay $0x1  }
0x1ac: {  	v13 =	vmul.u32 $0x14, v13;
	_ =	sdelay $0x1  }
0x1ad: {  	v13 =	vadd.s32 v14, v13  }
0x1ae: {  	s18 =	sadd.s32 s8, s3;
	s17 =	sadd.s32 $0x300, s1;
	[tilespmem:v15+s14+$0x0] =	vst.idx.msk $0xffff, v13  }
0x1af: {  	[tilespmem:s17], [sflag:$0x1] =	stream.linear.gather [hbm4b:s18+s5], $0x40, $0x38;
	[tilespmem:$0x1D480] =	vst v63  }
0x1b0: {  	s17 =	sadd.s32 $0x340, s1;
	s18 =	sadd.s32 $0x10, s18  }
0x1b1: {  	[tilespmem:s17], [sflag:$0x1] =	stream.linear.gather [hbm4b:s18+s5], $0x40, $0x38;
	[tilespmem:$0x1D480] =	vst v63  }
0x1b2: {  	s17 =	sadd.s32 $0x380, s1;
	s18 =	sadd.s32 s8, s24  }
0x1b3: {  	[tilespmem:s17], [sflag:$0x1] =	stream.linear.gather [hbm4b:s18+s5], $0x40, $0x38;
	[tilespmem:$0x1D480] =	vst v63  }
0x1b4: {  	s17 =	sadd.s32 $0x3C0, s1;
	s18 =	sadd.s32 $0x10, s18  }
0x1b5: {  	[tilespmem:s17], [sflag:$0x1] =	stream.linear.gather [hbm4b:s18+s5], $0x40, $0x38;
	[tilespmem:$0x1D480] =	vst v63  }
.LBB2_15:
0x1b6: {  	s17 =	simm.s32 @!p4 $0x7  }
0x1b7: {  	_ =	swait.ge @!p4 [sflag:s17], $0x4000  }
0x1b8: {  	[sflag:s17] =	ssyncset.done @!p4 $0x0  }
0x1b9: {  	s18 =	simm.s32 @!p4 $0x10800;
	[sflag:s17] =	ssyncadd.s32 @!p4 $0xFFFFC000;
	s17 =	sadd.s32 @!p4 $0xFFFFFF80, s0  }
0x1ba: {  	[tilespmem:s18], [sflag:$0x3] =	stream.indirect.gather @!p4 [spmem:s4], $0x80, s17, s16, $0xb8;
	[tilespmem:$0x1D480] =	vst v63  }
.Ltmp10:
0x1bb: {  	_ = 	snop;
	(pc) =	sbr.rel @p3 .LBB2_17-.Ltmp10, $4  }
0x1bc: {  	_ =	swait.ge [sflag:s22], $0x4000  }
0x1bd: {  	[sflag:s22] =	ssyncset.done $0x0  }
0x1be: {  	s18 =	simm.s32 $0x14800;
	[sflag:s22] =	ssyncadd.s32 $0xFFFFC000  }
0x1bf: {  	[hbm4b:s10+s5] =	stream.linear.scatter [tilespmem:s18], [sflag:$0x8], $0x4000, $0x38;
	[tilespmem:$0x1D480] =	vst v63  }
0x1c0: {  	_ =	swait.ge [sflag:s13], $0x40  }
0x1c1: {  	[sflag:s13] =	ssyncset.done $0x0  }
0x1c2: {  	[sflag:s13] =	ssyncadd.s32 $0xFFFFFFC0  }
0x1c3: {  	_ =	swait.ge [sflag:s13], $0x40  }
0x1c4: {  	[sflag:s13] =	ssyncset.done $0x0  }
0x1c5: {  	[sflag:s13] =	ssyncadd.s32 $0xFFFFFFC0  }
0x1c6: {  	_ =	swait.ge [sflag:s13], $0x40  }
0x1c7: {  	[sflag:s13] =	ssyncset.done $0x0  }
0x1c8: {  	[sflag:s13] =	ssyncadd.s32 $0xFFFFFFC0  }
0x1c9: {  	_ =	swait.ge [sflag:s13], $0x40  }
0x1ca: {  	[sflag:s13] =	ssyncset.done $0x0  }
0x1cb: {  	[sflag:s13] =	ssyncadd.s32 $0xFFFFFFC0  }
0x1cc: {  	s16 =	sadd.s32 $0xFFFFE706, s30;
	v13 =	vld [tilespmem:s1+$0x300]  }
0x1cd: {  	v14 =	vadd.s32 s16, v0;
	v15 =	vadd.s32 s16, v12  }
0x1ce: {  	v15 =	vand.u32 $0xFFFFFF80, v15;
	v14 =	vand.u32 $0x7C, v14;
	v16 =	vld [tilespmem:s1+$0x340]  }
0x1cf: {  	v14 =	vor.u32 v14, v15;
	_ =	sdelay $0x1  }
0x1d0: {  	v13 =	vmul.u32 $0x14, v13;
	_ =	sdelay $0x1  }
0x1d1: {  	v13 =	vadd.s32 v16, v13  }
0x1d2: {  	[tilespmem:v14+s14+$0x0] =	vst.idx.msk $0xffff, v13  }
0x1d3: {  	s17 =	sadd.s32 $0xFFFFF386, s30;
	v13 =	vld [tilespmem:s1+$0x310]  }
0x1d4: {  	v15 =	vadd.s32 s17, v12;
	v14 =	vadd.s32 s17, v0  }
0x1d5: {  	v15 =	vand.u32 $0xFFFFFF80, v15;
	v57 =	vld [tilespmem:s1+$0x350];
	v14 =	vand.u32 $0x7C, v14  }
0x1d6: {  	v14 =	vor.u32 v14, v15;
	_ =	sdelay $0x1  }
0x1d7: {  	v13 =	vmul.u32 $0x14, v13;
	_ =	sdelay $0x1  }
0x1d8: {  	v13 =	vadd.s32 v57, v13  }
0x1d9: {  	[tilespmem:v14+s14+$0x0] =	vst.idx.msk $0xffff, v13  }
0x1da: {  	s18 =	sadd.s32 $0x6, s30;
	v13 =	vld [tilespmem:s1+$0x320]  }
0x1db: {  	v15 =	vadd.s32 s18, v12;
	v14 =	vadd.s32 s18, v0  }
0x1dc: {  	v15 =	vand.u32 $0xFFFFFF80, v15;
	v58 =	vld [tilespmem:s1+$0x360];
	v14 =	vand.u32 $0x7C, v14  }
0x1dd: {  	v14 =	vor.u32 v14, v15;
	_ =	sdelay $0x1  }
0x1de: {  	v13 =	vmul.u32 $0x14, v13;
	_ =	sdelay $0x1  }
0x1df: {  	v13 =	vadd.s32 v58, v13  }
0x1e0: {  	[tilespmem:v14+s14+$0x0] =	vst.idx.msk $0xffff, v13  }
0x1e1: {  	s17 =	sadd.s32 $0xC86, s30;
	v13 =	vld [tilespmem:s1+$0x330]  }
0x1e2: {  	v15 =	vadd.s32 s17, v12;
	v14 =	vadd.s32 s17, v0  }
0x1e3: {  	v15 =	vand.u32 $0xFFFFFF80, v15;
	v59 =	vld [tilespmem:s1+$0x370];
	v14 =	vand.u32 $0x7C, v14  }
0x1e4: {  	v14 =	vor.u32 v14, v15;
	_ =	sdelay $0x1  }
0x1e5: {  	v13 =	vmul.u32 $0x14, v13;
	_ =	sdelay $0x1  }
0x1e6: {  	v13 =	vadd.s32 v59, v13  }
0x1e7: {  	[tilespmem:v14+s14+$0x0] =	vst.idx.msk $0xffff, v13  }
0x1e8: {  	s18 =	sadd.s32 $0xFFFFE707, s30;
	v13 =	vld [tilespmem:s1+$0x380]  }
0x1e9: {  	v15 =	vadd.s32 s18, v12;
	v14 =	vadd.s32 s18, v0  }
0x1ea: {  	v15 =	vand.u32 $0xFFFFFF80, v15;
	v60 =	vld [tilespmem:s1+$0x3C0];
	v14 =	vand.u32 $0x7D, v14  }
0x1eb: {  	v14 =	vor.u32 v14, v15;
	_ =	sdelay $0x1  }
0x1ec: {  	v13 =	vmul.u32 $0x14, v13;
	_ =	sdelay $0x1  }
0x1ed: {  	v13 =	vadd.s32 v60, v13  }
0x1ee: {  	[tilespmem:v14+s14+$0x0] =	vst.idx.msk $0xffff, v13  }
0x1ef: {  	s17 =	sadd.s32 $0xFFFFF387, s30;
	v13 =	vld [tilespmem:s1+$0x390]  }
0x1f0: {  	v15 =	vadd.s32 s17, v12;
	v14 =	vadd.s32 s17, v0  }
0x1f1: {  	v15 =	vand.u32 $0xFFFFFF80, v15;
	v61 =	vld [tilespmem:s1+$0x3D0];
	v14 =	vand.u32 $0x7D, v14  }
0x1f2: {  	v14 =	vor.u32 v14, v15;
	_ =	sdelay $0x1  }
0x1f3: {  	v13 =	vmul.u32 $0x14, v13;
	_ =	sdelay $0x1  }
0x1f4: {  	v13 =	vadd.s32 v61, v13  }
0x1f5: {  	[tilespmem:v14+s14+$0x0] =	vst.idx.msk $0xffff, v13  }
0x1f6: {  	s18 =	sadd.s32 $0x7, s30;
	v13 =	vld [tilespmem:s1+$0x3A0]  }
0x1f7: {  	v15 =	vadd.s32 s18, v12;
	v14 =	vadd.s32 s18, v0  }
0x1f8: {  	v15 =	vand.u32 $0xFFFFFF80, v15;
	v62 =	vld [tilespmem:s1+$0x3E0];
	v14 =	vand.u32 $0x7D, v14  }
0x1f9: {  	v14 =	vor.u32 v14, v15;
	_ =	sdelay $0x1  }
0x1fa: {  	v13 =	vmul.u32 $0x14, v13;
	_ =	sdelay $0x1  }
0x1fb: {  	v13 =	vadd.s32 v62, v13  }
0x1fc: {  	[tilespmem:v14+s14+$0x0] =	vst.idx.msk $0xffff, v13  }
0x1fd: {  	s17 =	sadd.s32 $0xC87, s30;
	v13 =	vld [tilespmem:s1+$0x3B0]  }
0x1fe: {  	v15 =	vadd.s32 s17, v12;
	v14 =	vadd.s32 s17, v0  }
0x1ff: {  	v15 =	vand.u32 $0xFFFFFF80, v15;
	v63 =	vld [tilespmem:s1+$0x3F0];
	v14 =	vand.u32 $0x7D, v14  }
0x200: {  	v14 =	vor.u32 v14, v15;
	_ =	sdelay $0x1  }
0x201: {  	v13 =	vmul.u32 $0x14, v13;
	_ =	sdelay $0x1  }
0x202: {  	v13 =	vadd.s32 v63, v13  }
0x203: {  	s18 =	sadd.s32 $0x400, s1;
	s17 =	sadd.s32 s8, s12;
	[tilespmem:v14+s14+$0x0] =	vst.idx.msk $0xffff, v13  }
0x204: {  	[tilespmem:s18], [sflag:$0x1] =	stream.linear.gather [hbm4b:s17+s5], $0x40, $0x38;
	[tilespmem:$0x1D480] =	vst v63  }
0x205: {  	s18 =	sadd.s32 $0x440, s1;
	s17 =	sadd.s32 $0x10, s17  }
0x206: {  	[tilespmem:s18], [sflag:$0x1] =	stream.linear.gather [hbm4b:s17+s5], $0x40, $0x38;
	[tilespmem:$0x1D480] =	vst v63  }
.Ltmp11:
0x207: {  	_ = 	snop;
	(pc) =	sbr.rel .LBB2_17-.Ltmp11, $4  }
0x208: {  	s18 =	sadd.s32 $0x480, s1;
	s17 =	sadd.s32 s8, s9  }
0x209: {  	[tilespmem:s18], [sflag:$0x1] =	stream.linear.gather [hbm4b:s17+s5], $0x40, $0x38;
	[tilespmem:$0x1D480] =	vst v63  }
0x20a: {  	s18 =	sadd.s32 $0x4C0, s1;
	s17 =	sadd.s32 $0x10, s17  }
0x20b: {  	[tilespmem:s18], [sflag:$0x1] =	stream.linear.gather [hbm4b:s17+s5], $0x40, $0x38;
	[tilespmem:$0x1D480] =	vst v63  }
.LBB2_18:
0x20c: {  	s0 =	simm.s32 $0x6  }
0x20d: {  	_ =	swait.ge [sflag:s0], $0x4000  }
0x20e: {  	[sflag:s0] =	ssyncset.done $0x0  }
0x20f: {  	s29 =	simm.s32 $0x7;
	[sflag:s0] =	ssyncadd.s32 $0xFFFFC000  }
0x210: {  	_ =	swait.ge [sflag:s29], $0x4000  }
0x211: {  	[sflag:s29] =	ssyncset.done $0x0  }
0x212: {  	s30 =	simm.s32 $0x8;
	[sflag:s29] =	ssyncadd.s32 $0xFFFFC000  }
0x213: {  	_ =	swait.ge [sflag:s30], $0x4000  }
.Ltmp12:
0x214: {  	[sflag:s30] =	ssyncset.done $0x0;
	(pc) =	sbr.rel @p3 .LBB2_20-.Ltmp12, $4  }
0x215: {  	s31 =	simm.s32 $0x9;
	[sflag:s30] =	ssyncadd.s32 $0xFFFFC000  }
0x216: {  	_ =	swait.ge [sflag:s31], $0x4000  }
0x217: {  	[sflag:s31] =	ssyncset.done $0x0  }
0x218: {  	[sflag:s31] =	ssyncadd.s32 $0xFFFFC000  }
0x219: {  	_ =	swait.ge [sflag:s13], $0x40  }
0x21a: {  	[sflag:s13] =	ssyncset.done $0x0  }
0x21b: {  	[sflag:s13] =	ssyncadd.s32 $0xFFFFFFC0  }
0x21c: {  	_ =	swait.ge [sflag:s13], $0x40  }
0x21d: {  	[sflag:s13] =	ssyncset.done $0x0  }
0x21e: {  	[sflag:s13] =	ssyncadd.s32 $0xFFFFFFC0  }
0x21f: {  	_ =	swait.ge [sflag:s13], $0x40  }
0x220: {  	[sflag:s13] =	ssyncset.done $0x0  }
0x221: {  	[sflag:s13] =	ssyncadd.s32 $0xFFFFFFC0  }
0x222: {  	_ =	swait.ge [sflag:s13], $0x40  }
0x223: {  	[sflag:s13] =	ssyncset.done $0x0  }
0x224: {  	[sflag:s13] =	ssyncadd.s32 $0xFFFFFFC0  }
0x225: {  	v12 =	vld [tilespmem:$0x6300]  }
0x226: {  	v13 =	vadd.s32 v1, v11  }
0x227: {  	v13 =	vand.u32 $0x7F80, v13;
	v14 =	vld [tilespmem:$0x6340]  }
0x228: {  	v13 =	vor.u32 v2, v13;
	_ =	sdelay $0x1  }
0x229: {  	v12 =	vmul.u32 $0x14, v12;
	_ =	sdelay $0x1  }
0x22a: {  	v12 =	vadd.s32 v14, v12  }
0x22b: {  	[tilespmem:v13+s14+$0x0] =	vst.idx.msk $0xffff, v12  }
0x22c: {  	v12 =	vld [tilespmem:$0x6310]  }
0x22d: {  	v52 =	vadd.s32 v3, v11  }
0x22e: {  	v13 =	vand.u32 $0x7F80, v52;
	v53 =	vld [tilespmem:$0x6350]  }
0x22f: {  	v13 =	vor.u32 v2, v13;
	_ =	sdelay $0x1  }
0x230: {  	v12 =	vmul.u32 $0x14, v12;
	_ =	sdelay $0x1  }
0x231: {  	v12 =	vadd.s32 v53, v12  }
0x232: {  	[tilespmem:v13+s14+$0x0] =	vst.idx.msk $0xffff, v12  }
0x233: {  	v12 =	vld [tilespmem:$0x6320]  }
0x234: {  	v54 =	vadd.s32 v4, v11  }
0x235: {  	v13 =	vand.u32 $0x7F80, v54;
	v55 =	vld [tilespmem:$0x6360]  }
0x236: {  	v13 =	vor.u32 v2, v13;
	_ =	sdelay $0x1  }
0x237: {  	v12 =	vmul.u32 $0x14, v12;
	_ =	sdelay $0x1  }
0x238: {  	v12 =	vadd.s32 v55, v12  }
0x239: {  	[tilespmem:v13+s14+$0x0] =	vst.idx.msk $0xffff, v12  }
0x23a: {  	v12 =	vld [tilespmem:$0x6330]  }
0x23b: {  	v56 =	vadd.s32 v5, v11  }
0x23c: {  	v13 =	vand.u32 $0x7F80, v56;
	v57 =	vld [tilespmem:$0x6370]  }
0x23d: {  	v13 =	vor.u32 v2, v13;
	_ =	sdelay $0x1  }
0x23e: {  	v12 =	vmul.u32 $0x14, v12;
	_ =	sdelay $0x1  }
0x23f: {  	v12 =	vadd.s32 v57, v12  }
0x240: {  	[tilespmem:v13+s14+$0x0] =	vst.idx.msk $0xffff, v12  }
0x241: {  	v12 =	vld [tilespmem:$0x6380]  }
0x242: {  	v58 =	vadd.s32 v6, v11  }
0x243: {  	v13 =	vand.u32 $0x7F80, v58;
	v59 =	vld [tilespmem:$0x63C0]  }
0x244: {  	v13 =	vor.u32 v7, v13;
	_ =	sdelay $0x1  }
0x245: {  	v12 =	vmul.u32 $0x14, v12;
	_ =	sdelay $0x1  }
0x246: {  	v12 =	vadd.s32 v59, v12  }
0x247: {  	[tilespmem:v13+s14+$0x0] =	vst.idx.msk $0xffff, v12  }
0x248: {  	v12 =	vld [tilespmem:$0x6390]  }
0x249: {  	v60 =	vadd.s32 v8, v11  }
0x24a: {  	v13 =	vand.u32 $0x7F80, v60;
	v61 =	vld [tilespmem:$0x63D0]  }
0x24b: {  	v13 =	vor.u32 v7, v13;
	_ =	sdelay $0x1  }
0x24c: {  	v12 =	vmul.u32 $0x14, v12;
	_ =	sdelay $0x1  }
0x24d: {  	v12 =	vadd.s32 v61, v12  }
0x24e: {  	[tilespmem:v13+s14+$0x0] =	vst.idx.msk $0xffff, v12  }
0x24f: {  	v12 =	vld [tilespmem:$0x63A0]  }
0x250: {  	v62 =	vadd.s32 v9, v11  }
0x251: {  	v13 =	vand.u32 $0x7F80, v62;
	v63 =	vld [tilespmem:$0x63E0]  }
0x252: {  	v13 =	vor.u32 v7, v13;
	_ =	sdelay $0x1  }
0x253: {  	v12 =	vmul.u32 $0x14, v12;
	_ =	sdelay $0x1  }
0x254: {  	v12 =	vadd.s32 v63, v12  }
0x255: {  	[tilespmem:v13+s14+$0x0] =	vst.idx.msk $0xffff, v12  }
0x256: {  	v12 =	vld [tilespmem:$0x63B0]  }
0x257: {  	v11 =	vadd.s32 v10, v11  }
0x258: {  	v11 =	vand.u32 $0x7F80, v11;
	v13 =	vld [tilespmem:$0x63F0]  }
0x259: {  	v11 =	vor.u32 v7, v11  }
.Ltmp13:
0x25a: {  	_ = 	snop;
	(pc) =	sbr.rel .LBB2_6-.Ltmp13, $3  }
0x25b: {  	v12 =	vmul.u32 $0x14, v12;
	_ =	sdelay $0x1  }
0x25c: {  	p1 =	por !p1, !p1;
	s9 =	rddreg [dreg:$0xd];
	v12 =	vadd.s32 v13, v12  }
0x25d: {  	p2 =	por !p2, !p2;
	s8 =	rddreg [dreg:$0xc];
	s9 =	sadd.s32 $0x1, s9;
	[tilespmem:v11+s14+$0x0] =	vst.idx.msk $0xffff, v12  }
.LBB2_21:
0x25e: {  	_ =	sfence.sel $0x180000  }
0x25f: {  	[bflag:$0x0] =	sbarrier.arrive $0xFFFF  }
0x260: {  	_ =	strace $0x90000047  }
0x261: {  	[bflag:$0x2] =	sbarrier.arrive $0xFFFF  }
0x262: {  	s0 =	rddreg [dreg:$0x4]  }
0x263: {  	s0 =	sadd.s32 @!p0 $0x100000, s0  }
0x264: {  	[sflag:s0] =	ssyncadd.tile.s32 @!p0 $0x1;
	_ =	shalt  }
.Lfunc_end2:
_tile_overlayer_lowered:
.L_overlay_start_2:
0x265: {  	(tag) =	ssettag $0x2  }
0x266: {  	s0 =	rddreg [dreg:$0x0];
	s2 =	stileid.u32  }
0x267: {  	s1 =	rddreg [dreg:$0x1];
	p0 =	sne.s32 s2, $0x0  }
0x268: {  	s3 =	rddreg [dreg:$0x2];
	[bflag:$0x3] =	sbarrier.arrive $0xFFFF;
	s2 =	simm.s32 @!p0 $0x1C0A  }
0x269: {  	[timem:s3], [sflag:s2] =	dma.local @!p0 [hbm:s0], s1  }
0x26a: {  	s0 =	simm.s32 @!p0 $0xA  }
0x26b: {  	_ =	swait.ge @!p0 [sflag:s0], s1  }
0x26c: {  	s1 =	ssub.s32 @!p0 $0x0, s1;
	[sflag:s0] =	ssyncset.done @!p0 $0x0  }
0x26d: {  	[sflag:s0] =	ssyncadd.s32 @!p0 s1  }
0x26e: {  	[bflag:$0x3] =	sbarrier.arrive $0xFFFF  }
0x26f: {  	_ =	shalt  }

</sc_bundles>
